<compile_context>
chip_gen: v7x
topology: tpu7x:2x2x1
jax: 0.10.2.dev20260603
libtpu: 0.0.44.dev20260713+nightly
codegen_flags: <defaults>
</compile_context>

<pallas_src>
import math

import jax
import jax.numpy as jnp
from jax import lax
from jax.experimental import pallas as pl
from jax.experimental.pallas import tpu as pltpu
from jax.experimental.pallas import tpu_sc as plsc

B, N, D, H = 16, 256, 256, 8
HD = D // H
S = 8
SH = S * H
KC = 6
PROX = 20.0
SCALE = math.sqrt(float(HD))
SPB = 2
L = 16

_DN = (((1,), (1,)), ((), ()))
_DNS = (((1,), (0,)), ((), ()))


def _dot(a, b, dn=_DNS):
    return lax.dot_general(a, b, dn, preferred_element_type=jnp.float32)



def _sc_topk_body(dist_hbm, rank_hbm, d_v, rk_v, tf_v, ti_v):
    wid = lax.axis_index("s") + lax.axis_index("c")

    @pl.when(wid < B)
    def _():
        pltpu.sync_copy(dist_hbm.at[wid], d_v)
        iota16 = jnp.arange(L, dtype=jnp.int32)

        def lane_allmin(x, tmp):
            x = jnp.minimum(x, lax.rev(x, (0,)))
            for sh in (4, 2, 1):
                tmp[...] = x
                x = jnp.minimum(
                    x, plsc.load_gather(tmp, [jnp.bitwise_xor(iota16, sh)]))
            return x

        dv = [d_v[pl.ds(c * L, L)] for c in range(N // L)]
        cand_idx = jnp.zeros((L,), jnp.int32)
        for s in range(KC + 1):
            mn = dv[0]
            for c in range(1, N // L):
                mn = jnp.minimum(mn, dv[c])
            mnv = lane_allmin(mn, tf_v)
            cidx = jnp.full((L,), N, jnp.int32)
            for c in range(N // L):
                cidx = jnp.minimum(
                    cidx,
                    jnp.where(dv[c] == mnv, iota16 + c * L, N))
            best = lane_allmin(cidx, ti_v)
            cand_idx = jnp.where(iota16 == s, best, cand_idx)
            for c in range(N // L):
                dv[c] = jnp.where(iota16 + c * L == best, jnp.inf, dv[c])
        seven = jnp.full((L,), KC + 1, jnp.int32)
        for c in range(N // L):
            rk_v[pl.ds(c * L, L)] = seven
        plsc.store_scatter(rk_v, [cand_idx], iota16, mask=iota16 < KC + 1)
        pltpu.sync_copy(rk_v, rank_hbm.at[wid])


def _sc_topk(dist):
    fn = pl.kernel(
        _sc_topk_body,
        mesh=plsc.VectorSubcoreMesh(core_axis_name="c", subcore_axis_name="s",
                                    num_cores=1),
        compiler_params=pltpu.CompilerParams(needs_layout_passes=False),
        out_type=jax.ShapeDtypeStruct((B, N), jnp.int32),
        scratch_types=[pltpu.VMEM((N,), jnp.float32),
                       pltpu.VMEM((N,), jnp.int32),
                       pltpu.VMEM((L,), jnp.float32),
                       pltpu.VMEM((L,), jnp.int32)],
    )
    return fn(dist)



def _fused_kernel(dist_full_ref, speed_ref, dist_col_ref, mask_col_ref,
                  rank_full_ref, rank_col_ref,
                  tokens_ref, qw2_ref, kw_ref, vw_ref, ow_ref,
                  w1t_ref, b1r_ref, w2_ref, b2r_ref, out_ref):
    pid = pl.program_id(0)

    dist_all = dist_full_ref[...]
    close = jnp.sum((dist_all < PROX).astype(jnp.float32))
    avg_density = close / (B * N)
    avg_speed = jnp.mean(speed_ref[...])
    K_t = (4
           + (avg_speed > 15.0).astype(jnp.int32)
           + (avg_density > 0.5).astype(jnp.int32))
    K_t = jnp.minimum(K_t, KC)

    tok_flat = tokens_ref[...].reshape(SPB * N, D)
    q2_all = _dot(tok_flat, qw2_ref[...], _DN)
    mask_flat = mask_col_ref[...].reshape(SPB * N, 1)
    q_all = jnp.where(mask_flat > 0.0, q2_all[:, D:], q2_all[:, :D])
    dist_flat = dist_col_ref[...].reshape(SPB * N, 1)
    rank_flat = rank_col_ref[...].reshape(SPB * N, 1)

    lane_j_col = lax.broadcasted_iota(jnp.int32, (D, SH), 1)
    d_iota_col = lax.broadcasted_iota(jnp.int32, (D, SH), 0)
    hm = ((d_iota_col // HD) == (lane_j_col % H)).astype(jnp.float32)
    rep = (lax.broadcasted_iota(jnp.int32, (S, SH), 1) // H
           == lax.broadcasted_iota(jnp.int32, (S, SH), 0)
           ).astype(jnp.float32)
    lane_j_row = lax.broadcasted_iota(jnp.int32, (SH, D), 0)
    d_iota_row = lax.broadcasted_iota(jnp.int32, (SH, D), 1)
    hmt = ((d_iota_row // HD) == (lane_j_row % H)).astype(jnp.float32)
    rept = ((lax.broadcasted_iota(jnp.int32, (SH, S), 0) // H)
            == lax.broadcasted_iota(jnp.int32, (SH, S), 1)
            ).astype(jnp.float32)
    g = ((lax.broadcasted_iota(jnp.int32, (SH, SH), 0) % H)
         == (lax.broadcasted_iota(jnp.int32, (SH, SH), 1) % H)
         ).astype(jnp.float32)
    row_s = lax.broadcasted_iota(jnp.int32, (S, N), 0)
    lane_sh = lax.broadcasted_iota(jnp.int32, (N, SH), 1)
    svals = lane_sh // H

    C = D // 4
    T = (KC + 1) * C
    tile64 = (lax.broadcasted_iota(jnp.int32, (C, T), 1) % C
              == lax.broadcasted_iota(jnp.int32, (C, T), 0)
              ).astype(jnp.float32)
    prow = (lax.broadcasted_iota(jnp.int32, (T, C), 0) % C
            == lax.broadcasted_iota(jnp.int32, (T, C), 1)
            ).astype(jnp.float32)
    pcol = (lax.broadcasted_iota(jnp.int32, (H, SH), 1) % H
            == lax.broadcasted_iota(jnp.int32, (H, SH), 0)
            ).astype(jnp.float32)
    blk = (lax.broadcasted_iota(jnp.int32, (T, SH), 0) // C
           == lax.broadcasted_iota(jnp.int32, (T, SH), 1) // H
           ).astype(jnp.float32)
    w2b = _dot(_dot(prow, w2_ref[...], _DN), pcol) * blk
    rep448 = (lax.broadcasted_iota(jnp.int32, (S, T), 1) // C
              == lax.broadcasted_iota(jnp.int32, (S, T), 0)
              ).astype(jnp.float32)
    rb = rep448 * _dot(w1t_ref[1:2, :], tile64)
    b2tile = _dot(b2r_ref[...], pcol)
    a_flat = dist_flat * w1t_ref[0:1, :] + b1r_ref[...]
    a_tiled_flat = _dot(a_flat, tile64)

    lane_ns = lax.broadcasted_iota(jnp.int32, (N, S), 1)

    for sc in range(SPB):
        bg = pid * SPB + sc
        tokens = tok_flat[sc * N:(sc + 1) * N, :]
        q = q_all[sc * N:(sc + 1) * N, :]

        rank_row = rank_full_ref[pl.ds(bg, 1), :]
        r_col = rank_flat[sc * N:(sc + 1) * N, :]
        onehot = ((row_s == rank_row) & (rank_row < KC + 1)
                  ).astype(jnp.float32)
        onehot_t = (lane_ns == r_col).astype(jnp.float32)
        d_row = dist_full_ref[pl.ds(bg, 1), :]

        cand_tok = _dot(onehot, tokens)

        kt = _dot(kw_ref[...], cand_tok, _DN)
        v_cand = _dot(cand_tok, vw_ref[...], _DN)
        khead = _dot(kt, rep) * hm
        vheadt = _dot(rept, v_cand) * hmt

        sf = _dot(q, khead) * (1.0 / SCALE)

        d_cand_row = _dot(d_row, onehot_t)
        b_row = _dot(d_cand_row, rb)
        h1 = jnp.maximum(
            a_tiled_flat[sc * N:(sc + 1) * N, :] + b_row, 0.0)
        bias_all = _dot(h1, w2b) + b2tile

        rank_after_self = svals - (svals > r_col).astype(jnp.int32)
        valid = ((svals != r_col) & (rank_after_self < K_t)
                 & (svals < KC + 1))
        validf = valid.astype(jnp.float32)

        z = jnp.where(valid, sf + bias_all, -1e30)
        m = jnp.max(z, axis=1, keepdims=True)
        e = jnp.exp(z - m) * validf
        denom = _dot(e, g)
        w_all = e / denom

        attn = _dot(w_all, vheadt)
        out_ref[sc] = _dot(attn, ow_ref[...], _DN)


@jax.jit
def kernel(tokens_B, ego_distances, ego_mask, ego_speed, q_w, k_w, v_w,
           ego_q_w, ego_k_w, ego_v_w, out_w, w1, b1, w2, b2):
    del ego_k_w, ego_v_w
    ranks = _sc_topk(ego_distances)
    speed_row = ego_speed.reshape(1, B)
    dist_col = ego_distances.reshape(B, N, 1)
    mask_col = ego_mask.astype(jnp.float32).reshape(B, N, 1)
    rank_col = ranks.reshape(B, N, 1)
    qw2 = jnp.concatenate([q_w, ego_q_w], axis=0)
    w1t = w1.T
    b1r = b1.reshape(1, -1)
    b2r = b2.reshape(1, -1)

    const = lambda b: (0, 0)
    grid_spec = pl.GridSpec(
        grid=(B // SPB,),
        in_specs=[
            pl.BlockSpec((B, N), const),
            pl.BlockSpec((1, B), const),
            pl.BlockSpec((SPB, N, 1), lambda b: (b, 0, 0)),
            pl.BlockSpec((SPB, N, 1), lambda b: (b, 0, 0)),
            pl.BlockSpec((B, N), const),
            pl.BlockSpec((SPB, N, 1), lambda b: (b, 0, 0)),
            pl.BlockSpec((SPB, N, D), lambda b: (b, 0, 0)),
            pl.BlockSpec((2 * D, D), const),
            pl.BlockSpec((D, D), const),
            pl.BlockSpec((D, D), const),
            pl.BlockSpec((D, D), const),
            pl.BlockSpec((2, D // 4), const),
            pl.BlockSpec((1, D // 4), const),
            pl.BlockSpec((H, D // 4), const),
            pl.BlockSpec((1, H), const),
        ],
        out_specs=pl.BlockSpec((SPB, N, D), lambda b: (b, 0, 0)),
    )
    return pl.pallas_call(
        _fused_kernel,
        grid_spec=grid_spec,
        out_shape=jax.ShapeDtypeStruct((B, N, D), jnp.float32),
    )(ego_distances, speed_row, dist_col, mask_col, ranks, rank_col,
      tokens_B, qw2, k_w, v_w, out_w, w1t, b1r, w2, b2r)

# --- scband reference (transcript-rebuilt; emitter-appended) ---
"""Pipeline reference for scband-ego-proximity-agent-attention-78288663872282 (READ-ONLY COPY).

The authoritative reference and input builder live on the scoring server;
editing this copy changes nothing except your own understanding.
"""

import jax, jax.numpy as jnp
import numpy as np


def setup_inputs(seed: int = 0) -> dict:
    key = jax.random.key(seed)
    ks = jax.random.split(key, 16)
    B, N, D, H = 16, 256, 256, 8
    s = 1.0 / np.sqrt(D)
    inp = {}
    inp['tokens_B'] = jax.random.normal(ks[0], (B, N, D), dtype=jnp.float32)
    inp['ego_distances'] = jax.random.uniform(ks[1], (B, N), dtype=jnp.float32)
    inp['ego_mask'] = jax.random.randint(ks[2], (B, N), 0, 2).astype(bool)
    inp['ego_speed'] = jax.random.normal(ks[3], (B,), dtype=jnp.float32)
    inp['q_w'] = jax.random.normal(ks[4], (D, D), dtype=jnp.float32) * s
    inp['k_w'] = jax.random.normal(ks[5], (D, D), dtype=jnp.float32) * s
    inp['v_w'] = jax.random.normal(ks[6], (D, D), dtype=jnp.float32) * s
    inp['ego_q_w'] = jax.random.normal(ks[7], (D, D), dtype=jnp.float32) * s
    inp['ego_k_w'] = jax.random.normal(ks[8], (D, D), dtype=jnp.float32) * s
    inp['ego_v_w'] = jax.random.normal(ks[9], (D, D), dtype=jnp.float32) * s
    inp['out_w'] = jax.random.normal(ks[10], (D, D), dtype=jnp.float32) * (0.02 * s)
    inp['w1'] = jax.random.normal(ks[11], (D // 4, 2), dtype=jnp.float32) * 0.5
    inp['b1'] = jnp.zeros((D // 4,), dtype=jnp.float32)
    inp['w2'] = jax.random.normal(ks[12], (H, D // 4), dtype=jnp.float32) * 0.1
    inp['b2'] = jnp.zeros((H,), dtype=jnp.float32)
    return inp


def reference(tokens_B, ego_distances, ego_mask, ego_speed, q_w, k_w, v_w, ego_q_w, ego_k_w, ego_v_w, out_w, w1, b1, w2, b2):
    B, N, D = tokens_B.shape
    H = 8
    hd = D // H
    scale = np.sqrt(hd)
    K_default, K_max, prox = 4, 6, 20.0
    # _compute_K (no_grad, deterministic)
    close = (ego_distances < prox).astype(jnp.float32).sum(-1)
    density = close / max(N, 1)
    avg_speed = ego_speed.mean()
    avg_density = density.mean()
    K_t = K_default + (avg_speed > 15.0).astype(jnp.int32) + (avg_density > 0.5).astype(jnp.int32)
    K_t = jnp.minimum(K_t, K_max)
    K_t = jnp.minimum(K_t, N - 1)
    Kc = min(K_max, N - 1)
    if Kc <= 0:
        return jnp.zeros_like(tokens_B)
    eye = jnp.eye(N, dtype=bool)
    dist_rank = jnp.where(eye[None, :, :], jnp.inf, jnp.broadcast_to(ego_distances[:, None, :], (B, N, N)))
    _, topk_idx = jax.lax.top_k(-dist_rank, Kc)  # smallest-K distances, self excluded
    neighbors = tokens_B[jnp.arange(B)[:, None, None], topk_idx]  # (B,N,Kc,D)
    is_ego = ego_mask.astype(jnp.float32)[..., None]
    Q = (1.0 - is_ego) * (tokens_B @ q_w.T) + is_ego * (tokens_B @ ego_q_w.T)
    K_mat = neighbors @ k_w.T
    V_mat = neighbors @ v_w.T
    Q = Q.reshape(B, N, H, hd).transpose(0, 2, 1, 3)
    K_mat = K_mat.reshape(B, N, Kc, H, hd).transpose(0, 3, 1, 2, 4)
    V_mat = V_mat.reshape(B, N, Kc, H, hd).transpose(0, 3, 1, 2, 4)
    scores = jnp.einsum('bhnd,bhnkd->bhnk', Q, K_mat) / scale
    d_i = jnp.broadcast_to(ego_distances[:, :, None], (B, N, Kc))
    d_j = jnp.take_along_axis(jnp.broadcast_to(ego_distances[:, None, :], (B, N, N)), topk_idx, axis=2)
    dist_pair = jnp.stack([d_i, d_j], axis=-1)  # (B,N,Kc,2)
    h1 = jax.nn.relu(dist_pair @ w1.T + b1)
    bias = h1 @ w2.T + b2  # (B,N,Kc,H)
    scores = scores + bias.transpose(0, 3, 1, 2)
    valid = jnp.arange(Kc)[None, None, None, :] < K_t
    scores = jnp.where(valid, scores, -jnp.inf)
    attn_weights = jax.nn.softmax(scores, axis=-1)
    attn_out = jnp.einsum('bhnk,bhnkd->bhnd', attn_weights, V_mat)
    attn_out = attn_out.transpose(0, 2, 1, 3).reshape(B, N, D)
    return attn_out @ out_w.T

if __name__ == "__main__":
    import jax
    _d = setup_inputs()
    print(jax.jit(kernel)(*tuple(_d.values())))

</pallas_src>

<mosaic_0001>
#map = affine_map<(d0, d1) -> (0, 0)>
module attributes {stable_mosaic.version = 14 : i64} {
  func.func @_sc_topk_body(%arg0: i32, %arg1: i32, %arg2: memref<16x256xf32, #tpu.memory_space<hbm>>, %arg3: memref<16x256xi32, #tpu.memory_space<hbm>>, %arg4: memref<256xf32, #tpu.memory_space<vmem>>, %arg5: memref<256xi32, #tpu.memory_space<vmem>>, %arg6: memref<16xf32, #tpu.memory_space<vmem>>, %arg7: memref<16xi32, #tpu.memory_space<vmem>>) attributes {dimension_semantics = [#tpu.dimension_semantics<core_parallel>, #tpu.dimension_semantics<subcore_parallel>], iteration_bounds = array<i64: 1, 16>, scalar_prefetch = 0 : i64, scratch_operands = 4 : i64, tpu.core_type = #tpu.core_type<sc_vector_subcore>, window_params = [{transform_indices = #map}, {transform_indices = #map}]} {
    %add3A = arith.addi %arg1, %arg0 : i32
    %lt3A = arith.constant 16 : i32
    %lt3A_0 = arith.cmpi slt, %add3A, %lt3A : i32
    %convert_element_type3A = arith.extui %lt3A_0 : i1 to i32
    %cond3A = arith.constant 0 : i32
    %cond3A_1 = arith.cmpi ne, %convert_element_type3A, %cond3A : i32
    scf.if %cond3A_1 {
      "tpu.region"() ({
        %run_scoped3A = tpu.sem_alloc : memref<!tpu.dma_semaphore, #tpu.memory_space<semaphore_mem>>
        %dma_start3A = arith.constant 0 : i32
        %dma_start3A_2268 = tpu.memref_slice %arg2[%add3A, %dma_start3A] : memref<16x256xf32, #tpu.memory_space<hbm>> -> memref<1x256xf32, #tpu.memory_space<hbm>>
        %dma_start3A_2269 = tpu.memref_squeeze %dma_start3A_2268 : memref<1x256xf32, #tpu.memory_space<hbm>> -> memref<256xf32, #tpu.memory_space<hbm>>
        %dma_start3A_2270 = arith.constant 0 : i32
        %dma_start3A_2271 = tpu.memref_slice %arg2[%add3A, %dma_start3A_2270] : memref<16x256xf32, #tpu.memory_space<hbm>> -> memref<1x256xf32, #tpu.memory_space<hbm>>
        %dma_start3A_2272 = tpu.memref_squeeze %dma_start3A_2271 : memref<1x256xf32, #tpu.memory_space<hbm>> -> memref<256xf32, #tpu.memory_space<hbm>>
        tpu.enqueue_dma source(%dma_start3A_2272 : memref<256xf32, #tpu.memory_space<hbm>>) target(%arg4 : memref<256xf32, #tpu.memory_space<vmem>>) target_semaphore(%run_scoped3A : memref<!tpu.dma_semaphore, #tpu.memory_space<semaphore_mem>>)
        %dma_wait3A = arith.constant 0 : i32
        %dma_wait3A_2273 = tpu.memref_slice %arg2[%add3A, %dma_wait3A] : memref<16x256xf32, #tpu.memory_space<hbm>> -> memref<1x256xf32, #tpu.memory_space<hbm>>
        %dma_wait3A_2274 = tpu.memref_squeeze %dma_wait3A_2273 : memref<1x256xf32, #tpu.memory_space<hbm>> -> memref<256xf32, #tpu.memory_space<hbm>>
        %dma_wait3A_2275 = arith.constant 0 : i32
        %dma_wait3A_2276 = tpu.memref_slice %arg2[%add3A, %dma_wait3A_2275] : memref<16x256xf32, #tpu.memory_space<hbm>> -> memref<1x256xf32, #tpu.memory_space<hbm>>
        %dma_wait3A_2277 = tpu.memref_squeeze %dma_wait3A_2276 : memref<1x256xf32, #tpu.memory_space<hbm>> -> memref<256xf32, #tpu.memory_space<hbm>>
        tpu.wait_dma2 semaphore(%run_scoped3A : memref<!tpu.dma_semaphore, #tpu.memory_space<semaphore_mem>>) src(%dma_wait3A_2277 : memref<256xf32, #tpu.memory_space<hbm>>) dst(%arg4 : memref<256xf32, #tpu.memory_space<vmem>>)
        tpu.yield
      }) : () -> ()
      %iota3A = tpu.iota {dimensions = array<i32: 0>} : vector<16xi32>
      %get3A = arith.constant 0 : index
      %get3A_2 = tpu.vector_load %arg4[%get3A] {strides = array<i32>} : memref<256xf32, #tpu.memory_space<vmem>>, vector<16xf32>,
      %get3A_3 = arith.constant 16 : index
      %get3A_4 = tpu.vector_load %arg4[%get3A_3] {strides = array<i32>} : memref<256xf32, #tpu.memory_space<vmem>>, vector<16xf32>,
      %get3A_5 = arith.constant 32 : index
      %get3A_6 = tpu.vector_load %arg4[%get3A_5] {strides = array<i32>} : memref<256xf32, #tpu.memory_space<vmem>>, vector<16xf32>,
      %get3A_7 = arith.constant 48 : index
      %get3A_8 = tpu.vector_load %arg4[%get3A_7] {strides = array<i32>} : memref<256xf32, #tpu.memory_space<vmem>>, vector<16xf32>,
      %get3A_9 = arith.constant 64 : index
      %get3A_10 = tpu.vector_load %arg4[%get3A_9] {strides = array<i32>} : memref<256xf32, #tpu.memory_space<vmem>>, vector<16xf32>,
      %get3A_11 = arith.constant 80 : index
      %get3A_12 = tpu.vector_load %arg4[%get3A_11] {strides = array<i32>} : memref<256xf32, #tpu.memory_space<vmem>>, vector<16xf32>,
      %get3A_13 = arith.constant 96 : index
      %get3A_14 = tpu.vector_load %arg4[%get3A_13] {strides = array<i32>} : memref<256xf32, #tpu.memory_space<vmem>>, vector<16xf32>,
      %get3A_15 = arith.constant 112 : index
      %get3A_16 = tpu.vector_load %arg4[%get3A_15] {strides = array<i32>} : memref<256xf32, #tpu.memory_space<vmem>>, vector<16xf32>,
      %get3A_17 = arith.constant 128 : index
      %get3A_18 = tpu.vector_load %arg4[%get3A_17] {strides = array<i32>} : memref<256xf32, #tpu.memory_space<vmem>>, vector<16xf32>,
      %get3A_19 = arith.constant 144 : index
      %get3A_20 = tpu.vector_load %arg4[%get3A_19] {strides = array<i32>} : memref<256xf32, #tpu.memory_space<vmem>>, vector<16xf32>,
      %get3A_21 = arith.constant 160 : index
      %get3A_22 = tpu.vector_load %arg4[%get3A_21] {strides = array<i32>} : memref<256xf32, #tpu.memory_space<vmem>>, vector<16xf32>,
      %get3A_23 = arith.constant 176 : index
      %get3A_24 = tpu.vector_load %arg4[%get3A_23] {strides = array<i32>} : memref<256xf32, #tpu.memory_space<vmem>>, vector<16xf32>,
      %get3A_25 = arith.constant 192 : index
      %get3A_26 = tpu.vector_load %arg4[%get3A_25] {strides = array<i32>} : memref<256xf32, #tpu.memory_space<vmem>>, vector<16xf32>,
      %get3A_27 = arith.constant 208 : index
      %get3A_28 = tpu.vector_load %arg4[%get3A_27] {strides = array<i32>} : memref<256xf32, #tpu.memory_space<vmem>>, vector<16xf32>,
      %get3A_29 = arith.constant 224 : index
      %get3A_30 = tpu.vector_load %arg4[%get3A_29] {strides = array<i32>} : memref<256xf32, #tpu.memory_space<vmem>>, vector<16xf32>,
      %get3A_31 = arith.constant 240 : index
      %get3A_32 = tpu.vector_load %arg4[%get3A_31] {strides = array<i32>} : memref<256xf32, #tpu.memory_space<vmem>>, vector<16xf32>,
      %broadcast_in_dim3A = arith.constant 0 : i32
      %broadcast_in_dim3A_33 = vector.broadcast %broadcast_in_dim3A : i32 to vector<16xi32>
      %min3A = arith.minimumf %get3A_2, %get3A_4 : vector<16xf32>
      %min3A_34 = arith.minimumf %min3A, %get3A_6 : vector<16xf32>
      %min3A_35 = arith.minimumf %min3A_34, %get3A_8 : vector<16xf32>
      %min3A_36 = arith.minimumf %min3A_35, %get3A_10 : vector<16xf32>
      %min3A_37 = arith.minimumf %min3A_36, %get3A_12 : vector<16xf32>
      %min3A_38 = arith.minimumf %min3A_37, %get3A_14 : vector<16xf32>
      %min3A_39 = arith.minimumf %min3A_38, %get3A_16 : vector<16xf32>
      %min3A_40 = arith.minimumf %min3A_39, %get3A_18 : vector<16xf32>
      %min3A_41 = arith.minimumf %min3A_40, %get3A_20 : vector<16xf32>
      %min3A_42 = arith.minimumf %min3A_41, %get3A_22 : vector<16xf32>
      %min3A_43 = arith.minimumf %min3A_42, %get3A_24 : vector<16xf32>
      %min3A_44 = arith.minimumf %min3A_43, %get3A_26 : vector<16xf32>
      %min3A_45 = arith.minimumf %min3A_44, %get3A_28 : vector<16xf32>
      %min3A_46 = arith.minimumf %min3A_45, %get3A_30 : vector<16xf32>
      %min3A_47 = arith.minimumf %min3A_46, %get3A_32 : vector<16xf32>
      %rev3A = arith.constant 15 : i32
      %rev3A_48 = vector.broadcast %rev3A : i32 to vector<16xi32>
      %rev3A_49 = tpu.iota {dimensions = array<i32: 0>} : vector<16xi32>
      %rev3A_50 = arith.subi %rev3A_48, %rev3A_49 : vector<16xi32>
      %rev3A_51 = tpu.dynamic_gather %min3A_47[%rev3A_50] in [0] : vector<16xf32>, vector<16xi32> -> vector<16xf32>
      %min3A_52 = arith.minimumf %min3A_47, %rev3A_51 : vector<16xf32>
      %swap3A = arith.constant 0 : index
      %swap3A_53 = tpu.vector_load %arg6[%swap3A] {strides = array<i32>} : memref<16xf32, #tpu.memory_space<vmem>>, vector<16xf32>,
      tpu.vector_store %arg6[%swap3A], %min3A_52 {strides = array<i32>} : memref<16xf32, #tpu.memory_space<vmem>>, vector<16xf32>,
      %xor3A = arith.constant 4 : i32
      %xor3A_54 = vector.broadcast %xor3A : i32 to vector<16xi32>
      %xor3A_55 = arith.xori %iota3A, %xor3A_54 : vector<16xi32>
      %gather3A = tpu.vector_load_idx %arg6[%xor3A_55] : memref<16xf32, #tpu.memory_space<vmem>>[vector<16xi32>], vector<16xf32>,
      %min3A_56 = arith.minimumf %min3A_52, %gather3A : vector<16xf32>
      %swap3A_57 = arith.constant 0 : index
      %swap3A_58 = tpu.vector_load %arg6[%swap3A_57] {strides = array<i32>} : memref<16xf32, #tpu.memory_space<vmem>>, vector<16xf32>,
      tpu.vector_store %arg6[%swap3A_57], %min3A_56 {strides = array<i32>} : memref<16xf32, #tpu.memory_space<vmem>>, vector<16xf32>,
      %xor3A_59 = arith.constant 2 : i32
      %xor3A_60 = vector.broadcast %xor3A_59 : i32 to vector<16xi32>
      %xor3A_61 = arith.xori %iota3A, %xor3A_60 : vector<16xi32>
      %gather3A_62 = tpu.vector_load_idx %arg6[%xor3A_61] : memref<16xf32, #tpu.memory_space<vmem>>[vector<16xi32>], vector<16xf32>,
      %min3A_63 = arith.minimumf %min3A_56, %gather3A_62 : vector<16xf32>
      %swap3A_64 = arith.constant 0 : index
      %swap3A_65 = tpu.vector_load %arg6[%swap3A_64] {strides = array<i32>} : memref<16xf32, #tpu.memory_space<vmem>>, vector<16xf32>,
      tpu.vector_store %arg6[%swap3A_64], %min3A_63 {strides = array<i32>} : memref<16xf32, #tpu.memory_space<vmem>>, vector<16xf32>,
      %xor3A_66 = arith.constant 1 : i32
      %xor3A_67 = vector.broadcast %xor3A_66 : i32 to vector<16xi32>
      %xor3A_68 = arith.xori %iota3A, %xor3A_67 : vector<16xi32>
      %gather3A_69 = tpu.vector_load_idx %arg6[%xor3A_68] : memref<16xf32, #tpu.memory_space<vmem>>[vector<16xi32>], vector<16xf32>,
      %min3A_70 = arith.minimumf %min3A_63, %gather3A_69 : vector<16xf32>
      %broadcast_in_dim3A_71 = arith.constant 256 : i32
      %broadcast_in_dim3A_72 = vector.broadcast %broadcast_in_dim3A_71 : i32 to vector<16xi32>
      %eq3A = arith.cmpf oeq, %get3A_2, %min3A_70 : vector<16xf32>
      %add3A_73 = arith.constant 0 : i32
      %add3A_74 = vector.broadcast %add3A_73 : i32 to vector<16xi32>
      %add3A_75 = arith.addi %iota3A, %add3A_74 : vector<16xi32>
      %jit3A = arith.constant 256 : i32
      %broadcast_in_dim3A_76 = vector.broadcast %jit3A : i32 to vector<16xi32>
      %select_n3A = arith.select %eq3A, %add3A_75, %broadcast_in_dim3A_76 : vector<16xi1>, vector<16xi32>
      %min3A_77 = arith.minsi %broadcast_in_dim3A_72, %select_n3A : vector<16xi32>
      %eq3A_78 = arith.cmpf oeq, %get3A_4, %min3A_70 : vector<16xf32>
      %add3A_79 = arith.constant 16 : i32
      %add3A_80 = vector.broadcast %add3A_79 : i32 to vector<16xi32>
      %add3A_81 = arith.addi %iota3A, %add3A_80 : vector<16xi32>
      %jit3A_82 = arith.constant 256 : i32
      %broadcast_in_dim3A_83 = vector.broadcast %jit3A_82 : i32 to vector<16xi32>
      %select_n3A_84 = arith.select %eq3A_78, %add3A_81, %broadcast_in_dim3A_83 : vector<16xi1>, vector<16xi32>
      %min3A_85 = arith.minsi %min3A_77, %select_n3A_84 : vector<16xi32>
      %eq3A_86 = arith.cmpf oeq, %get3A_6, %min3A_70 : vector<16xf32>
      %add3A_87 = arith.constant 32 : i32
      %add3A_88 = vector.broadcast %add3A_87 : i32 to vector<16xi32>
      %add3A_89 = arith.addi %iota3A, %add3A_88 : vector<16xi32>
      %jit3A_90 = arith.constant 256 : i32
      %broadcast_in_dim3A_91 = vector.broadcast %jit3A_90 : i32 to vector<16xi32>
      %select_n3A_92 = arith.select %eq3A_86, %add3A_89, %broadcast_in_dim3A_91 : vector<16xi1>, vector<16xi32>
      %min3A_93 = arith.minsi %min3A_85, %select_n3A_92 : vector<16xi32>
      %eq3A_94 = arith.cmpf oeq, %get3A_8, %min3A_70 : vector<16xf32>
      %add3A_95 = arith.constant 48 : i32
      %add3A_96 = vector.broadcast %add3A_95 : i32 to vector<16xi32>
      %add3A_97 = arith.addi %iota3A, %add3A_96 : vector<16xi32>
      %jit3A_98 = arith.constant 256 : i32
      %broadcast_in_dim3A_99 = vector.broadcast %jit3A_98 : i32 to vector<16xi32>
      %select_n3A_100 = arith.select %eq3A_94, %add3A_97, %broadcast_in_dim3A_99 : vector<16xi1>, vector<16xi32>
      %min3A_101 = arith.minsi %min3A_93, %select_n3A_100 : vector<16xi32>
      %eq3A_102 = arith.cmpf oeq, %get3A_10, %min3A_70 : vector<16xf32>
      %add3A_103 = arith.constant 64 : i32
      %add3A_104 = vector.broadcast %add3A_103 : i32 to vector<16xi32>
      %add3A_105 = arith.addi %iota3A, %add3A_104 : vector<16xi32>
      %jit3A_106 = arith.constant 256 : i32
      %broadcast_in_dim3A_107 = vector.broadcast %jit3A_106 : i32 to vector<16xi32>
      %select_n3A_108 = arith.select %eq3A_102, %add3A_105, %broadcast_in_dim3A_107 : vector<16xi1>, vector<16xi32>
      %min3A_109 = arith.minsi %min3A_101, %select_n3A_108 : vector<16xi32>
      %eq3A_110 = arith.cmpf oeq, %get3A_12, %min3A_70 : vector<16xf32>
      %add3A_111 = arith.constant 80 : i32
      %add3A_112 = vector.broadcast %add3A_111 : i32 to vector<16xi32>
      %add3A_113 = arith.addi %iota3A, %add3A_112 : vector<16xi32>
      %jit3A_114 = arith.constant 256 : i32
      %broadcast_in_dim3A_115 = vector.broadcast %jit3A_114 : i32 to vector<16xi32>
      %select_n3A_116 = arith.select %eq3A_110, %add3A_113, %broadcast_in_dim3A_115 : vector<16xi1>, vector<16xi32>
      %min3A_117 = arith.minsi %min3A_109, %select_n3A_116 : vector<16xi32>
      %eq3A_118 = arith.cmpf oeq, %get3A_14, %min3A_70 : vector<16xf32>
      %add3A_119 = arith.constant 96 : i32
      %add3A_120 = vector.broadcast %add3A_119 : i32 to vector<16xi32>
      %add3A_121 = arith.addi %iota3A, %add3A_120 : vector<16xi32>
      %jit3A_122 = arith.constant 256 : i32
      %broadcast_in_dim3A_123 = vector.broadcast %jit3A_122 : i32 to vector<16xi32>
      %select_n3A_124 = arith.select %eq3A_118, %add3A_121, %broadcast_in_dim3A_123 : vector<16xi1>, vector<16xi32>
      %min3A_125 = arith.minsi %min3A_117, %select_n3A_124 : vector<16xi32>
      %eq3A_126 = arith.cmpf oeq, %get3A_16, %min3A_70 : vector<16xf32>
      %add3A_127 = arith.constant 112 : i32
      %add3A_128 = vector.broadcast %add3A_127 : i32 to vector<16xi32>
      %add3A_129 = arith.addi %iota3A, %add3A_128 : vector<16xi32>
      %jit3A_130 = arith.constant 256 : i32
      %broadcast_in_dim3A_131 = vector.broadcast %jit3A_130 : i32 to vector<16xi32>
      %select_n3A_132 = arith.select %eq3A_126, %add3A_129, %broadcast_in_dim3A_131 : vector<16xi1>, vector<16xi32>
      %min3A_133 = arith.minsi %min3A_125, %select_n3A_132 : vector<16xi32>
      %eq3A_134 = arith.cmpf oeq, %get3A_18, %min3A_70 : vector<16xf32>
      %add3A_135 = arith.constant 128 : i32
      %add3A_136 = vector.broadcast %add3A_135 : i32 to vector<16xi32>
      %add3A_137 = arith.addi %iota3A, %add3A_136 : vector<16xi32>
      %jit3A_138 = arith.constant 256 : i32
      %broadcast_in_dim3A_139 = vector.broadcast %jit3A_138 : i32 to vector<16xi32>
      %select_n3A_140 = arith.select %eq3A_134, %add3A_137, %broadcast_in_dim3A_139 : vector<16xi1>, vector<16xi32>
      %min3A_141 = arith.minsi %min3A_133, %select_n3A_140 : vector<16xi32>
      %eq3A_142 = arith.cmpf oeq, %get3A_20, %min3A_70 : vector<16xf32>
      %add3A_143 = arith.constant 144 : i32
      %add3A_144 = vector.broadcast %add3A_143 : i32 to vector<16xi32>
      %add3A_145 = arith.addi %iota3A, %add3A_144 : vector<16xi32>
      %jit3A_146 = arith.constant 256 : i32
      %broadcast_in_dim3A_147 = vector.broadcast %jit3A_146 : i32 to vector<16xi32>
      %select_n3A_148 = arith.select %eq3A_142, %add3A_145, %broadcast_in_dim3A_147 : vector<16xi1>, vector<16xi32>
      %min3A_149 = arith.minsi %min3A_141, %select_n3A_148 : vector<16xi32>
      %eq3A_150 = arith.cmpf oeq, %get3A_22, %min3A_70 : vector<16xf32>
      %add3A_151 = arith.constant 160 : i32
      %add3A_152 = vector.broadcast %add3A_151 : i32 to vector<16xi32>
      %add3A_153 = arith.addi %iota3A, %add3A_152 : vector<16xi32>
      %jit3A_154 = arith.constant 256 : i32
      %broadcast_in_dim3A_155 = vector.broadcast %jit3A_154 : i32 to vector<16xi32>
      %select_n3A_156 = arith.select %eq3A_150, %add3A_153, %broadcast_in_dim3A_155 : vector<16xi1>, vector<16xi32>
      %min3A_157 = arith.minsi %min3A_149, %select_n3A_156 : vector<16xi32>
      %eq3A_158 = arith.cmpf oeq, %get3A_24, %min3A_70 : vector<16xf32>
      %add3A_159 = arith.constant 176 : i32
      %add3A_160 = vector.broadcast %add3A_159 : i32 to vector<16xi32>
      %add3A_161 = arith.addi %iota3A, %add3A_160 : vector<16xi32>
      %jit3A_162 = arith.constant 256 : i32
      %broadcast_in_dim3A_163 = vector.broadcast %jit3A_162 : i32 to vector<16xi32>
      %select_n3A_164 = arith.select %eq3A_158, %add3A_161, %broadcast_in_dim3A_163 : vector<16xi1>, vector<16xi32>
      %min3A_165 = arith.minsi %min3A_157, %select_n3A_164 : vector<16xi32>
      %eq3A_166 = arith.cmpf oeq, %get3A_26, %min3A_70 : vector<16xf32>
      %add3A_167 = arith.constant 192 : i32
      %add3A_168 = vector.broadcast %add3A_167 : i32 to vector<16xi32>
      %add3A_169 = arith.addi %iota3A, %add3A_168 : vector<16xi32>
      %jit3A_170 = arith.constant 256 : i32
      %broadcast_in_dim3A_171 = vector.broadcast %jit3A_170 : i32 to vector<16xi32>
      %select_n3A_172 = arith.select %eq3A_166, %add3A_169, %broadcast_in_dim3A_171 : vector<16xi1>, vector<16xi32>
      %min3A_173 = arith.minsi %min3A_165, %select_n3A_172 : vector<16xi32>
      %eq3A_174 = arith.cmpf oeq, %get3A_28, %min3A_70 : vector<16xf32>
      %add3A_175 = arith.constant 208 : i32
      %add3A_176 = vector.broadcast %add3A_175 : i32 to vector<16xi32>
      %add3A_177 = arith.addi %iota3A, %add3A_176 : vector<16xi32>
      %jit3A_178 = arith.constant 256 : i32
      %broadcast_in_dim3A_179 = vector.broadcast %jit3A_178 : i32 to vector<16xi32>
      %select_n3A_180 = arith.select %eq3A_174, %add3A_177, %broadcast_in_dim3A_179 : vector<16xi1>, vector<16xi32>
      %min3A_181 = arith.minsi %min3A_173, %select_n3A_180 : vector<16xi32>
      %eq3A_182 = arith.cmpf oeq, %get3A_30, %min3A_70 : vector<16xf32>
      %add3A_183 = arith.constant 224 : i32
      %add3A_184 = vector.broadcast %add3A_183 : i32 to vector<16xi32>
      %add3A_185 = arith.addi %iota3A, %add3A_184 : vector<16xi32>
      %jit3A_186 = arith.constant 256 : i32
      %broadcast_in_dim3A_187 = vector.broadcast %jit3A_186 : i32 to vector<16xi32>
      %select_n3A_188 = arith.select %eq3A_182, %add3A_185, %broadcast_in_dim3A_187 : vector<16xi1>, vector<16xi32>
      %min3A_189 = arith.minsi %min3A_181, %select_n3A_188 : vector<16xi32>
      %eq3A_190 = arith.cmpf oeq, %get3A_32, %min3A_70 : vector<16xf32>
      %add3A_191 = arith.constant 240 : i32
      %add3A_192 = vector.broadcast %add3A_191 : i32 to vector<16xi32>
      %add3A_193 = arith.addi %iota3A, %add3A_192 : vector<16xi32>
      %jit3A_194 = arith.constant 256 : i32
      %broadcast_in_dim3A_195 = vector.broadcast %jit3A_194 : i32 to vector<16xi32>
      %select_n3A_196 = arith.select %eq3A_190, %add3A_193, %broadcast_in_dim3A_195 : vector<16xi1>, vector<16xi32>
      %min3A_197 = arith.minsi %min3A_189, %select_n3A_196 : vector<16xi32>
      %rev3A_198 = arith.constant 15 : i32
      %rev3A_199 = vector.broadcast %rev3A_198 : i32 to vector<16xi32>
      %rev3A_200 = tpu.iota {dimensions = array<i32: 0>} : vector<16xi32>
      %rev3A_201 = arith.subi %rev3A_199, %rev3A_200 : vector<16xi32>
      %rev3A_202 = tpu.dynamic_gather %min3A_197[%rev3A_201] in [0] : vector<16xi32>, vector<16xi32> -> vector<16xi32>
      %min3A_203 = arith.minsi %min3A_197, %rev3A_202 : vector<16xi32>
      %swap3A_204 = arith.constant 0 : index
      %swap3A_205 = tpu.vector_load %arg7[%swap3A_204] {strides = array<i32>} : memref<16xi32, #tpu.memory_space<vmem>>, vector<16xi32>,
      tpu.vector_store %arg7[%swap3A_204], %min3A_203 {strides = array<i32>} : memref<16xi32, #tpu.memory_space<vmem>>, vector<16xi32>,
      %xor3A_206 = arith.constant 4 : i32
      %xor3A_207 = vector.broadcast %xor3A_206 : i32 to vector<16xi32>
      %xor3A_208 = arith.xori %iota3A, %xor3A_207 : vector<16xi32>
      %gather3A_209 = tpu.vector_load_idx %arg7[%xor3A_208] : memref<16xi32, #tpu.memory_space<vmem>>[vector<16xi32>], vector<16xi32>,
      %min3A_210 = arith.minsi %min3A_203, %gather3A_209 : vector<16xi32>
      %swap3A_211 = arith.constant 0 : index
      %swap3A_212 = tpu.vector_load %arg7[%swap3A_211] {strides = array<i32>} : memref<16xi32, #tpu.memory_space<vmem>>, vector<16xi32>,
      tpu.vector_store %arg7[%swap3A_211], %min3A_210 {strides = array<i32>} : memref<16xi32, #tpu.memory_space<vmem>>, vector<16xi32>,
      %xor3A_213 = arith.constant 2 : i32
      %xor3A_214 = vector.broadcast %xor3A_213 : i32 to vector<16xi32>
      %xor3A_215 = arith.xori %iota3A, %xor3A_214 : vector<16xi32>
      %gather3A_216 = tpu.vector_load_idx %arg7[%xor3A_215] : memref<16xi32, #tpu.memory_space<vmem>>[vector<16xi32>], vector<16xi32>,
      %min3A_217 = arith.minsi %min3A_210, %gather3A_216 : vector<16xi32>
      %swap3A_218 = arith.constant 0 : index
      %swap3A_219 = tpu.vector_load %arg7[%swap3A_218] {strides = array<i32>} : memref<16xi32, #tpu.memory_space<vmem>>, vector<16xi32>,
      tpu.vector_store %arg7[%swap3A_218], %min3A_217 {strides = array<i32>} : memref<16xi32, #tpu.memory_space<vmem>>, vector<16xi32>,
      %xor3A_220 = arith.constant 1 : i32
      %xor3A_221 = vector.broadcast %xor3A_220 : i32 to vector<16xi32>
      %xor3A_222 = arith.xori %iota3A, %xor3A_221 : vector<16xi32>
      %gather3A_223 = tpu.vector_load_idx %arg7[%xor3A_222] : memref<16xi32, #tpu.memory_space<vmem>>[vector<16xi32>], vector<16xi32>,
      %min3A_224 = arith.minsi %min3A_217, %gather3A_223 : vector<16xi32>
      %eq3A_225 = arith.constant 0 : i32
      %eq3A_226 = vector.broadcast %eq3A_225 : i32 to vector<16xi32>
      %eq3A_227 = arith.cmpi eq, %iota3A, %eq3A_226 : vector<16xi32>
      %select_n3A_228 = arith.select %eq3A_227, %min3A_224, %broadcast_in_dim3A_33 : vector<16xi1>, vector<16xi32>
      %add3A_229 = arith.constant 0 : i32
      %add3A_230 = vector.broadcast %add3A_229 : i32 to vector<16xi32>
      %add3A_231 = arith.addi %iota3A, %add3A_230 : vector<16xi32>
      %eq3A_232 = arith.cmpi eq, %add3A_231, %min3A_224 : vector<16xi32>
      %jit3A_233 = arith.constant 0x7F800000 : f32
      %broadcast_in_dim3A_234 = vector.broadcast %jit3A_233 : f32 to vector<16xf32>
      %select_n3A_235 = arith.select %eq3A_232, %broadcast_in_dim3A_234, %get3A_2 : vector<16xi1>, vector<16xf32>
      %add3A_236 = arith.constant 16 : i32
      %add3A_237 = vector.broadcast %add3A_236 : i32 to vector<16xi32>
      %add3A_238 = arith.addi %iota3A, %add3A_237 : vector<16xi32>
      %eq3A_239 = arith.cmpi eq, %add3A_238, %min3A_224 : vector<16xi32>
      %jit3A_240 = arith.constant 0x7F800000 : f32
      %broadcast_in_dim3A_241 = vector.broadcast %jit3A_240 : f32 to vector<16xf32>
      %select_n3A_242 = arith.select %eq3A_239, %broadcast_in_dim3A_241, %get3A_4 : vector<16xi1>, vector<16xf32>
      %add3A_243 = arith.constant 32 : i32
      %add3A_244 = vector.broadcast %add3A_243 : i32 to vector<16xi32>
      %add3A_245 = arith.addi %iota3A, %add3A_244 : vector<16xi32>
      %eq3A_246 = arith.cmpi eq, %add3A_245, %min3A_224 : vector<16xi32>
      %jit3A_247 = arith.constant 0x7F800000 : f32
      %broadcast_in_dim3A_248 = vector.broadcast %jit3A_247 : f32 to vector<16xf32>
      %select_n3A_249 = arith.select %eq3A_246, %broadcast_in_dim3A_248, %get3A_6 : vector<16xi1>, vector<16xf32>
      %add3A_250 = arith.constant 48 : i32
      %add3A_251 = vector.broadcast %add3A_250 : i32 to vector<16xi32>
      %add3A_252 = arith.addi %iota3A, %add3A_251 : vector<16xi32>
      %eq3A_253 = arith.cmpi eq, %add3A_252, %min3A_224 : vector<16xi32>
      %jit3A_254 = arith.constant 0x7F800000 : f32
      %broadcast_in_dim3A_255 = vector.broadcast %jit3A_254 : f32 to vector<16xf32>
      %select_n3A_256 = arith.select %eq3A_253, %broadcast_in_dim3A_255, %get3A_8 : vector<16xi1>, vector<16xf32>
      %add3A_257 = arith.constant 64 : i32
      %add3A_258 = vector.broadcast %add3A_257 : i32 to vector<16xi32>
      %add3A_259 = arith.addi %iota3A, %add3A_258 : vector<16xi32>
      %eq3A_260 = arith.cmpi eq, %add3A_259, %min3A_224 : vector<16xi32>
      %jit3A_261 = arith.constant 0x7F800000 : f32
      %broadcast_in_dim3A_262 = vector.broadcast %jit3A_261 : f32 to vector<16xf32>
      %select_n3A_263 = arith.select %eq3A_260, %broadcast_in_dim3A_262, %get3A_10 : vector<16xi1>, vector<16xf32>
      %add3A_264 = arith.constant 80 : i32
      %add3A_265 = vector.broadcast %add3A_264 : i32 to vector<16xi32>
      %add3A_266 = arith.addi %iota3A, %add3A_265 : vector<16xi32>
      %eq3A_267 = arith.cmpi eq, %add3A_266, %min3A_224 : vector<16xi32>
      %jit3A_268 = arith.constant 0x7F800000 : f32
      %broadcast_in_dim3A_269 = vector.broadcast %jit3A_268 : f32 to vector<16xf32>
      %select_n3A_270 = arith.select %eq3A_267, %broadcast_in_dim3A_269, %get3A_12 : vector<16xi1>, vector<16xf32>
      %add3A_271 = arith.constant 96 : i32
      %add3A_272 = vector.broadcast %add3A_271 : i32 to vector<16xi32>
      %add3A_273 = arith.addi %iota3A, %add3A_272 : vector<16xi32>
      %eq3A_274 = arith.cmpi eq, %add3A_273, %min3A_224 : vector<16xi32>
      %jit3A_275 = arith.constant 0x7F800000 : f32
      %broadcast_in_dim3A_276 = vector.broadcast %jit3A_275 : f32 to vector<16xf32>
      %select_n3A_277 = arith.select %eq3A_274, %broadcast_in_dim3A_276, %get3A_14 : vector<16xi1>, vector<16xf32>
      %add3A_278 = arith.constant 112 : i32
      %add3A_279 = vector.broadcast %add3A_278 : i32 to vector<16xi32>
      %add3A_280 = arith.addi %iota3A, %add3A_279 : vector<16xi32>
      %eq3A_281 = arith.cmpi eq, %add3A_280, %min3A_224 : vector<16xi32>
      %jit3A_282 = arith.constant 0x7F800000 : f32
      %broadcast_in_dim3A_283 = vector.broadcast %jit3A_282 : f32 to vector<16xf32>
      %select_n3A_284 = arith.select %eq3A_281, %broadcast_in_dim3A_283, %get3A_16 : vector<16xi1>, vector<16xf32>
      %add3A_285 = arith.constant 128 : i32
      %add3A_286 = vector.broadcast %add3A_285 : i32 to vector<16xi32>
      %add3A_287 = arith.addi %iota3A, %add3A_286 : vector<16xi32>
      %eq3A_288 = arith.cmpi eq, %add3A_287, %min3A_224 : vector<16xi32>
      %jit3A_289 = arith.constant 0x7F800000 : f32
      %broadcast_in_dim3A_290 = vector.broadcast %jit3A_289 : f32 to vector<16xf32>
      %select_n3A_291 = arith.select %eq3A_288, %broadcast_in_dim3A_290, %get3A_18 : vector<16xi1>, vector<16xf32>
      %add3A_292 = arith.constant 144 : i32
      %add3A_293 = vector.broadcast %add3A_292 : i32 to vector<16xi32>
      %add3A_294 = arith.addi %iota3A, %add3A_293 : vector<16xi32>
      %eq3A_295 = arith.cmpi eq, %add3A_294, %min3A_224 : vector<16xi32>
      %jit3A_296 = arith.constant 0x7F800000 : f32
      %broadcast_in_dim3A_297 = vector.broadcast %jit3A_296 : f32 to vector<16xf32>
      %select_n3A_298 = arith.select %eq3A_295, %broadcast_in_dim3A_297, %get3A_20 : vector<16xi1>, vector<16xf32>
      %add3A_299 = arith.constant 160 : i32
      %add3A_300 = vector.broadcast %add3A_299 : i32 to vector<16xi32>
      %add3A_301 = arith.addi %iota3A, %add3A_300 : vector<16xi32>
      %eq3A_302 = arith.cmpi eq, %add3A_301, %min3A_224 : vector<16xi32>
      %jit3A_303 = arith.constant 0x7F800000 : f32
      %broadcast_in_dim3A_304 = vector.broadcast %jit3A_303 : f32 to vector<16xf32>
      %select_n3A_305 = arith.select %eq3A_302, %broadcast_in_dim3A_304, %get3A_22 : vector<16xi1>, vector<16xf32>
      %add3A_306 = arith.constant 176 : i32
      %add3A_307 = vector.broadcast %add3A_306 : i32 to vector<16xi32>
      %add3A_308 = arith.addi %iota3A, %add3A_307 : vector<16xi32>
      %eq3A_309 = arith.cmpi eq, %add3A_308, %min3A_224 : vector<16xi32>
      %jit3A_310 = arith.constant 0x7F800000 : f32
      %broadcast_in_dim3A_311 = vector.broadcast %jit3A_310 : f32 to vector<16xf32>
      %select_n3A_312 = arith.select %eq3A_309, %broadcast_in_dim3A_311, %get3A_24 : vector<16xi1>, vector<16xf32>
      %add3A_313 = arith.constant 192 : i32
      %add3A_314 = vector.broadcast %add3A_313 : i32 to vector<16xi32>
      %add3A_315 = arith.addi %iota3A, %add3A_314 : vector<16xi32>
      %eq3A_316 = arith.cmpi eq, %add3A_315, %min3A_224 : vector<16xi32>
      %jit3A_317 = arith.constant 0x7F800000 : f32
      %broadcast_in_dim3A_318 = vector.broadcast %jit3A_317 : f32 to vector<16xf32>
      %select_n3A_319 = arith.select %eq3A_316, %broadcast_in_dim3A_318, %get3A_26 : vector<16xi1>, vector<16xf32>
      %add3A_320 = arith.constant 208 : i32
      %add3A_321 = vector.broadcast %add3A_320 : i32 to vector<16xi32>
      %add3A_322 = arith.addi %iota3A, %add3A_321 : vector<16xi32>
      %eq3A_323 = arith.cmpi eq, %add3A_322, %min3A_224 : vector<16xi32>
      %jit3A_324 = arith.constant 0x7F800000 : f32
      %broadcast_in_dim3A_325 = vector.broadcast %jit3A_324 : f32 to vector<16xf32>
      %select_n3A_326 = arith.select %eq3A_323, %broadcast_in_dim3A_325, %get3A_28 : vector<16xi1>, vector<16xf32>
      %add3A_327 = arith.constant 224 : i32
      %add3A_328 = vector.broadcast %add3A_327 : i32 to vector<16xi32>
      %add3A_329 = arith.addi %iota3A, %add3A_328 : vector<16xi32>
      %eq3A_330 = arith.cmpi eq, %add3A_329, %min3A_224 : vector<16xi32>
      %jit3A_331 = arith.constant 0x7F800000 : f32
      %broadcast_in_dim3A_332 = vector.broadcast %jit3A_331 : f32 to vector<16xf32>
      %select_n3A_333 = arith.select %eq3A_330, %broadcast_in_dim3A_332, %get3A_30 : vector<16xi1>, vector<16xf32>
      %add3A_334 = arith.constant 240 : i32
      %add3A_335 = vector.broadcast %add3A_334 : i32 to vector<16xi32>
      %add3A_336 = arith.addi %iota3A, %add3A_335 : vector<16xi32>
      %eq3A_337 = arith.cmpi eq, %add3A_336, %min3A_224 : vector<16xi32>
      %jit3A_338 = arith.constant 0x7F800000 : f32
      %broadcast_in_dim3A_339 = vector.broadcast %jit3A_338 : f32 to vector<16xf32>
      %select_n3A_340 = arith.select %eq3A_337, %broadcast_in_dim3A_339, %get3A_32 : vector<16xi1>, vector<16xf32>
      %min3A_341 = arith.minimumf %select_n3A_235, %select_n3A_242 : vector<16xf32>
      %min3A_342 = arith.minimumf %min3A_341, %select_n3A_249 : vector<16xf32>
      %min3A_343 = arith.minimumf %min3A_342, %select_n3A_256 : vector<16xf32>
      %min3A_344 = arith.minimumf %min3A_343, %select_n3A_263 : vector<16xf32>
      %min3A_345 = arith.minimumf %min3A_344, %select_n3A_270 : vector<16xf32>
      %min3A_346 = arith.minimumf %min3A_345, %select_n3A_277 : vector<16xf32>
      %min3A_347 = arith.minimumf %min3A_346, %select_n3A_284 : vector<16xf32>
      %min3A_348 = arith.minimumf %min3A_347, %select_n3A_291 : vector<16xf32>
      %min3A_349 = arith.minimumf %min3A_348, %select_n3A_298 : vector<16xf32>
      %min3A_350 = arith.minimumf %min3A_349, %select_n3A_305 : vector<16xf32>
      %min3A_351 = arith.minimumf %min3A_350, %select_n3A_312 : vector<16xf32>
      %min3A_352 = arith.minimumf %min3A_351, %select_n3A_319 : vector<16xf32>
      %min3A_353 = arith.minimumf %min3A_352, %select_n3A_326 : vector<16xf32>
      %min3A_354 = arith.minimumf %min3A_353, %select_n3A_333 : vector<16xf32>
      %min3A_355 = arith.minimumf %min3A_354, %select_n3A_340 : vector<16xf32>
      %rev3A_356 = arith.constant 15 : i32
      %rev3A_357 = vector.broadcast %rev3A_356 : i32 to vector<16xi32>
      %rev3A_358 = tpu.iota {dimensions = array<i32: 0>} : vector<16xi32>
      %rev3A_359 = arith.subi %rev3A_357, %rev3A_358 : vector<16xi32>
      %rev3A_360 = tpu.dynamic_gather %min3A_355[%rev3A_359] in [0] : vector<16xf32>, vector<16xi32> -> vector<16xf32>
      %min3A_361 = arith.minimumf %min3A_355, %rev3A_360 : vector<16xf32>
      %swap3A_362 = arith.constant 0 : index
      %swap3A_363 = tpu.vector_load %arg6[%swap3A_362] {strides = array<i32>} : memref<16xf32, #tpu.memory_space<vmem>>, vector<16xf32>,
      tpu.vector_store %arg6[%swap3A_362], %min3A_361 {strides = array<i32>} : memref<16xf32, #tpu.memory_space<vmem>>, vector<16xf32>,
      %xor3A_364 = arith.constant 4 : i32
      %xor3A_365 = vector.broadcast %xor3A_364 : i32 to vector<16xi32>
      %xor3A_366 = arith.xori %iota3A, %xor3A_365 : vector<16xi32>
      %gather3A_367 = tpu.vector_load_idx %arg6[%xor3A_366] : memref<16xf32, #tpu.memory_space<vmem>>[vector<16xi32>], vector<16xf32>,
      %min3A_368 = arith.minimumf %min3A_361, %gather3A_367 : vector<16xf32>
      %swap3A_369 = arith.constant 0 : index
      %swap3A_370 = tpu.vector_load %arg6[%swap3A_369] {strides = array<i32>} : memref<16xf32, #tpu.memory_space<vmem>>, vector<16xf32>,
      tpu.vector_store %arg6[%swap3A_369], %min3A_368 {strides = array<i32>} : memref<16xf32, #tpu.memory_space<vmem>>, vector<16xf32>,
      %xor3A_371 = arith.constant 2 : i32
      %xor3A_372 = vector.broadcast %xor3A_371 : i32 to vector<16xi32>
      %xor3A_373 = arith.xori %iota3A, %xor3A_372 : vector<16xi32>
      %gather3A_374 = tpu.vector_load_idx %arg6[%xor3A_373] : memref<16xf32, #tpu.memory_space<vmem>>[vector<16xi32>], vector<16xf32>,
      %min3A_375 = arith.minimumf %min3A_368, %gather3A_374 : vector<16xf32>
      %swap3A_376 = arith.constant 0 : index
      %swap3A_377 = tpu.vector_load %arg6[%swap3A_376] {strides = array<i32>} : memref<16xf32, #tpu.memory_space<vmem>>, vector<16xf32>,
      tpu.vector_store %arg6[%swap3A_376], %min3A_375 {strides = array<i32>} : memref<16xf32, #tpu.memory_space<vmem>>, vector<16xf32>,
      %xor3A_378 = arith.constant 1 : i32
      %xor3A_379 = vector.broadcast %xor3A_378 : i32 to vector<16xi32>
      %xor3A_380 = arith.xori %iota3A, %xor3A_379 : vector<16xi32>
      %gather3A_381 = tpu.vector_load_idx %arg6[%xor3A_380] : memref<16xf32, #tpu.memory_space<vmem>>[vector<16xi32>], vector<16xf32>,
      %min3A_382 = arith.minimumf %min3A_375, %gather3A_381 : vector<16xf32>
      %broadcast_in_dim3A_383 = arith.constant 256 : i32
      %broadcast_in_dim3A_384 = vector.broadcast %broadcast_in_dim3A_383 : i32 to vector<16xi32>
      %eq3A_385 = arith.cmpf oeq, %select_n3A_235, %min3A_382 : vector<16xf32>
      %add3A_386 = arith.constant 0 : i32
      %add3A_387 = vector.broadcast %add3A_386 : i32 to vector<16xi32>
      %add3A_388 = arith.addi %iota3A, %add3A_387 : vector<16xi32>
      %jit3A_389 = arith.constant 256 : i32
      %broadcast_in_dim3A_390 = vector.broadcast %jit3A_389 : i32 to vector<16xi32>
      %select_n3A_391 = arith.select %eq3A_385, %add3A_388, %broadcast_in_dim3A_390 : vector<16xi1>, vector<16xi32>
      %min3A_392 = arith.minsi %broadcast_in_dim3A_384, %select_n3A_391 : vector<16xi32>
      %eq3A_393 = arith.cmpf oeq, %select_n3A_242, %min3A_382 : vector<16xf32>
      %add3A_394 = arith.constant 16 : i32
      %add3A_395 = vector.broadcast %add3A_394 : i32 to vector<16xi32>
      %add3A_396 = arith.addi %iota3A, %add3A_395 : vector<16xi32>
      %jit3A_397 = arith.constant 256 : i32
      %broadcast_in_dim3A_398 = vector.broadcast %jit3A_397 : i32 to vector<16xi32>
      %select_n3A_399 = arith.select %eq3A_393, %add3A_396, %broadcast_in_dim3A_398 : vector<16xi1>, vector<16xi32>
      %min3A_400 = arith.minsi %min3A_392, %select_n3A_399 : vector<16xi32>
      %eq3A_401 = arith.cmpf oeq, %select_n3A_249, %min3A_382 : vector<16xf32>
      %add3A_402 = arith.constant 32 : i32
      %add3A_403 = vector.broadcast %add3A_402 : i32 to vector<16xi32>
      %add3A_404 = arith.addi %iota3A, %add3A_403 : vector<16xi32>
      %jit3A_405 = arith.constant 256 : i32
      %broadcast_in_dim3A_406 = vector.broadcast %jit3A_405 : i32 to vector<16xi32>
      %select_n3A_407 = arith.select %eq3A_401, %add3A_404, %broadcast_in_dim3A_406 : vector<16xi1>, vector<16xi32>
      %min3A_408 = arith.minsi %min3A_400, %select_n3A_407 : vector<16xi32>
      %eq3A_409 = arith.cmpf oeq, %select_n3A_256, %min3A_382 : vector<16xf32>
      %add3A_410 = arith.constant 48 : i32
      %add3A_411 = vector.broadcast %add3A_410 : i32 to vector<16xi32>
      %add3A_412 = arith.addi %iota3A, %add3A_411 : vector<16xi32>
      %jit3A_413 = arith.constant 256 : i32
      %broadcast_in_dim3A_414 = vector.broadcast %jit3A_413 : i32 to vector<16xi32>
      %select_n3A_415 = arith.select %eq3A_409, %add3A_412, %broadcast_in_dim3A_414 : vector<16xi1>, vector<16xi32>
      %min3A_416 = arith.minsi %min3A_408, %select_n3A_415 : vector<16xi32>
      %eq3A_417 = arith.cmpf oeq, %select_n3A_263, %min3A_382 : vector<16xf32>
      %add3A_418 = arith.constant 64 : i32
      %add3A_419 = vector.broadcast %add3A_418 : i32 to vector<16xi32>
      %add3A_420 = arith.addi %iota3A, %add3A_419 : vector<16xi32>
      %jit3A_421 = arith.constant 256 : i32
      %broadcast_in_dim3A_422 = vector.broadcast %jit3A_421 : i32 to vector<16xi32>
      %select_n3A_423 = arith.select %eq3A_417, %add3A_420, %broadcast_in_dim3A_422 : vector<16xi1>, vector<16xi32>
      %min3A_424 = arith.minsi %min3A_416, %select_n3A_423 : vector<16xi32>
      %eq3A_425 = arith.cmpf oeq, %select_n3A_270, %min3A_382 : vector<16xf32>
      %add3A_426 = arith.constant 80 : i32
      %add3A_427 = vector.broadcast %add3A_426 : i32 to vector<16xi32>
      %add3A_428 = arith.addi %iota3A, %add3A_427 : vector<16xi32>
      %jit3A_429 = arith.constant 256 : i32
      %broadcast_in_dim3A_430 = vector.broadcast %jit3A_429 : i32 to vector<16xi32>
      %select_n3A_431 = arith.select %eq3A_425, %add3A_428, %broadcast_in_dim3A_430 : vector<16xi1>, vector<16xi32>
      %min3A_432 = arith.minsi %min3A_424, %select_n3A_431 : vector<16xi32>
      %eq3A_433 = arith.cmpf oeq, %select_n3A_277, %min3A_382 : vector<16xf32>
      %add3A_434 = arith.constant 96 : i32
      %add3A_435 = vector.broadcast %add3A_434 : i32 to vector<16xi32>
      %add3A_436 = arith.addi %iota3A, %add3A_435 : vector<16xi32>
      %jit3A_437 = arith.constant 256 : i32
      %broadcast_in_dim3A_438 = vector.broadcast %jit3A_437 : i32 to vector<16xi32>
      %select_n3A_439 = arith.select %eq3A_433, %add3A_436, %broadcast_in_dim3A_438 : vector<16xi1>, vector<16xi32>
      %min3A_440 = arith.minsi %min3A_432, %select_n3A_439 : vector<16xi32>
      %eq3A_441 = arith.cmpf oeq, %select_n3A_284, %min3A_382 : vector<16xf32>
      %add3A_442 = arith.constant 112 : i32
      %add3A_443 = vector.broadcast %add3A_442 : i32 to vector<16xi32>
      %add3A_444 = arith.addi %iota3A, %add3A_443 : vector<16xi32>
      %jit3A_445 = arith.constant 256 : i32
      %broadcast_in_dim3A_446 = vector.broadcast %jit3A_445 : i32 to vector<16xi32>
      %select_n3A_447 = arith.select %eq3A_441, %add3A_444, %broadcast_in_dim3A_446 : vector<16xi1>, vector<16xi32>
      %min3A_448 = arith.minsi %min3A_440, %select_n3A_447 : vector<16xi32>
      %eq3A_449 = arith.cmpf oeq, %select_n3A_291, %min3A_382 : vector<16xf32>
      %add3A_450 = arith.constant 128 : i32
      %add3A_451 = vector.broadcast %add3A_450 : i32 to vector<16xi32>
      %add3A_452 = arith.addi %iota3A, %add3A_451 : vector<16xi32>
      %jit3A_453 = arith.constant 256 : i32
      %broadcast_in_dim3A_454 = vector.broadcast %jit3A_453 : i32 to vector<16xi32>
      %select_n3A_455 = arith.select %eq3A_449, %add3A_452, %broadcast_in_dim3A_454 : vector<16xi1>, vector<16xi32>
      %min3A_456 = arith.minsi %min3A_448, %select_n3A_455 : vector<16xi32>
      %eq3A_457 = arith.cmpf oeq, %select_n3A_298, %min3A_382 : vector<16xf32>
      %add3A_458 = arith.constant 144 : i32
      %add3A_459 = vector.broadcast %add3A_458 : i32 to vector<16xi32>
      %add3A_460 = arith.addi %iota3A, %add3A_459 : vector<16xi32>
      %jit3A_461 = arith.constant 256 : i32
      %broadcast_in_dim3A_462 = vector.broadcast %jit3A_461 : i32 to vector<16xi32>
      %select_n3A_463 = arith.select %eq3A_457, %add3A_460, %broadcast_in_dim3A_462 : vector<16xi1>, vector<16xi32>
      %min3A_464 = arith.minsi %min3A_456, %select_n3A_463 : vector<16xi32>
      %eq3A_465 = arith.cmpf oeq, %select_n3A_305, %min3A_382 : vector<16xf32>
      %add3A_466 = arith.constant 160 : i32
      %add3A_467 = vector.broadcast %add3A_466 : i32 to vector<16xi32>
      %add3A_468 = arith.addi %iota3A, %add3A_467 : vector<16xi32>
      %jit3A_469 = arith.constant 256 : i32
      %broadcast_in_dim3A_470 = vector.broadcast %jit3A_469 : i32 to vector<16xi32>
      %select_n3A_471 = arith.select %eq3A_465, %add3A_468, %broadcast_in_dim3A_470 : vector<16xi1>, vector<16xi32>
      %min3A_472 = arith.minsi %min3A_464, %select_n3A_471 : vector<16xi32>
      %eq3A_473 = arith.cmpf oeq, %select_n3A_312, %min3A_382 : vector<16xf32>
      %add3A_474 = arith.constant 176 : i32
      %add3A_475 = vector.broadcast %add3A_474 : i32 to vector<16xi32>
      %add3A_476 = arith.addi %iota3A, %add3A_475 : vector<16xi32>
      %jit3A_477 = arith.constant 256 : i32
      %broadcast_in_dim3A_478 = vector.broadcast %jit3A_477 : i32 to vector<16xi32>
      %select_n3A_479 = arith.select %eq3A_473, %add3A_476, %broadcast_in_dim3A_478 : vector<16xi1>, vector<16xi32>
      %min3A_480 = arith.minsi %min3A_472, %select_n3A_479 : vector<16xi32>
      %eq3A_481 = arith.cmpf oeq, %select_n3A_319, %min3A_382 : vector<16xf32>
      %add3A_482 = arith.constant 192 : i32
      %add3A_483 = vector.broadcast %add3A_482 : i32 to vector<16xi32>
      %add3A_484 = arith.addi %iota3A, %add3A_483 : vector<16xi32>
      %jit3A_485 = arith.constant 256 : i32
      %broadcast_in_dim3A_486 = vector.broadcast %jit3A_485 : i32 to vector<16xi32>
      %select_n3A_487 = arith.select %eq3A_481, %add3A_484, %broadcast_in_dim3A_486 : vector<16xi1>, vector<16xi32>
      %min3A_488 = arith.minsi %min3A_480, %select_n3A_487 : vector<16xi32>
      %eq3A_489 = arith.cmpf oeq, %select_n3A_326, %min3A_382 : vector<16xf32>
      %add3A_490 = arith.constant 208 : i32
      %add3A_491 = vector.broadcast %add3A_490 : i32 to vector<16xi32>
      %add3A_492 = arith.addi %iota3A, %add3A_491 : vector<16xi32>
      %jit3A_493 = arith.constant 256 : i32
      %broadcast_in_dim3A_494 = vector.broadcast %jit3A_493 : i32 to vector<16xi32>
      %select_n3A_495 = arith.select %eq3A_489, %add3A_492, %broadcast_in_dim3A_494 : vector<16xi1>, vector<16xi32>
      %min3A_496 = arith.minsi %min3A_488, %select_n3A_495 : vector<16xi32>
      %eq3A_497 = arith.cmpf oeq, %select_n3A_333, %min3A_382 : vector<16xf32>
      %add3A_498 = arith.constant 224 : i32
      %add3A_499 = vector.broadcast %add3A_498 : i32 to vector<16xi32>
      %add3A_500 = arith.addi %iota3A, %add3A_499 : vector<16xi32>
      %jit3A_501 = arith.constant 256 : i32
      %broadcast_in_dim3A_502 = vector.broadcast %jit3A_501 : i32 to vector<16xi32>
      %select_n3A_503 = arith.select %eq3A_497, %add3A_500, %broadcast_in_dim3A_502 : vector<16xi1>, vector<16xi32>
      %min3A_504 = arith.minsi %min3A_496, %select_n3A_503 : vector<16xi32>
      %eq3A_505 = arith.cmpf oeq, %select_n3A_340, %min3A_382 : vector<16xf32>
      %add3A_506 = arith.constant 240 : i32
      %add3A_507 = vector.broadcast %add3A_506 : i32 to vector<16xi32>
      %add3A_508 = arith.addi %iota3A, %add3A_507 : vector<16xi32>
      %jit3A_509 = arith.constant 256 : i32
      %broadcast_in_dim3A_510 = vector.broadcast %jit3A_509 : i32 to vector<16xi32>
      %select_n3A_511 = arith.select %eq3A_505, %add3A_508, %broadcast_in_dim3A_510 : vector<16xi1>, vector<16xi32>
      %min3A_512 = arith.minsi %min3A_504, %select_n3A_511 : vector<16xi32>
      %rev3A_513 = arith.constant 15 : i32
      %rev3A_514 = vector.broadcast %rev3A_513 : i32 to vector<16xi32>
      %rev3A_515 = tpu.iota {dimensions = array<i32: 0>} : vector<16xi32>
      %rev3A_516 = arith.subi %rev3A_514, %rev3A_515 : vector<16xi32>
      %rev3A_517 = tpu.dynamic_gather %min3A_512[%rev3A_516] in [0] : vector<16xi32>, vector<16xi32> -> vector<16xi32>
      %min3A_518 = arith.minsi %min3A_512, %rev3A_517 : vector<16xi32>
      %swap3A_519 = arith.constant 0 : index
      %swap3A_520 = tpu.vector_load %arg7[%swap3A_519] {strides = array<i32>} : memref<16xi32, #tpu.memory_space<vmem>>, vector<16xi32>,
      tpu.vector_store %arg7[%swap3A_519], %min3A_518 {strides = array<i32>} : memref<16xi32, #tpu.memory_space<vmem>>, vector<16xi32>,
      %xor3A_521 = arith.constant 4 : i32
      %xor3A_522 = vector.broadcast %xor3A_521 : i32 to vector<16xi32>
      %xor3A_523 = arith.xori %iota3A, %xor3A_522 : vector<16xi32>
      %gather3A_524 = tpu.vector_load_idx %arg7[%xor3A_523] : memref<16xi32, #tpu.memory_space<vmem>>[vector<16xi32>], vector<16xi32>,
      %min3A_525 = arith.minsi %min3A_518, %gather3A_524 : vector<16xi32>
      %swap3A_526 = arith.constant 0 : index
      %swap3A_527 = tpu.vector_load %arg7[%swap3A_526] {strides = array<i32>} : memref<16xi32, #tpu.memory_space<vmem>>, vector<16xi32>,
      tpu.vector_store %arg7[%swap3A_526], %min3A_525 {strides = array<i32>} : memref<16xi32, #tpu.memory_space<vmem>>, vector<16xi32>,
      %xor3A_528 = arith.constant 2 : i32
      %xor3A_529 = vector.broadcast %xor3A_528 : i32 to vector<16xi32>
      %xor3A_530 = arith.xori %iota3A, %xor3A_529 : vector<16xi32>
      %gather3A_531 = tpu.vector_load_idx %arg7[%xor3A_530] : memref<16xi32, #tpu.memory_space<vmem>>[vector<16xi32>], vector<16xi32>,
      %min3A_532 = arith.minsi %min3A_525, %gather3A_531 : vector<16xi32>
      %swap3A_533 = arith.constant 0 : index
      %swap3A_534 = tpu.vector_load %arg7[%swap3A_533] {strides = array<i32>} : memref<16xi32, #tpu.memory_space<vmem>>, vector<16xi32>,
      tpu.vector_store %arg7[%swap3A_533], %min3A_532 {strides = array<i32>} : memref<16xi32, #tpu.memory_space<vmem>>, vector<16xi32>,
      %xor3A_535 = arith.constant 1 : i32
      %xor3A_536 = vector.broadcast %xor3A_535 : i32 to vector<16xi32>
      %xor3A_537 = arith.xori %iota3A, %xor3A_536 : vector<16xi32>
      %gather3A_538 = tpu.vector_load_idx %arg7[%xor3A_537] : memref<16xi32, #tpu.memory_space<vmem>>[vector<16xi32>], vector<16xi32>,
      %min3A_539 = arith.minsi %min3A_532, %gather3A_538 : vector<16xi32>
      %eq3A_540 = arith.constant 1 : i32
      %eq3A_541 = vector.broadcast %eq3A_540 : i32 to vector<16xi32>
      %eq3A_542 = arith.cmpi eq, %iota3A, %eq3A_541 : vector<16xi32>
      %select_n3A_543 = arith.select %eq3A_542, %min3A_539, %select_n3A_228 : vector<16xi1>, vector<16xi32>
      %add3A_544 = arith.constant 0 : i32
      %add3A_545 = vector.broadcast %add3A_544 : i32 to vector<16xi32>
      %add3A_546 = arith.addi %iota3A, %add3A_545 : vector<16xi32>
      %eq3A_547 = arith.cmpi eq, %add3A_546, %min3A_539 : vector<16xi32>
      %jit3A_548 = arith.constant 0x7F800000 : f32
      %broadcast_in_dim3A_549 = vector.broadcast %jit3A_548 : f32 to vector<16xf32>
      %select_n3A_550 = arith.select %eq3A_547, %broadcast_in_dim3A_549, %select_n3A_235 : vector<16xi1>, vector<16xf32>
      %add3A_551 = arith.constant 16 : i32
      %add3A_552 = vector.broadcast %add3A_551 : i32 to vector<16xi32>
      %add3A_553 = arith.addi %iota3A, %add3A_552 : vector<16xi32>
      %eq3A_554 = arith.cmpi eq, %add3A_553, %min3A_539 : vector<16xi32>
      %jit3A_555 = arith.constant 0x7F800000 : f32
      %broadcast_in_dim3A_556 = vector.broadcast %jit3A_555 : f32 to vector<16xf32>
      %select_n3A_557 = arith.select %eq3A_554, %broadcast_in_dim3A_556, %select_n3A_242 : vector<16xi1>, vector<16xf32>
      %add3A_558 = arith.constant 32 : i32
      %add3A_559 = vector.broadcast %add3A_558 : i32 to vector<16xi32>
      %add3A_560 = arith.addi %iota3A, %add3A_559 : vector<16xi32>
      %eq3A_561 = arith.cmpi eq, %add3A_560, %min3A_539 : vector<16xi32>
      %jit3A_562 = arith.constant 0x7F800000 : f32
      %broadcast_in_dim3A_563 = vector.broadcast %jit3A_562 : f32 to vector<16xf32>
      %select_n3A_564 = arith.select %eq3A_561, %broadcast_in_dim3A_563, %select_n3A_249 : vector<16xi1>, vector<16xf32>
      %add3A_565 = arith.constant 48 : i32
      %add3A_566 = vector.broadcast %add3A_565 : i32 to vector<16xi32>
      %add3A_567 = arith.addi %iota3A, %add3A_566 : vector<16xi32>
      %eq3A_568 = arith.cmpi eq, %add3A_567, %min3A_539 : vector<16xi32>
      %jit3A_569 = arith.constant 0x7F800000 : f32
      %broadcast_in_dim3A_570 = vector.broadcast %jit3A_569 : f32 to vector<16xf32>
      %select_n3A_571 = arith.select %eq3A_568, %broadcast_in_dim3A_570, %select_n3A_256 : vector<16xi1>, vector<16xf32>
      %add3A_572 = arith.constant 64 : i32
      %add3A_573 = vector.broadcast %add3A_572 : i32 to vector<16xi32>
      %add3A_574 = arith.addi %iota3A, %add3A_573 : vector<16xi32>
      %eq3A_575 = arith.cmpi eq, %add3A_574, %min3A_539 : vector<16xi32>
      %jit3A_576 = arith.constant 0x7F800000 : f32
      %broadcast_in_dim3A_577 = vector.broadcast %jit3A_576 : f32 to vector<16xf32>
      %select_n3A_578 = arith.select %eq3A_575, %broadcast_in_dim3A_577, %select_n3A_263 : vector<16xi1>, vector<16xf32>
      %add3A_579 = arith.constant 80 : i32
      %add3A_580 = vector.broadcast %add3A_579 : i32 to vector<16xi32>
      %add3A_581 = arith.addi %iota3A, %add3A_580 : vector<16xi32>
      %eq3A_582 = arith.cmpi eq, %add3A_581, %min3A_539 : vector<16xi32>
      %jit3A_583 = arith.constant 0x7F800000 : f32
      %broadcast_in_dim3A_584 = vector.broadcast %jit3A_583 : f32 to vector<16xf32>
      %select_n3A_585 = arith.select %eq3A_582, %broadcast_in_dim3A_584, %select_n3A_270 : vector<16xi1>, vector<16xf32>
      %add3A_586 = arith.constant 96 : i32
      %add3A_587 = vector.broadcast %add3A_586 : i32 to vector<16xi32>
      %add3A_588 = arith.addi %iota3A, %add3A_587 : vector<16xi32>
      %eq3A_589 = arith.cmpi eq, %add3A_588, %min3A_539 : vector<16xi32>
      %jit3A_590 = arith.constant 0x7F800000 : f32
      %broadcast_in_dim3A_591 = vector.broadcast %jit3A_590 : f32 to vector<16xf32>
      %select_n3A_592 = arith.select %eq3A_589, %broadcast_in_dim3A_591, %select_n3A_277 : vector<16xi1>, vector<16xf32>
      %add3A_593 = arith.constant 112 : i32
      %add3A_594 = vector.broadcast %add3A_593 : i32 to vector<16xi32>
      %add3A_595 = arith.addi %iota3A, %add3A_594 : vector<16xi32>
      %eq3A_596 = arith.cmpi eq, %add3A_595, %min3A_539 : vector<16xi32>
      %jit3A_597 = arith.constant 0x7F800000 : f32
      %broadcast_in_dim3A_598 = vector.broadcast %jit3A_597 : f32 to vector<16xf32>
      %select_n3A_599 = arith.select %eq3A_596, %broadcast_in_dim3A_598, %select_n3A_284 : vector<16xi1>, vector<16xf32>
      %add3A_600 = arith.constant 128 : i32
      %add3A_601 = vector.broadcast %add3A_600 : i32 to vector<16xi32>
      %add3A_602 = arith.addi %iota3A, %add3A_601 : vector<16xi32>
      %eq3A_603 = arith.cmpi eq, %add3A_602, %min3A_539 : vector<16xi32>
      %jit3A_604 = arith.constant 0x7F800000 : f32
      %broadcast_in_dim3A_605 = vector.broadcast %jit3A_604 : f32 to vector<16xf32>
      %select_n3A_606 = arith.select %eq3A_603, %broadcast_in_dim3A_605, %select_n3A_291 : vector<16xi1>, vector<16xf32>
      %add3A_607 = arith.constant 144 : i32
      %add3A_608 = vector.broadcast %add3A_607 : i32 to vector<16xi32>
      %add3A_609 = arith.addi %iota3A, %add3A_608 : vector<16xi32>
      %eq3A_610 = arith.cmpi eq, %add3A_609, %min3A_539 : vector<16xi32>
      %jit3A_611 = arith.constant 0x7F800000 : f32
      %broadcast_in_dim3A_612 = vector.broadcast %jit3A_611 : f32 to vector<16xf32>
      %select_n3A_613 = arith.select %eq3A_610, %broadcast_in_dim3A_612, %select_n3A_298 : vector<16xi1>, vector<16xf32>
      %add3A_614 = arith.constant 160 : i32
      %add3A_615 = vector.broadcast %add3A_614 : i32 to vector<16xi32>
      %add3A_616 = arith.addi %iota3A, %add3A_615 : vector<16xi32>
      %eq3A_617 = arith.cmpi eq, %add3A_616, %min3A_539 : vector<16xi32>
      %jit3A_618 = arith.constant 0x7F800000 : f32
      %broadcast_in_dim3A_619 = vector.broadcast %jit3A_618 : f32 to vector<16xf32>
      %select_n3A_620 = arith.select %eq3A_617, %broadcast_in_dim3A_619, %select_n3A_305 : vector<16xi1>, vector<16xf32>
      %add3A_621 = arith.constant 176 : i32
      %add3A_622 = vector.broadcast %add3A_621 : i32 to vector<16xi32>
      %add3A_623 = arith.addi %iota3A, %add3A_622 : vector<16xi32>
      %eq3A_624 = arith.cmpi eq, %add3A_623, %min3A_539 : vector<16xi32>
      %jit3A_625 = arith.constant 0x7F800000 : f32
      %broadcast_in_dim3A_626 = vector.broadcast %jit3A_625 : f32 to vector<16xf32>
      %select_n3A_627 = arith.select %eq3A_624, %broadcast_in_dim3A_626, %select_n3A_312 : vector<16xi1>, vector<16xf32>
      %add3A_628 = arith.constant 192 : i32
      %add3A_629 = vector.broadcast %add3A_628 : i32 to vector<16xi32>
      %add3A_630 = arith.addi %iota3A, %add3A_629 : vector<16xi32>
      %eq3A_631 = arith.cmpi eq, %add3A_630, %min3A_539 : vector<16xi32>
      %jit3A_632 = arith.constant 0x7F800000 : f32
      %broadcast_in_dim3A_633 = vector.broadcast %jit3A_632 : f32 to vector<16xf32>
      %select_n3A_634 = arith.select %eq3A_631, %broadcast_in_dim3A_633, %select_n3A_319 : vector<16xi1>, vector<16xf32>
      %add3A_635 = arith.constant 208 : i32
      %add3A_636 = vector.broadcast %add3A_635 : i32 to vector<16xi32>
      %add3A_637 = arith.addi %iota3A, %add3A_636 : vector<16xi32>
      %eq3A_638 = arith.cmpi eq, %add3A_637, %min3A_539 : vector<16xi32>
      %jit3A_639 = arith.constant 0x7F800000 : f32
      %broadcast_in_dim3A_640 = vector.broadcast %jit3A_639 : f32 to vector<16xf32>
      %select_n3A_641 = arith.select %eq3A_638, %broadcast_in_dim3A_640, %select_n3A_326 : vector<16xi1>, vector<16xf32>
      %add3A_642 = arith.constant 224 : i32
      %add3A_643 = vector.broadcast %add3A_642 : i32 to vector<16xi32>
      %add3A_644 = arith.addi %iota3A, %add3A_643 : vector<16xi32>
      %eq3A_645 = arith.cmpi eq, %add3A_644, %min3A_539 : vector<16xi32>
      %jit3A_646 = arith.constant 0x7F800000 : f32
      %broadcast_in_dim3A_647 = vector.broadcast %jit3A_646 : f32 to vector<16xf32>
      %select_n3A_648 = arith.select %eq3A_645, %broadcast_in_dim3A_647, %select_n3A_333 : vector<16xi1>, vector<16xf32>
      %add3A_649 = arith.constant 240 : i32
      %add3A_650 = vector.broadcast %add3A_649 : i32 to vector<16xi32>
      %add3A_651 = arith.addi %iota3A, %add3A_650 : vector<16xi32>
      %eq3A_652 = arith.cmpi eq, %add3A_651, %min3A_539 : vector<16xi32>
      %jit3A_653 = arith.constant 0x7F800000 : f32
      %broadcast_in_dim3A_654 = vector.broadcast %jit3A_653 : f32 to vector<16xf32>
      %select_n3A_655 = arith.select %eq3A_652, %broadcast_in_dim3A_654, %select_n3A_340 : vector<16xi1>, vector<16xf32>
      %min3A_656 = arith.minimumf %select_n3A_550, %select_n3A_557 : vector<16xf32>
      %min3A_657 = arith.minimumf %min3A_656, %select_n3A_564 : vector<16xf32>
      %min3A_658 = arith.minimumf %min3A_657, %select_n3A_571 : vector<16xf32>
      %min3A_659 = arith.minimumf %min3A_658, %select_n3A_578 : vector<16xf32>
      %min3A_660 = arith.minimumf %min3A_659, %select_n3A_585 : vector<16xf32>
      %min3A_661 = arith.minimumf %min3A_660, %select_n3A_592 : vector<16xf32>
      %min3A_662 = arith.minimumf %min3A_661, %select_n3A_599 : vector<16xf32>
      %min3A_663 = arith.minimumf %min3A_662, %select_n3A_606 : vector<16xf32>
      %min3A_664 = arith.minimumf %min3A_663, %select_n3A_613 : vector<16xf32>
      %min3A_665 = arith.minimumf %min3A_664, %select_n3A_620 : vector<16xf32>
      %min3A_666 = arith.minimumf %min3A_665, %select_n3A_627 : vector<16xf32>
      %min3A_667 = arith.minimumf %min3A_666, %select_n3A_634 : vector<16xf32>
      %min3A_668 = arith.minimumf %min3A_667, %select_n3A_641 : vector<16xf32>
      %min3A_669 = arith.minimumf %min3A_668, %select_n3A_648 : vector<16xf32>
      %min3A_670 = arith.minimumf %min3A_669, %select_n3A_655 : vector<16xf32>
      %rev3A_671 = arith.constant 15 : i32
      %rev3A_672 = vector.broadcast %rev3A_671 : i32 to vector<16xi32>
      %rev3A_673 = tpu.iota {dimensions = array<i32: 0>} : vector<16xi32>
      %rev3A_674 = arith.subi %rev3A_672, %rev3A_673 : vector<16xi32>
      %rev3A_675 = tpu.dynamic_gather %min3A_670[%rev3A_674] in [0] : vector<16xf32>, vector<16xi32> -> vector<16xf32>
      %min3A_676 = arith.minimumf %min3A_670, %rev3A_675 : vector<16xf32>
      %swap3A_677 = arith.constant 0 : index
      %swap3A_678 = tpu.vector_load %arg6[%swap3A_677] {strides = array<i32>} : memref<16xf32, #tpu.memory_space<vmem>>, vector<16xf32>,
      tpu.vector_store %arg6[%swap3A_677], %min3A_676 {strides = array<i32>} : memref<16xf32, #tpu.memory_space<vmem>>, vector<16xf32>,
      %xor3A_679 = arith.constant 4 : i32
      %xor3A_680 = vector.broadcast %xor3A_679 : i32 to vector<16xi32>
      %xor3A_681 = arith.xori %iota3A, %xor3A_680 : vector<16xi32>
      %gather3A_682 = tpu.vector_load_idx %arg6[%xor3A_681] : memref<16xf32, #tpu.memory_space<vmem>>[vector<16xi32>], vector<16xf32>,
      %min3A_683 = arith.minimumf %min3A_676, %gather3A_682 : vector<16xf32>
      %swap3A_684 = arith.constant 0 : index
      %swap3A_685 = tpu.vector_load %arg6[%swap3A_684] {strides = array<i32>} : memref<16xf32, #tpu.memory_space<vmem>>, vector<16xf32>,
      tpu.vector_store %arg6[%swap3A_684], %min3A_683 {strides = array<i32>} : memref<16xf32, #tpu.memory_space<vmem>>, vector<16xf32>,
      %xor3A_686 = arith.constant 2 : i32
      %xor3A_687 = vector.broadcast %xor3A_686 : i32 to vector<16xi32>
      %xor3A_688 = arith.xori %iota3A, %xor3A_687 : vector<16xi32>
      %gather3A_689 = tpu.vector_load_idx %arg6[%xor3A_688] : memref<16xf32, #tpu.memory_space<vmem>>[vector<16xi32>], vector<16xf32>,
      %min3A_690 = arith.minimumf %min3A_683, %gather3A_689 : vector<16xf32>
      %swap3A_691 = arith.constant 0 : index
      %swap3A_692 = tpu.vector_load %arg6[%swap3A_691] {strides = array<i32>} : memref<16xf32, #tpu.memory_space<vmem>>, vector<16xf32>,
      tpu.vector_store %arg6[%swap3A_691], %min3A_690 {strides = array<i32>} : memref<16xf32, #tpu.memory_space<vmem>>, vector<16xf32>,
      %xor3A_693 = arith.constant 1 : i32
      %xor3A_694 = vector.broadcast %xor3A_693 : i32 to vector<16xi32>
      %xor3A_695 = arith.xori %iota3A, %xor3A_694 : vector<16xi32>
      %gather3A_696 = tpu.vector_load_idx %arg6[%xor3A_695] : memref<16xf32, #tpu.memory_space<vmem>>[vector<16xi32>], vector<16xf32>,
      %min3A_697 = arith.minimumf %min3A_690, %gather3A_696 : vector<16xf32>
      %broadcast_in_dim3A_698 = arith.constant 256 : i32
      %broadcast_in_dim3A_699 = vector.broadcast %broadcast_in_dim3A_698 : i32 to vector<16xi32>
      %eq3A_700 = arith.cmpf oeq, %select_n3A_550, %min3A_697 : vector<16xf32>
      %add3A_701 = arith.constant 0 : i32
      %add3A_702 = vector.broadcast %add3A_701 : i32 to vector<16xi32>
      %add3A_703 = arith.addi %iota3A, %add3A_702 : vector<16xi32>
      %jit3A_704 = arith.constant 256 : i32
      %broadcast_in_dim3A_705 = vector.broadcast %jit3A_704 : i32 to vector<16xi32>
      %select_n3A_706 = arith.select %eq3A_700, %add3A_703, %broadcast_in_dim3A_705 : vector<16xi1>, vector<16xi32>
      %min3A_707 = arith.minsi %broadcast_in_dim3A_699, %select_n3A_706 : vector<16xi32>
      %eq3A_708 = arith.cmpf oeq, %select_n3A_557, %min3A_697 : vector<16xf32>
      %add3A_709 = arith.constant 16 : i32
      %add3A_710 = vector.broadcast %add3A_709 : i32 to vector<16xi32>
      %add3A_711 = arith.addi %iota3A, %add3A_710 : vector<16xi32>
      %jit3A_712 = arith.constant 256 : i32
      %broadcast_in_dim3A_713 = vector.broadcast %jit3A_712 : i32 to vector<16xi32>
      %select_n3A_714 = arith.select %eq3A_708, %add3A_711, %broadcast_in_dim3A_713 : vector<16xi1>, vector<16xi32>
      %min3A_715 = arith.minsi %min3A_707, %select_n3A_714 : vector<16xi32>
      %eq3A_716 = arith.cmpf oeq, %select_n3A_564, %min3A_697 : vector<16xf32>
      %add3A_717 = arith.constant 32 : i32
      %add3A_718 = vector.broadcast %add3A_717 : i32 to vector<16xi32>
      %add3A_719 = arith.addi %iota3A, %add3A_718 : vector<16xi32>
      %jit3A_720 = arith.constant 256 : i32
      %broadcast_in_dim3A_721 = vector.broadcast %jit3A_720 : i32 to vector<16xi32>
      %select_n3A_722 = arith.select %eq3A_716, %add3A_719, %broadcast_in_dim3A_721 : vector<16xi1>, vector<16xi32>
      %min3A_723 = arith.minsi %min3A_715, %select_n3A_722 : vector<16xi32>
      %eq3A_724 = arith.cmpf oeq, %select_n3A_571, %min3A_697 : vector<16xf32>
      %add3A_725 = arith.constant 48 : i32
      %add3A_726 = vector.broadcast %add3A_725 : i32 to vector<16xi32>
      %add3A_727 = arith.addi %iota3A, %add3A_726 : vector<16xi32>
      %jit3A_728 = arith.constant 256 : i32
      %broadcast_in_dim3A_729 = vector.broadcast %jit3A_728 : i32 to vector<16xi32>
      %select_n3A_730 = arith.select %eq3A_724, %add3A_727, %broadcast_in_dim3A_729 : vector<16xi1>, vector<16xi32>
      %min3A_731 = arith.minsi %min3A_723, %select_n3A_730 : vector<16xi32>
      %eq3A_732 = arith.cmpf oeq, %select_n3A_578, %min3A_697 : vector<16xf32>
      %add3A_733 = arith.constant 64 : i32
      %add3A_734 = vector.broadcast %add3A_733 : i32 to vector<16xi32>
      %add3A_735 = arith.addi %iota3A, %add3A_734 : vector<16xi32>
      %jit3A_736 = arith.constant 256 : i32
      %broadcast_in_dim3A_737 = vector.broadcast %jit3A_736 : i32 to vector<16xi32>
      %select_n3A_738 = arith.select %eq3A_732, %add3A_735, %broadcast_in_dim3A_737 : vector<16xi1>, vector<16xi32>
      %min3A_739 = arith.minsi %min3A_731, %select_n3A_738 : vector<16xi32>
      %eq3A_740 = arith.cmpf oeq, %select_n3A_585, %min3A_697 : vector<16xf32>
      %add3A_741 = arith.constant 80 : i32
      %add3A_742 = vector.broadcast %add3A_741 : i32 to vector<16xi32>
      %add3A_743 = arith.addi %iota3A, %add3A_742 : vector<16xi32>
      %jit3A_744 = arith.constant 256 : i32
      %broadcast_in_dim3A_745 = vector.broadcast %jit3A_744 : i32 to vector<16xi32>
      %select_n3A_746 = arith.select %eq3A_740, %add3A_743, %broadcast_in_dim3A_745 : vector<16xi1>, vector<16xi32>
      %min3A_747 = arith.minsi %min3A_739, %select_n3A_746 : vector<16xi32>
      %eq3A_748 = arith.cmpf oeq, %select_n3A_592, %min3A_697 : vector<16xf32>
      %add3A_749 = arith.constant 96 : i32
      %add3A_750 = vector.broadcast %add3A_749 : i32 to vector<16xi32>
      %add3A_751 = arith.addi %iota3A, %add3A_750 : vector<16xi32>
      %jit3A_752 = arith.constant 256 : i32
      %broadcast_in_dim3A_753 = vector.broadcast %jit3A_752 : i32 to vector<16xi32>
      %select_n3A_754 = arith.select %eq3A_748, %add3A_751, %broadcast_in_dim3A_753 : vector<16xi1>, vector<16xi32>
      %min3A_755 = arith.minsi %min3A_747, %select_n3A_754 : vector<16xi32>
      %eq3A_756 = arith.cmpf oeq, %select_n3A_599, %min3A_697 : vector<16xf32>
      %add3A_757 = arith.constant 112 : i32
      %add3A_758 = vector.broadcast %add3A_757 : i32 to vector<16xi32>
      %add3A_759 = arith.addi %iota3A, %add3A_758 : vector<16xi32>
      %jit3A_760 = arith.constant 256 : i32
      %broadcast_in_dim3A_761 = vector.broadcast %jit3A_760 : i32 to vector<16xi32>
      %select_n3A_762 = arith.select %eq3A_756, %add3A_759, %broadcast_in_dim3A_761 : vector<16xi1>, vector<16xi32>
      %min3A_763 = arith.minsi %min3A_755, %select_n3A_762 : vector<16xi32>
      %eq3A_764 = arith.cmpf oeq, %select_n3A_606, %min3A_697 : vector<16xf32>
      %add3A_765 = arith.constant 128 : i32
      %add3A_766 = vector.broadcast %add3A_765 : i32 to vector<16xi32>
      %add3A_767 = arith.addi %iota3A, %add3A_766 : vector<16xi32>
      %jit3A_768 = arith.constant 256 : i32
      %broadcast_in_dim3A_769 = vector.broadcast %jit3A_768 : i32 to vector<16xi32>
      %select_n3A_770 = arith.select %eq3A_764, %add3A_767, %broadcast_in_dim3A_769 : vector<16xi1>, vector<16xi32>
      %min3A_771 = arith.minsi %min3A_763, %select_n3A_770 : vector<16xi32>
      %eq3A_772 = arith.cmpf oeq, %select_n3A_613, %min3A_697 : vector<16xf32>
      %add3A_773 = arith.constant 144 : i32
      %add3A_774 = vector.broadcast %add3A_773 : i32 to vector<16xi32>
      %add3A_775 = arith.addi %iota3A, %add3A_774 : vector<16xi32>
      %jit3A_776 = arith.constant 256 : i32
      %broadcast_in_dim3A_777 = vector.broadcast %jit3A_776 : i32 to vector<16xi32>
      %select_n3A_778 = arith.select %eq3A_772, %add3A_775, %broadcast_in_dim3A_777 : vector<16xi1>, vector<16xi32>
      %min3A_779 = arith.minsi %min3A_771, %select_n3A_778 : vector<16xi32>
      %eq3A_780 = arith.cmpf oeq, %select_n3A_620, %min3A_697 : vector<16xf32>
      %add3A_781 = arith.constant 160 : i32
      %add3A_782 = vector.broadcast %add3A_781 : i32 to vector<16xi32>
      %add3A_783 = arith.addi %iota3A, %add3A_782 : vector<16xi32>
      %jit3A_784 = arith.constant 256 : i32
      %broadcast_in_dim3A_785 = vector.broadcast %jit3A_784 : i32 to vector<16xi32>
      %select_n3A_786 = arith.select %eq3A_780, %add3A_783, %broadcast_in_dim3A_785 : vector<16xi1>, vector<16xi32>
      %min3A_787 = arith.minsi %min3A_779, %select_n3A_786 : vector<16xi32>
      %eq3A_788 = arith.cmpf oeq, %select_n3A_627, %min3A_697 : vector<16xf32>
      %add3A_789 = arith.constant 176 : i32
      %add3A_790 = vector.broadcast %add3A_789 : i32 to vector<16xi32>
      %add3A_791 = arith.addi %iota3A, %add3A_790 : vector<16xi32>
      %jit3A_792 = arith.constant 256 : i32
      %broadcast_in_dim3A_793 = vector.broadcast %jit3A_792 : i32 to vector<16xi32>
      %select_n3A_794 = arith.select %eq3A_788, %add3A_791, %broadcast_in_dim3A_793 : vector<16xi1>, vector<16xi32>
      %min3A_795 = arith.minsi %min3A_787, %select_n3A_794 : vector<16xi32>
      %eq3A_796 = arith.cmpf oeq, %select_n3A_634, %min3A_697 : vector<16xf32>
      %add3A_797 = arith.constant 192 : i32
      %add3A_798 = vector.broadcast %add3A_797 : i32 to vector<16xi32>
      %add3A_799 = arith.addi %iota3A, %add3A_798 : vector<16xi32>
      %jit3A_800 = arith.constant 256 : i32
      %broadcast_in_dim3A_801 = vector.broadcast %jit3A_800 : i32 to vector<16xi32>
      %select_n3A_802 = arith.select %eq3A_796, %add3A_799, %broadcast_in_dim3A_801 : vector<16xi1>, vector<16xi32>
      %min3A_803 = arith.minsi %min3A_795, %select_n3A_802 : vector<16xi32>
      %eq3A_804 = arith.cmpf oeq, %select_n3A_641, %min3A_697 : vector<16xf32>
      %add3A_805 = arith.constant 208 : i32
      %add3A_806 = vector.broadcast %add3A_805 : i32 to vector<16xi32>
      %add3A_807 = arith.addi %iota3A, %add3A_806 : vector<16xi32>
      %jit3A_808 = arith.constant 256 : i32
      %broadcast_in_dim3A_809 = vector.broadcast %jit3A_808 : i32 to vector<16xi32>
      %select_n3A_810 = arith.select %eq3A_804, %add3A_807, %broadcast_in_dim3A_809 : vector<16xi1>, vector<16xi32>
      %min3A_811 = arith.minsi %min3A_803, %select_n3A_810 : vector<16xi32>
      %eq3A_812 = arith.cmpf oeq, %select_n3A_648, %min3A_697 : vector<16xf32>
      %add3A_813 = arith.constant 224 : i32
      %add3A_814 = vector.broadcast %add3A_813 : i32 to vector<16xi32>
      %add3A_815 = arith.addi %iota3A, %add3A_814 : vector<16xi32>
      %jit3A_816 = arith.constant 256 : i32
      %broadcast_in_dim3A_817 = vector.broadcast %jit3A_816 : i32 to vector<16xi32>
      %select_n3A_818 = arith.select %eq3A_812, %add3A_815, %broadcast_in_dim3A_817 : vector<16xi1>, vector<16xi32>
      %min3A_819 = arith.minsi %min3A_811, %select_n3A_818 : vector<16xi32>
      %eq3A_820 = arith.cmpf oeq, %select_n3A_655, %min3A_697 : vector<16xf32>
      %add3A_821 = arith.constant 240 : i32
      %add3A_822 = vector.broadcast %add3A_821 : i32 to vector<16xi32>
      %add3A_823 = arith.addi %iota3A, %add3A_822 : vector<16xi32>
      %jit3A_824 = arith.constant 256 : i32
      %broadcast_in_dim3A_825 = vector.broadcast %jit3A_824 : i32 to vector<16xi32>
      %select_n3A_826 = arith.select %eq3A_820, %add3A_823, %broadcast_in_dim3A_825 : vector<16xi1>, vector<16xi32>
      %min3A_827 = arith.minsi %min3A_819, %select_n3A_826 : vector<16xi32>
      %rev3A_828 = arith.constant 15 : i32
      %rev3A_829 = vector.broadcast %rev3A_828 : i32 to vector<16xi32>
      %rev3A_830 = tpu.iota {dimensions = array<i32: 0>} : vector<16xi32>
      %rev3A_831 = arith.subi %rev3A_829, %rev3A_830 : vector<16xi32>
      %rev3A_832 = tpu.dynamic_gather %min3A_827[%rev3A_831] in [0] : vector<16xi32>, vector<16xi32> -> vector<16xi32>
      %min3A_833 = arith.minsi %min3A_827, %rev3A_832 : vector<16xi32>
      %swap3A_834 = arith.constant 0 : index
      %swap3A_835 = tpu.vector_load %arg7[%swap3A_834] {strides = array<i32>} : memref<16xi32, #tpu.memory_space<vmem>>, vector<16xi32>,
      tpu.vector_store %arg7[%swap3A_834], %min3A_833 {strides = array<i32>} : memref<16xi32, #tpu.memory_space<vmem>>, vector<16xi32>,
      %xor3A_836 = arith.constant 4 : i32
      %xor3A_837 = vector.broadcast %xor3A_836 : i32 to vector<16xi32>
      %xor3A_838 = arith.xori %iota3A, %xor3A_837 : vector<16xi32>
      %gather3A_839 = tpu.vector_load_idx %arg7[%xor3A_838] : memref<16xi32, #tpu.memory_space<vmem>>[vector<16xi32>], vector<16xi32>,
      %min3A_840 = arith.minsi %min3A_833, %gather3A_839 : vector<16xi32>
      %swap3A_841 = arith.constant 0 : index
      %swap3A_842 = tpu.vector_load %arg7[%swap3A_841] {strides = array<i32>} : memref<16xi32, #tpu.memory_space<vmem>>, vector<16xi32>,
      tpu.vector_store %arg7[%swap3A_841], %min3A_840 {strides = array<i32>} : memref<16xi32, #tpu.memory_space<vmem>>, vector<16xi32>,
      %xor3A_843 = arith.constant 2 : i32
      %xor3A_844 = vector.broadcast %xor3A_843 : i32 to vector<16xi32>
      %xor3A_845 = arith.xori %iota3A, %xor3A_844 : vector<16xi32>
      %gather3A_846 = tpu.vector_load_idx %arg7[%xor3A_845] : memref<16xi32, #tpu.memory_space<vmem>>[vector<16xi32>], vector<16xi32>,
      %min3A_847 = arith.minsi %min3A_840, %gather3A_846 : vector<16xi32>
      %swap3A_848 = arith.constant 0 : index
      %swap3A_849 = tpu.vector_load %arg7[%swap3A_848] {strides = array<i32>} : memref<16xi32, #tpu.memory_space<vmem>>, vector<16xi32>,
      tpu.vector_store %arg7[%swap3A_848], %min3A_847 {strides = array<i32>} : memref<16xi32, #tpu.memory_space<vmem>>, vector<16xi32>,
      %xor3A_850 = arith.constant 1 : i32
      %xor3A_851 = vector.broadcast %xor3A_850 : i32 to vector<16xi32>
      %xor3A_852 = arith.xori %iota3A, %xor3A_851 : vector<16xi32>
      %gather3A_853 = tpu.vector_load_idx %arg7[%xor3A_852] : memref<16xi32, #tpu.memory_space<vmem>>[vector<16xi32>], vector<16xi32>,
      %min3A_854 = arith.minsi %min3A_847, %gather3A_853 : vector<16xi32>
      %eq3A_855 = arith.constant 2 : i32
      %eq3A_856 = vector.broadcast %eq3A_855 : i32 to vector<16xi32>
      %eq3A_857 = arith.cmpi eq, %iota3A, %eq3A_856 : vector<16xi32>
      %select_n3A_858 = arith.select %eq3A_857, %min3A_854, %select_n3A_543 : vector<16xi1>, vector<16xi32>
      %add3A_859 = arith.constant 0 : i32
      %add3A_860 = vector.broadcast %add3A_859 : i32 to vector<16xi32>
      %add3A_861 = arith.addi %iota3A, %add3A_860 : vector<16xi32>
      %eq3A_862 = arith.cmpi eq, %add3A_861, %min3A_854 : vector<16xi32>
      %jit3A_863 = arith.constant 0x7F800000 : f32
      %broadcast_in_dim3A_864 = vector.broadcast %jit3A_863 : f32 to vector<16xf32>
      %select_n3A_865 = arith.select %eq3A_862, %broadcast_in_dim3A_864, %select_n3A_550 : vector<16xi1>, vector<16xf32>
      %add3A_866 = arith.constant 16 : i32
      %add3A_867 = vector.broadcast %add3A_866 : i32 to vector<16xi32>
      %add3A_868 = arith.addi %iota3A, %add3A_867 : vector<16xi32>
      %eq3A_869 = arith.cmpi eq, %add3A_868, %min3A_854 : vector<16xi32>
      %jit3A_870 = arith.constant 0x7F800000 : f32
      %broadcast_in_dim3A_871 = vector.broadcast %jit3A_870 : f32 to vector<16xf32>
      %select_n3A_872 = arith.select %eq3A_869, %broadcast_in_dim3A_871, %select_n3A_557 : vector<16xi1>, vector<16xf32>
      %add3A_873 = arith.constant 32 : i32
      %add3A_874 = vector.broadcast %add3A_873 : i32 to vector<16xi32>
      %add3A_875 = arith.addi %iota3A, %add3A_874 : vector<16xi32>
      %eq3A_876 = arith.cmpi eq, %add3A_875, %min3A_854 : vector<16xi32>
      %jit3A_877 = arith.constant 0x7F800000 : f32
      %broadcast_in_dim3A_878 = vector.broadcast %jit3A_877 : f32 to vector<16xf32>
      %select_n3A_879 = arith.select %eq3A_876, %broadcast_in_dim3A_878, %select_n3A_564 : vector<16xi1>, vector<16xf32>
      %add3A_880 = arith.constant 48 : i32
      %add3A_881 = vector.broadcast %add3A_880 : i32 to vector<16xi32>
      %add3A_882 = arith.addi %iota3A, %add3A_881 : vector<16xi32>
      %eq3A_883 = arith.cmpi eq, %add3A_882, %min3A_854 : vector<16xi32>
      %jit3A_884 = arith.constant 0x7F800000 : f32
      %broadcast_in_dim3A_885 = vector.broadcast %jit3A_884 : f32 to vector<16xf32>
      %select_n3A_886 = arith.select %eq3A_883, %broadcast_in_dim3A_885, %select_n3A_571 : vector<16xi1>, vector<16xf32>
      %add3A_887 = arith.constant 64 : i32
      %add3A_888 = vector.broadcast %add3A_887 : i32 to vector<16xi32>
      %add3A_889 = arith.addi %iota3A, %add3A_888 : vector<16xi32>
      %eq3A_890 = arith.cmpi eq, %add3A_889, %min3A_854 : vector<16xi32>
      %jit3A_891 = arith.constant 0x7F800000 : f32
      %broadcast_in_dim3A_892 = vector.broadcast %jit3A_891 : f32 to vector<16xf32>
      %select_n3A_893 = arith.select %eq3A_890, %broadcast_in_dim3A_892, %select_n3A_578 : vector<16xi1>, vector<16xf32>
      %add3A_894 = arith.constant 80 : i32
      %add3A_895 = vector.broadcast %add3A_894 : i32 to vector<16xi32>
      %add3A_896 = arith.addi %iota3A, %add3A_895 : vector<16xi32>
      %eq3A_897 = arith.cmpi eq, %add3A_896, %min3A_854 : vector<16xi32>
      %jit3A_898 = arith.constant 0x7F800000 : f32
      %broadcast_in_dim3A_899 = vector.broadcast %jit3A_898 : f32 to vector<16xf32>
      %select_n3A_900 = arith.select %eq3A_897, %broadcast_in_dim3A_899, %select_n3A_585 : vector<16xi1>, vector<16xf32>
      %add3A_901 = arith.constant 96 : i32
      %add3A_902 = vector.broadcast %add3A_901 : i32 to vector<16xi32>
      %add3A_903 = arith.addi %iota3A, %add3A_902 : vector<16xi32>
      %eq3A_904 = arith.cmpi eq, %add3A_903, %min3A_854 : vector<16xi32>
      %jit3A_905 = arith.constant 0x7F800000 : f32
      %broadcast_in_dim3A_906 = vector.broadcast %jit3A_905 : f32 to vector<16xf32>
      %select_n3A_907 = arith.select %eq3A_904, %broadcast_in_dim3A_906, %select_n3A_592 : vector<16xi1>, vector<16xf32>
      %add3A_908 = arith.constant 112 : i32
      %add3A_909 = vector.broadcast %add3A_908 : i32 to vector<16xi32>
      %add3A_910 = arith.addi %iota3A, %add3A_909 : vector<16xi32>
      %eq3A_911 = arith.cmpi eq, %add3A_910, %min3A_854 : vector<16xi32>
      %jit3A_912 = arith.constant 0x7F800000 : f32
      %broadcast_in_dim3A_913 = vector.broadcast %jit3A_912 : f32 to vector<16xf32>
      %select_n3A_914 = arith.select %eq3A_911, %broadcast_in_dim3A_913, %select_n3A_599 : vector<16xi1>, vector<16xf32>
      %add3A_915 = arith.constant 128 : i32
      %add3A_916 = vector.broadcast %add3A_915 : i32 to vector<16xi32>
      %add3A_917 = arith.addi %iota3A, %add3A_916 : vector<16xi32>
      %eq3A_918 = arith.cmpi eq, %add3A_917, %min3A_854 : vector<16xi32>
      %jit3A_919 = arith.constant 0x7F800000 : f32
      %broadcast_in_dim3A_920 = vector.broadcast %jit3A_919 : f32 to vector<16xf32>
      %select_n3A_921 = arith.select %eq3A_918, %broadcast_in_dim3A_920, %select_n3A_606 : vector<16xi1>, vector<16xf32>
      %add3A_922 = arith.constant 144 : i32
      %add3A_923 = vector.broadcast %add3A_922 : i32 to vector<16xi32>
      %add3A_924 = arith.addi %iota3A, %add3A_923 : vector<16xi32>
      %eq3A_925 = arith.cmpi eq, %add3A_924, %min3A_854 : vector<16xi32>
      %jit3A_926 = arith.constant 0x7F800000 : f32
      %broadcast_in_dim3A_927 = vector.broadcast %jit3A_926 : f32 to vector<16xf32>
      %select_n3A_928 = arith.select %eq3A_925, %broadcast_in_dim3A_927, %select_n3A_613 : vector<16xi1>, vector<16xf32>
      %add3A_929 = arith.constant 160 : i32
      %add3A_930 = vector.broadcast %add3A_929 : i32 to vector<16xi32>
      %add3A_931 = arith.addi %iota3A, %add3A_930 : vector<16xi32>
      %eq3A_932 = arith.cmpi eq, %add3A_931, %min3A_854 : vector<16xi32>
      %jit3A_933 = arith.constant 0x7F800000 : f32
      %broadcast_in_dim3A_934 = vector.broadcast %jit3A_933 : f32 to vector<16xf32>
      %select_n3A_935 = arith.select %eq3A_932, %broadcast_in_dim3A_934, %select_n3A_620 : vector<16xi1>, vector<16xf32>
      %add3A_936 = arith.constant 176 : i32
      %add3A_937 = vector.broadcast %add3A_936 : i32 to vector<16xi32>
      %add3A_938 = arith.addi %iota3A, %add3A_937 : vector<16xi32>
      %eq3A_939 = arith.cmpi eq, %add3A_938, %min3A_854 : vector<16xi32>
      %jit3A_940 = arith.constant 0x7F800000 : f32
      %broadcast_in_dim3A_941 = vector.broadcast %jit3A_940 : f32 to vector<16xf32>
      %select_n3A_942 = arith.select %eq3A_939, %broadcast_in_dim3A_941, %select_n3A_627 : vector<16xi1>, vector<16xf32>
      %add3A_943 = arith.constant 192 : i32
      %add3A_944 = vector.broadcast %add3A_943 : i32 to vector<16xi32>
      %add3A_945 = arith.addi %iota3A, %add3A_944 : vector<16xi32>
      %eq3A_946 = arith.cmpi eq, %add3A_945, %min3A_854 : vector<16xi32>
      %jit3A_947 = arith.constant 0x7F800000 : f32
      %broadcast_in_dim3A_948 = vector.broadcast %jit3A_947 : f32 to vector<16xf32>
      %select_n3A_949 = arith.select %eq3A_946, %broadcast_in_dim3A_948, %select_n3A_634 : vector<16xi1>, vector<16xf32>
      %add3A_950 = arith.constant 208 : i32
      %add3A_951 = vector.broadcast %add3A_950 : i32 to vector<16xi32>
      %add3A_952 = arith.addi %iota3A, %add3A_951 : vector<16xi32>
      %eq3A_953 = arith.cmpi eq, %add3A_952, %min3A_854 : vector<16xi32>
      %jit3A_954 = arith.constant 0x7F800000 : f32
      %broadcast_in_dim3A_955 = vector.broadcast %jit3A_954 : f32 to vector<16xf32>
      %select_n3A_956 = arith.select %eq3A_953, %broadcast_in_dim3A_955, %select_n3A_641 : vector<16xi1>, vector<16xf32>
      %add3A_957 = arith.constant 224 : i32
      %add3A_958 = vector.broadcast %add3A_957 : i32 to vector<16xi32>
      %add3A_959 = arith.addi %iota3A, %add3A_958 : vector<16xi32>
      %eq3A_960 = arith.cmpi eq, %add3A_959, %min3A_854 : vector<16xi32>
      %jit3A_961 = arith.constant 0x7F800000 : f32
      %broadcast_in_dim3A_962 = vector.broadcast %jit3A_961 : f32 to vector<16xf32>
      %select_n3A_963 = arith.select %eq3A_960, %broadcast_in_dim3A_962, %select_n3A_648 : vector<16xi1>, vector<16xf32>
      %add3A_964 = arith.constant 240 : i32
      %add3A_965 = vector.broadcast %add3A_964 : i32 to vector<16xi32>
      %add3A_966 = arith.addi %iota3A, %add3A_965 : vector<16xi32>
      %eq3A_967 = arith.cmpi eq, %add3A_966, %min3A_854 : vector<16xi32>
      %jit3A_968 = arith.constant 0x7F800000 : f32
      %broadcast_in_dim3A_969 = vector.broadcast %jit3A_968 : f32 to vector<16xf32>
      %select_n3A_970 = arith.select %eq3A_967, %broadcast_in_dim3A_969, %select_n3A_655 : vector<16xi1>, vector<16xf32>
      %min3A_971 = arith.minimumf %select_n3A_865, %select_n3A_872 : vector<16xf32>
      %min3A_972 = arith.minimumf %min3A_971, %select_n3A_879 : vector<16xf32>
      %min3A_973 = arith.minimumf %min3A_972, %select_n3A_886 : vector<16xf32>
      %min3A_974 = arith.minimumf %min3A_973, %select_n3A_893 : vector<16xf32>
      %min3A_975 = arith.minimumf %min3A_974, %select_n3A_900 : vector<16xf32>
      %min3A_976 = arith.minimumf %min3A_975, %select_n3A_907 : vector<16xf32>
      %min3A_977 = arith.minimumf %min3A_976, %select_n3A_914 : vector<16xf32>
      %min3A_978 = arith.minimumf %min3A_977, %select_n3A_921 : vector<16xf32>
      %min3A_979 = arith.minimumf %min3A_978, %select_n3A_928 : vector<16xf32>
      %min3A_980 = arith.minimumf %min3A_979, %select_n3A_935 : vector<16xf32>
      %min3A_981 = arith.minimumf %min3A_980, %select_n3A_942 : vector<16xf32>
      %min3A_982 = arith.minimumf %min3A_981, %select_n3A_949 : vector<16xf32>
      %min3A_983 = arith.minimumf %min3A_982, %select_n3A_956 : vector<16xf32>
      %min3A_984 = arith.minimumf %min3A_983, %select_n3A_963 : vector<16xf32>
      %min3A_985 = arith.minimumf %min3A_984, %select_n3A_970 : vector<16xf32>
      %rev3A_986 = arith.constant 15 : i32
      %rev3A_987 = vector.broadcast %rev3A_986 : i32 to vector<16xi32>
      %rev3A_988 = tpu.iota {dimensions = array<i32: 0>} : vector<16xi32>
      %rev3A_989 = arith.subi %rev3A_987, %rev3A_988 : vector<16xi32>
      %rev3A_990 = tpu.dynamic_gather %min3A_985[%rev3A_989] in [0] : vector<16xf32>, vector<16xi32> -> vector<16xf32>
      %min3A_991 = arith.minimumf %min3A_985, %rev3A_990 : vector<16xf32>
      %swap3A_992 = arith.constant 0 : index
      %swap3A_993 = tpu.vector_load %arg6[%swap3A_992] {strides = array<i32>} : memref<16xf32, #tpu.memory_space<vmem>>, vector<16xf32>,
      tpu.vector_store %arg6[%swap3A_992], %min3A_991 {strides = array<i32>} : memref<16xf32, #tpu.memory_space<vmem>>, vector<16xf32>,
      %xor3A_994 = arith.constant 4 : i32
      %xor3A_995 = vector.broadcast %xor3A_994 : i32 to vector<16xi32>
      %xor3A_996 = arith.xori %iota3A, %xor3A_995 : vector<16xi32>
      %gather3A_997 = tpu.vector_load_idx %arg6[%xor3A_996] : memref<16xf32, #tpu.memory_space<vmem>>[vector<16xi32>], vector<16xf32>,
      %min3A_998 = arith.minimumf %min3A_991, %gather3A_997 : vector<16xf32>
      %swap3A_999 = arith.constant 0 : index
      %swap3A_1000 = tpu.vector_load %arg6[%swap3A_999] {strides = array<i32>} : memref<16xf32, #tpu.memory_space<vmem>>, vector<16xf32>,
      tpu.vector_store %arg6[%swap3A_999], %min3A_998 {strides = array<i32>} : memref<16xf32, #tpu.memory_space<vmem>>, vector<16xf32>,
      %xor3A_1001 = arith.constant 2 : i32
      %xor3A_1002 = vector.broadcast %xor3A_1001 : i32 to vector<16xi32>
      %xor3A_1003 = arith.xori %iota3A, %xor3A_1002 : vector<16xi32>
      %gather3A_1004 = tpu.vector_load_idx %arg6[%xor3A_1003] : memref<16xf32, #tpu.memory_space<vmem>>[vector<16xi32>], vector<16xf32>,
      %min3A_1005 = arith.minimumf %min3A_998, %gather3A_1004 : vector<16xf32>
      %swap3A_1006 = arith.constant 0 : index
      %swap3A_1007 = tpu.vector_load %arg6[%swap3A_1006] {strides = array<i32>} : memref<16xf32, #tpu.memory_space<vmem>>, vector<16xf32>,
      tpu.vector_store %arg6[%swap3A_1006], %min3A_1005 {strides = array<i32>} : memref<16xf32, #tpu.memory_space<vmem>>, vector<16xf32>,
      %xor3A_1008 = arith.constant 1 : i32
      %xor3A_1009 = vector.broadcast %xor3A_1008 : i32 to vector<16xi32>
      %xor3A_1010 = arith.xori %iota3A, %xor3A_1009 : vector<16xi32>
      %gather3A_1011 = tpu.vector_load_idx %arg6[%xor3A_1010] : memref<16xf32, #tpu.memory_space<vmem>>[vector<16xi32>], vector<16xf32>,
      %min3A_1012 = arith.minimumf %min3A_1005, %gather3A_1011 : vector<16xf32>
      %broadcast_in_dim3A_1013 = arith.constant 256 : i32
      %broadcast_in_dim3A_1014 = vector.broadcast %broadcast_in_dim3A_1013 : i32 to vector<16xi32>
      %eq3A_1015 = arith.cmpf oeq, %select_n3A_865, %min3A_1012 : vector<16xf32>
      %add3A_1016 = arith.constant 0 : i32
      %add3A_1017 = vector.broadcast %add3A_1016 : i32 to vector<16xi32>
      %add3A_1018 = arith.addi %iota3A, %add3A_1017 : vector<16xi32>
      %jit3A_1019 = arith.constant 256 : i32
      %broadcast_in_dim3A_1020 = vector.broadcast %jit3A_1019 : i32 to vector<16xi32>
      %select_n3A_1021 = arith.select %eq3A_1015, %add3A_1018, %broadcast_in_dim3A_1020 : vector<16xi1>, vector<16xi32>
      %min3A_1022 = arith.minsi %broadcast_in_dim3A_1014, %select_n3A_1021 : vector<16xi32>
      %eq3A_1023 = arith.cmpf oeq, %select_n3A_872, %min3A_1012 : vector<16xf32>
      %add3A_1024 = arith.constant 16 : i32
      %add3A_1025 = vector.broadcast %add3A_1024 : i32 to vector<16xi32>
      %add3A_1026 = arith.addi %iota3A, %add3A_1025 : vector<16xi32>
      %jit3A_1027 = arith.constant 256 : i32
      %broadcast_in_dim3A_1028 = vector.broadcast %jit3A_1027 : i32 to vector<16xi32>
      %select_n3A_1029 = arith.select %eq3A_1023, %add3A_1026, %broadcast_in_dim3A_1028 : vector<16xi1>, vector<16xi32>
      %min3A_1030 = arith.minsi %min3A_1022, %select_n3A_1029 : vector<16xi32>
      %eq3A_1031 = arith.cmpf oeq, %select_n3A_879, %min3A_1012 : vector<16xf32>
      %add3A_1032 = arith.constant 32 : i32
      %add3A_1033 = vector.broadcast %add3A_1032 : i32 to vector<16xi32>
      %add3A_1034 = arith.addi %iota3A, %add3A_1033 : vector<16xi32>
      %jit3A_1035 = arith.constant 256 : i32
      %broadcast_in_dim3A_1036 = vector.broadcast %jit3A_1035 : i32 to vector<16xi32>
      %select_n3A_1037 = arith.select %eq3A_1031, %add3A_1034, %broadcast_in_dim3A_1036 : vector<16xi1>, vector<16xi32>
      %min3A_1038 = arith.minsi %min3A_1030, %select_n3A_1037 : vector<16xi32>
      %eq3A_1039 = arith.cmpf oeq, %select_n3A_886, %min3A_1012 : vector<16xf32>
      %add3A_1040 = arith.constant 48 : i32
      %add3A_1041 = vector.broadcast %add3A_1040 : i32 to vector<16xi32>
      %add3A_1042 = arith.addi %iota3A, %add3A_1041 : vector<16xi32>
      %jit3A_1043 = arith.constant 256 : i32
      %broadcast_in_dim3A_1044 = vector.broadcast %jit3A_1043 : i32 to vector<16xi32>
      %select_n3A_1045 = arith.select %eq3A_1039, %add3A_1042, %broadcast_in_dim3A_1044 : vector<16xi1>, vector<16xi32>
      %min3A_1046 = arith.minsi %min3A_1038, %select_n3A_1045 : vector<16xi32>
      %eq3A_1047 = arith.cmpf oeq, %select_n3A_893, %min3A_1012 : vector<16xf32>
      %add3A_1048 = arith.constant 64 : i32
      %add3A_1049 = vector.broadcast %add3A_1048 : i32 to vector<16xi32>
      %add3A_1050 = arith.addi %iota3A, %add3A_1049 : vector<16xi32>
      %jit3A_1051 = arith.constant 256 : i32
      %broadcast_in_dim3A_1052 = vector.broadcast %jit3A_1051 : i32 to vector<16xi32>
      %select_n3A_1053 = arith.select %eq3A_1047, %add3A_1050, %broadcast_in_dim3A_1052 : vector<16xi1>, vector<16xi32>
      %min3A_1054 = arith.minsi %min3A_1046, %select_n3A_1053 : vector<16xi32>
      %eq3A_1055 = arith.cmpf oeq, %select_n3A_900, %min3A_1012 : vector<16xf32>
      %add3A_1056 = arith.constant 80 : i32
      %add3A_1057 = vector.broadcast %add3A_1056 : i32 to vector<16xi32>
      %add3A_1058 = arith.addi %iota3A, %add3A_1057 : vector<16xi32>
      %jit3A_1059 = arith.constant 256 : i32
      %broadcast_in_dim3A_1060 = vector.broadcast %jit3A_1059 : i32 to vector<16xi32>
      %select_n3A_1061 = arith.select %eq3A_1055, %add3A_1058, %broadcast_in_dim3A_1060 : vector<16xi1>, vector<16xi32>
      %min3A_1062 = arith.minsi %min3A_1054, %select_n3A_1061 : vector<16xi32>
      %eq3A_1063 = arith.cmpf oeq, %select_n3A_907, %min3A_1012 : vector<16xf32>
      %add3A_1064 = arith.constant 96 : i32
      %add3A_1065 = vector.broadcast %add3A_1064 : i32 to vector<16xi32>
      %add3A_1066 = arith.addi %iota3A, %add3A_1065 : vector<16xi32>
      %jit3A_1067 = arith.constant 256 : i32
      %broadcast_in_dim3A_1068 = vector.broadcast %jit3A_1067 : i32 to vector<16xi32>
      %select_n3A_1069 = arith.select %eq3A_1063, %add3A_1066, %broadcast_in_dim3A_1068 : vector<16xi1>, vector<16xi32>
      %min3A_1070 = arith.minsi %min3A_1062, %select_n3A_1069 : vector<16xi32>
      %eq3A_1071 = arith.cmpf oeq, %select_n3A_914, %min3A_1012 : vector<16xf32>
      %add3A_1072 = arith.constant 112 : i32
      %add3A_1073 = vector.broadcast %add3A_1072 : i32 to vector<16xi32>
      %add3A_1074 = arith.addi %iota3A, %add3A_1073 : vector<16xi32>
      %jit3A_1075 = arith.constant 256 : i32
      %broadcast_in_dim3A_1076 = vector.broadcast %jit3A_1075 : i32 to vector<16xi32>
      %select_n3A_1077 = arith.select %eq3A_1071, %add3A_1074, %broadcast_in_dim3A_1076 : vector<16xi1>, vector<16xi32>
      %min3A_1078 = arith.minsi %min3A_1070, %select_n3A_1077 : vector<16xi32>
      %eq3A_1079 = arith.cmpf oeq, %select_n3A_921, %min3A_1012 : vector<16xf32>
      %add3A_1080 = arith.constant 128 : i32
      %add3A_1081 = vector.broadcast %add3A_1080 : i32 to vector<16xi32>
      %add3A_1082 = arith.addi %iota3A, %add3A_1081 : vector<16xi32>
      %jit3A_1083 = arith.constant 256 : i32
      %broadcast_in_dim3A_1084 = vector.broadcast %jit3A_1083 : i32 to vector<16xi32>
      %select_n3A_1085 = arith.select %eq3A_1079, %add3A_1082, %broadcast_in_dim3A_1084 : vector<16xi1>, vector<16xi32>
      %min3A_1086 = arith.minsi %min3A_1078, %select_n3A_1085 : vector<16xi32>
      %eq3A_1087 = arith.cmpf oeq, %select_n3A_928, %min3A_1012 : vector<16xf32>
      %add3A_1088 = arith.constant 144 : i32
      %add3A_1089 = vector.broadcast %add3A_1088 : i32 to vector<16xi32>
      %add3A_1090 = arith.addi %iota3A, %add3A_1089 : vector<16xi32>
      %jit3A_1091 = arith.constant 256 : i32
      %broadcast_in_dim3A_1092 = vector.broadcast %jit3A_1091 : i32 to vector<16xi32>
      %select_n3A_1093 = arith.select %eq3A_1087, %add3A_1090, %broadcast_in_dim3A_1092 : vector<16xi1>, vector<16xi32>
      %min3A_1094 = arith.minsi %min3A_1086, %select_n3A_1093 : vector<16xi32>
      %eq3A_1095 = arith.cmpf oeq, %select_n3A_935, %min3A_1012 : vector<16xf32>
      %add3A_1096 = arith.constant 160 : i32
      %add3A_1097 = vector.broadcast %add3A_1096 : i32 to vector<16xi32>
      %add3A_1098 = arith.addi %iota3A, %add3A_1097 : vector<16xi32>
      %jit3A_1099 = arith.constant 256 : i32
      %broadcast_in_dim3A_1100 = vector.broadcast %jit3A_1099 : i32 to vector<16xi32>
      %select_n3A_1101 = arith.select %eq3A_1095, %add3A_1098, %broadcast_in_dim3A_1100 : vector<16xi1>, vector<16xi32>
      %min3A_1102 = arith.minsi %min3A_1094, %select_n3A_1101 : vector<16xi32>
      %eq3A_1103 = arith.cmpf oeq, %select_n3A_942, %min3A_1012 : vector<16xf32>
      %add3A_1104 = arith.constant 176 : i32
      %add3A_1105 = vector.broadcast %add3A_1104 : i32 to vector<16xi32>
      %add3A_1106 = arith.addi %iota3A, %add3A_1105 : vector<16xi32>
      %jit3A_1107 = arith.constant 256 : i32
      %broadcast_in_dim3A_1108 = vector.broadcast %jit3A_1107 : i32 to vector<16xi32>
      %select_n3A_1109 = arith.select %eq3A_1103, %add3A_1106, %broadcast_in_dim3A_1108 : vector<16xi1>, vector<16xi32>
      %min3A_1110 = arith.minsi %min3A_1102, %select_n3A_1109 : vector<16xi32>
      %eq3A_1111 = arith.cmpf oeq, %select_n3A_949, %min3A_1012 : vector<16xf32>
      %add3A_1112 = arith.constant 192 : i32
      %add3A_1113 = vector.broadcast %add3A_1112 : i32 to vector<16xi32>
      %add3A_1114 = arith.addi %iota3A, %add3A_1113 : vector<16xi32>
      %jit3A_1115 = arith.constant 256 : i32
      %broadcast_in_dim3A_1116 = vector.broadcast %jit3A_1115 : i32 to vector<16xi32>
      %select_n3A_1117 = arith.select %eq3A_1111, %add3A_1114, %broadcast_in_dim3A_1116 : vector<16xi1>, vector<16xi32>
      %min3A_1118 = arith.minsi %min3A_1110, %select_n3A_1117 : vector<16xi32>
      %eq3A_1119 = arith.cmpf oeq, %select_n3A_956, %min3A_1012 : vector<16xf32>
      %add3A_1120 = arith.constant 208 : i32
      %add3A_1121 = vector.broadcast %add3A_1120 : i32 to vector<16xi32>
      %add3A_1122 = arith.addi %iota3A, %add3A_1121 : vector<16xi32>
      %jit3A_1123 = arith.constant 256 : i32
      %broadcast_in_dim3A_1124 = vector.broadcast %jit3A_1123 : i32 to vector<16xi32>
      %select_n3A_1125 = arith.select %eq3A_1119, %add3A_1122, %broadcast_in_dim3A_1124 : vector<16xi1>, vector<16xi32>
      %min3A_1126 = arith.minsi %min3A_1118, %select_n3A_1125 : vector<16xi32>
      %eq3A_1127 = arith.cmpf oeq, %select_n3A_963, %min3A_1012 : vector<16xf32>
      %add3A_1128 = arith.constant 224 : i32
      %add3A_1129 = vector.broadcast %add3A_1128 : i32 to vector<16xi32>
      %add3A_1130 = arith.addi %iota3A, %add3A_1129 : vector<16xi32>
      %jit3A_1131 = arith.constant 256 : i32
      %broadcast_in_dim3A_1132 = vector.broadcast %jit3A_1131 : i32 to vector<16xi32>
      %select_n3A_1133 = arith.select %eq3A_1127, %add3A_1130, %broadcast_in_dim3A_1132 : vector<16xi1>, vector<16xi32>
      %min3A_1134 = arith.minsi %min3A_1126, %select_n3A_1133 : vector<16xi32>
      %eq3A_1135 = arith.cmpf oeq, %select_n3A_970, %min3A_1012 : vector<16xf32>
      %add3A_1136 = arith.constant 240 : i32
      %add3A_1137 = vector.broadcast %add3A_1136 : i32 to vector<16xi32>
      %add3A_1138 = arith.addi %iota3A, %add3A_1137 : vector<16xi32>
      %jit3A_1139 = arith.constant 256 : i32
      %broadcast_in_dim3A_1140 = vector.broadcast %jit3A_1139 : i32 to vector<16xi32>
      %select_n3A_1141 = arith.select %eq3A_1135, %add3A_1138, %broadcast_in_dim3A_1140 : vector<16xi1>, vector<16xi32>
      %min3A_1142 = arith.minsi %min3A_1134, %select_n3A_1141 : vector<16xi32>
      %rev3A_1143 = arith.constant 15 : i32
      %rev3A_1144 = vector.broadcast %rev3A_1143 : i32 to vector<16xi32>
      %rev3A_1145 = tpu.iota {dimensions = array<i32: 0>} : vector<16xi32>
      %rev3A_1146 = arith.subi %rev3A_1144, %rev3A_1145 : vector<16xi32>
      %rev3A_1147 = tpu.dynamic_gather %min3A_1142[%rev3A_1146] in [0] : vector<16xi32>, vector<16xi32> -> vector<16xi32>
      %min3A_1148 = arith.minsi %min3A_1142, %rev3A_1147 : vector<16xi32>
      %swap3A_1149 = arith.constant 0 : index
      %swap3A_1150 = tpu.vector_load %arg7[%swap3A_1149] {strides = array<i32>} : memref<16xi32, #tpu.memory_space<vmem>>, vector<16xi32>,
      tpu.vector_store %arg7[%swap3A_1149], %min3A_1148 {strides = array<i32>} : memref<16xi32, #tpu.memory_space<vmem>>, vector<16xi32>,
      %xor3A_1151 = arith.constant 4 : i32
      %xor3A_1152 = vector.broadcast %xor3A_1151 : i32 to vector<16xi32>
      %xor3A_1153 = arith.xori %iota3A, %xor3A_1152 : vector<16xi32>
      %gather3A_1154 = tpu.vector_load_idx %arg7[%xor3A_1153] : memref<16xi32, #tpu.memory_space<vmem>>[vector<16xi32>], vector<16xi32>,
      %min3A_1155 = arith.minsi %min3A_1148, %gather3A_1154 : vector<16xi32>
      %swap3A_1156 = arith.constant 0 : index
      %swap3A_1157 = tpu.vector_load %arg7[%swap3A_1156] {strides = array<i32>} : memref<16xi32, #tpu.memory_space<vmem>>, vector<16xi32>,
      tpu.vector_store %arg7[%swap3A_1156], %min3A_1155 {strides = array<i32>} : memref<16xi32, #tpu.memory_space<vmem>>, vector<16xi32>,
      %xor3A_1158 = arith.constant 2 : i32
      %xor3A_1159 = vector.broadcast %xor3A_1158 : i32 to vector<16xi32>
      %xor3A_1160 = arith.xori %iota3A, %xor3A_1159 : vector<16xi32>
      %gather3A_1161 = tpu.vector_load_idx %arg7[%xor3A_1160] : memref<16xi32, #tpu.memory_space<vmem>>[vector<16xi32>], vector<16xi32>,
      %min3A_1162 = arith.minsi %min3A_1155, %gather3A_1161 : vector<16xi32>
      %swap3A_1163 = arith.constant 0 : index
      %swap3A_1164 = tpu.vector_load %arg7[%swap3A_1163] {strides = array<i32>} : memref<16xi32, #tpu.memory_space<vmem>>, vector<16xi32>,
      tpu.vector_store %arg7[%swap3A_1163], %min3A_1162 {strides = array<i32>} : memref<16xi32, #tpu.memory_space<vmem>>, vector<16xi32>,
      %xor3A_1165 = arith.constant 1 : i32
      %xor3A_1166 = vector.broadcast %xor3A_1165 : i32 to vector<16xi32>
      %xor3A_1167 = arith.xori %iota3A, %xor3A_1166 : vector<16xi32>
      %gather3A_1168 = tpu.vector_load_idx %arg7[%xor3A_1167] : memref<16xi32, #tpu.memory_space<vmem>>[vector<16xi32>], vector<16xi32>,
      %min3A_1169 = arith.minsi %min3A_1162, %gather3A_1168 : vector<16xi32>
      %eq3A_1170 = arith.constant 3 : i32
      %eq3A_1171 = vector.broadcast %eq3A_1170 : i32 to vector<16xi32>
      %eq3A_1172 = arith.cmpi eq, %iota3A, %eq3A_1171 : vector<16xi32>
      %select_n3A_1173 = arith.select %eq3A_1172, %min3A_1169, %select_n3A_858 : vector<16xi1>, vector<16xi32>
      %add3A_1174 = arith.constant 0 : i32
      %add3A_1175 = vector.broadcast %add3A_1174 : i32 to vector<16xi32>
      %add3A_1176 = arith.addi %iota3A, %add3A_1175 : vector<16xi32>
      %eq3A_1177 = arith.cmpi eq, %add3A_1176, %min3A_1169 : vector<16xi32>
      %jit3A_1178 = arith.constant 0x7F800000 : f32
      %broadcast_in_dim3A_1179 = vector.broadcast %jit3A_1178 : f32 to vector<16xf32>
      %select_n3A_1180 = arith.select %eq3A_1177, %broadcast_in_dim3A_1179, %select_n3A_865 : vector<16xi1>, vector<16xf32>
      %add3A_1181 = arith.constant 16 : i32
      %add3A_1182 = vector.broadcast %add3A_1181 : i32 to vector<16xi32>
      %add3A_1183 = arith.addi %iota3A, %add3A_1182 : vector<16xi32>
      %eq3A_1184 = arith.cmpi eq, %add3A_1183, %min3A_1169 : vector<16xi32>
      %jit3A_1185 = arith.constant 0x7F800000 : f32
      %broadcast_in_dim3A_1186 = vector.broadcast %jit3A_1185 : f32 to vector<16xf32>
      %select_n3A_1187 = arith.select %eq3A_1184, %broadcast_in_dim3A_1186, %select_n3A_872 : vector<16xi1>, vector<16xf32>
      %add3A_1188 = arith.constant 32 : i32
      %add3A_1189 = vector.broadcast %add3A_1188 : i32 to vector<16xi32>
      %add3A_1190 = arith.addi %iota3A, %add3A_1189 : vector<16xi32>
      %eq3A_1191 = arith.cmpi eq, %add3A_1190, %min3A_1169 : vector<16xi32>
      %jit3A_1192 = arith.constant 0x7F800000 : f32
      %broadcast_in_dim3A_1193 = vector.broadcast %jit3A_1192 : f32 to vector<16xf32>
      %select_n3A_1194 = arith.select %eq3A_1191, %broadcast_in_dim3A_1193, %select_n3A_879 : vector<16xi1>, vector<16xf32>
      %add3A_1195 = arith.constant 48 : i32
      %add3A_1196 = vector.broadcast %add3A_1195 : i32 to vector<16xi32>
      %add3A_1197 = arith.addi %iota3A, %add3A_1196 : vector<16xi32>
      %eq3A_1198 = arith.cmpi eq, %add3A_1197, %min3A_1169 : vector<16xi32>
      %jit3A_1199 = arith.constant 0x7F800000 : f32
      %broadcast_in_dim3A_1200 = vector.broadcast %jit3A_1199 : f32 to vector<16xf32>
      %select_n3A_1201 = arith.select %eq3A_1198, %broadcast_in_dim3A_1200, %select_n3A_886 : vector<16xi1>, vector<16xf32>
      %add3A_1202 = arith.constant 64 : i32
      %add3A_1203 = vector.broadcast %add3A_1202 : i32 to vector<16xi32>
      %add3A_1204 = arith.addi %iota3A, %add3A_1203 : vector<16xi32>
      %eq3A_1205 = arith.cmpi eq, %add3A_1204, %min3A_1169 : vector<16xi32>
      %jit3A_1206 = arith.constant 0x7F800000 : f32
      %broadcast_in_dim3A_1207 = vector.broadcast %jit3A_1206 : f32 to vector<16xf32>
      %select_n3A_1208 = arith.select %eq3A_1205, %broadcast_in_dim3A_1207, %select_n3A_893 : vector<16xi1>, vector<16xf32>
      %add3A_1209 = arith.constant 80 : i32
      %add3A_1210 = vector.broadcast %add3A_1209 : i32 to vector<16xi32>
      %add3A_1211 = arith.addi %iota3A, %add3A_1210 : vector<16xi32>
      %eq3A_1212 = arith.cmpi eq, %add3A_1211, %min3A_1169 : vector<16xi32>
      %jit3A_1213 = arith.constant 0x7F800000 : f32
      %broadcast_in_dim3A_1214 = vector.broadcast %jit3A_1213 : f32 to vector<16xf32>
      %select_n3A_1215 = arith.select %eq3A_1212, %broadcast_in_dim3A_1214, %select_n3A_900 : vector<16xi1>, vector<16xf32>
      %add3A_1216 = arith.constant 96 : i32
      %add3A_1217 = vector.broadcast %add3A_1216 : i32 to vector<16xi32>
      %add3A_1218 = arith.addi %iota3A, %add3A_1217 : vector<16xi32>
      %eq3A_1219 = arith.cmpi eq, %add3A_1218, %min3A_1169 : vector<16xi32>
      %jit3A_1220 = arith.constant 0x7F800000 : f32
      %broadcast_in_dim3A_1221 = vector.broadcast %jit3A_1220 : f32 to vector<16xf32>
      %select_n3A_1222 = arith.select %eq3A_1219, %broadcast_in_dim3A_1221, %select_n3A_907 : vector<16xi1>, vector<16xf32>
      %add3A_1223 = arith.constant 112 : i32
      %add3A_1224 = vector.broadcast %add3A_1223 : i32 to vector<16xi32>
      %add3A_1225 = arith.addi %iota3A, %add3A_1224 : vector<16xi32>
      %eq3A_1226 = arith.cmpi eq, %add3A_1225, %min3A_1169 : vector<16xi32>
      %jit3A_1227 = arith.constant 0x7F800000 : f32
      %broadcast_in_dim3A_1228 = vector.broadcast %jit3A_1227 : f32 to vector<16xf32>
      %select_n3A_1229 = arith.select %eq3A_1226, %broadcast_in_dim3A_1228, %select_n3A_914 : vector<16xi1>, vector<16xf32>
      %add3A_1230 = arith.constant 128 : i32
      %add3A_1231 = vector.broadcast %add3A_1230 : i32 to vector<16xi32>
      %add3A_1232 = arith.addi %iota3A, %add3A_1231 : vector<16xi32>
      %eq3A_1233 = arith.cmpi eq, %add3A_1232, %min3A_1169 : vector<16xi32>
      %jit3A_1234 = arith.constant 0x7F800000 : f32
      %broadcast_in_dim3A_1235 = vector.broadcast %jit3A_1234 : f32 to vector<16xf32>
      %select_n3A_1236 = arith.select %eq3A_1233, %broadcast_in_dim3A_1235, %select_n3A_921 : vector<16xi1>, vector<16xf32>
      %add3A_1237 = arith.constant 144 : i32
      %add3A_1238 = vector.broadcast %add3A_1237 : i32 to vector<16xi32>
      %add3A_1239 = arith.addi %iota3A, %add3A_1238 : vector<16xi32>
      %eq3A_1240 = arith.cmpi eq, %add3A_1239, %min3A_1169 : vector<16xi32>
      %jit3A_1241 = arith.constant 0x7F800000 : f32
      %broadcast_in_dim3A_1242 = vector.broadcast %jit3A_1241 : f32 to vector<16xf32>
      %select_n3A_1243 = arith.select %eq3A_1240, %broadcast_in_dim3A_1242, %select_n3A_928 : vector<16xi1>, vector<16xf32>
      %add3A_1244 = arith.constant 160 : i32
      %add3A_1245 = vector.broadcast %add3A_1244 : i32 to vector<16xi32>
      %add3A_1246 = arith.addi %iota3A, %add3A_1245 : vector<16xi32>
      %eq3A_1247 = arith.cmpi eq, %add3A_1246, %min3A_1169 : vector<16xi32>
      %jit3A_1248 = arith.constant 0x7F800000 : f32
      %broadcast_in_dim3A_1249 = vector.broadcast %jit3A_1248 : f32 to vector<16xf32>
      %select_n3A_1250 = arith.select %eq3A_1247, %broadcast_in_dim3A_1249, %select_n3A_935 : vector<16xi1>, vector<16xf32>
      %add3A_1251 = arith.constant 176 : i32
      %add3A_1252 = vector.broadcast %add3A_1251 : i32 to vector<16xi32>
      %add3A_1253 = arith.addi %iota3A, %add3A_1252 : vector<16xi32>
      %eq3A_1254 = arith.cmpi eq, %add3A_1253, %min3A_1169 : vector<16xi32>
      %jit3A_1255 = arith.constant 0x7F800000 : f32
      %broadcast_in_dim3A_1256 = vector.broadcast %jit3A_1255 : f32 to vector<16xf32>
      %select_n3A_1257 = arith.select %eq3A_1254, %broadcast_in_dim3A_1256, %select_n3A_942 : vector<16xi1>, vector<16xf32>
      %add3A_1258 = arith.constant 192 : i32
      %add3A_1259 = vector.broadcast %add3A_1258 : i32 to vector<16xi32>
      %add3A_1260 = arith.addi %iota3A, %add3A_1259 : vector<16xi32>
      %eq3A_1261 = arith.cmpi eq, %add3A_1260, %min3A_1169 : vector<16xi32>
      %jit3A_1262 = arith.constant 0x7F800000 : f32
      %broadcast_in_dim3A_1263 = vector.broadcast %jit3A_1262 : f32 to vector<16xf32>
      %select_n3A_1264 = arith.select %eq3A_1261, %broadcast_in_dim3A_1263, %select_n3A_949 : vector<16xi1>, vector<16xf32>
      %add3A_1265 = arith.constant 208 : i32
      %add3A_1266 = vector.broadcast %add3A_1265 : i32 to vector<16xi32>
      %add3A_1267 = arith.addi %iota3A, %add3A_1266 : vector<16xi32>
      %eq3A_1268 = arith.cmpi eq, %add3A_1267, %min3A_1169 : vector<16xi32>
      %jit3A_1269 = arith.constant 0x7F800000 : f32
      %broadcast_in_dim3A_1270 = vector.broadcast %jit3A_1269 : f32 to vector<16xf32>
      %select_n3A_1271 = arith.select %eq3A_1268, %broadcast_in_dim3A_1270, %select_n3A_956 : vector<16xi1>, vector<16xf32>
      %add3A_1272 = arith.constant 224 : i32
      %add3A_1273 = vector.broadcast %add3A_1272 : i32 to vector<16xi32>
      %add3A_1274 = arith.addi %iota3A, %add3A_1273 : vector<16xi32>
      %eq3A_1275 = arith.cmpi eq, %add3A_1274, %min3A_1169 : vector<16xi32>
      %jit3A_1276 = arith.constant 0x7F800000 : f32
      %broadcast_in_dim3A_1277 = vector.broadcast %jit3A_1276 : f32 to vector<16xf32>
      %select_n3A_1278 = arith.select %eq3A_1275, %broadcast_in_dim3A_1277, %select_n3A_963 : vector<16xi1>, vector<16xf32>
      %add3A_1279 = arith.constant 240 : i32
      %add3A_1280 = vector.broadcast %add3A_1279 : i32 to vector<16xi32>
      %add3A_1281 = arith.addi %iota3A, %add3A_1280 : vector<16xi32>
      %eq3A_1282 = arith.cmpi eq, %add3A_1281, %min3A_1169 : vector<16xi32>
      %jit3A_1283 = arith.constant 0x7F800000 : f32
      %broadcast_in_dim3A_1284 = vector.broadcast %jit3A_1283 : f32 to vector<16xf32>
      %select_n3A_1285 = arith.select %eq3A_1282, %broadcast_in_dim3A_1284, %select_n3A_970 : vector<16xi1>, vector<16xf32>
      %min3A_1286 = arith.minimumf %select_n3A_1180, %select_n3A_1187 : vector<16xf32>
      %min3A_1287 = arith.minimumf %min3A_1286, %select_n3A_1194 : vector<16xf32>
      %min3A_1288 = arith.minimumf %min3A_1287, %select_n3A_1201 : vector<16xf32>
      %min3A_1289 = arith.minimumf %min3A_1288, %select_n3A_1208 : vector<16xf32>
      %min3A_1290 = arith.minimumf %min3A_1289, %select_n3A_1215 : vector<16xf32>
      %min3A_1291 = arith.minimumf %min3A_1290, %select_n3A_1222 : vector<16xf32>
      %min3A_1292 = arith.minimumf %min3A_1291, %select_n3A_1229 : vector<16xf32>
      %min3A_1293 = arith.minimumf %min3A_1292, %select_n3A_1236 : vector<16xf32>
      %min3A_1294 = arith.minimumf %min3A_1293, %select_n3A_1243 : vector<16xf32>
      %min3A_1295 = arith.minimumf %min3A_1294, %select_n3A_1250 : vector<16xf32>
      %min3A_1296 = arith.minimumf %min3A_1295, %select_n3A_1257 : vector<16xf32>
      %min3A_1297 = arith.minimumf %min3A_1296, %select_n3A_1264 : vector<16xf32>
      %min3A_1298 = arith.minimumf %min3A_1297, %select_n3A_1271 : vector<16xf32>
      %min3A_1299 = arith.minimumf %min3A_1298, %select_n3A_1278 : vector<16xf32>
      %min3A_1300 = arith.minimumf %min3A_1299, %select_n3A_1285 : vector<16xf32>
      %rev3A_1301 = arith.constant 15 : i32
      %rev3A_1302 = vector.broadcast %rev3A_1301 : i32 to vector<16xi32>
      %rev3A_1303 = tpu.iota {dimensions = array<i32: 0>} : vector<16xi32>
      %rev3A_1304 = arith.subi %rev3A_1302, %rev3A_1303 : vector<16xi32>
      %rev3A_1305 = tpu.dynamic_gather %min3A_1300[%rev3A_1304] in [0] : vector<16xf32>, vector<16xi32> -> vector<16xf32>
      %min3A_1306 = arith.minimumf %min3A_1300, %rev3A_1305 : vector<16xf32>
      %swap3A_1307 = arith.constant 0 : index
      %swap3A_1308 = tpu.vector_load %arg6[%swap3A_1307] {strides = array<i32>} : memref<16xf32, #tpu.memory_space<vmem>>, vector<16xf32>,
      tpu.vector_store %arg6[%swap3A_1307], %min3A_1306 {strides = array<i32>} : memref<16xf32, #tpu.memory_space<vmem>>, vector<16xf32>,
      %xor3A_1309 = arith.constant 4 : i32
      %xor3A_1310 = vector.broadcast %xor3A_1309 : i32 to vector<16xi32>
      %xor3A_1311 = arith.xori %iota3A, %xor3A_1310 : vector<16xi32>
      %gather3A_1312 = tpu.vector_load_idx %arg6[%xor3A_1311] : memref<16xf32, #tpu.memory_space<vmem>>[vector<16xi32>], vector<16xf32>,
      %min3A_1313 = arith.minimumf %min3A_1306, %gather3A_1312 : vector<16xf32>
      %swap3A_1314 = arith.constant 0 : index
      %swap3A_1315 = tpu.vector_load %arg6[%swap3A_1314] {strides = array<i32>} : memref<16xf32, #tpu.memory_space<vmem>>, vector<16xf32>,
      tpu.vector_store %arg6[%swap3A_1314], %min3A_1313 {strides = array<i32>} : memref<16xf32, #tpu.memory_space<vmem>>, vector<16xf32>,
      %xor3A_1316 = arith.constant 2 : i32
      %xor3A_1317 = vector.broadcast %xor3A_1316 : i32 to vector<16xi32>
      %xor3A_1318 = arith.xori %iota3A, %xor3A_1317 : vector<16xi32>
      %gather3A_1319 = tpu.vector_load_idx %arg6[%xor3A_1318] : memref<16xf32, #tpu.memory_space<vmem>>[vector<16xi32>], vector<16xf32>,
      %min3A_1320 = arith.minimumf %min3A_1313, %gather3A_1319 : vector<16xf32>
      %swap3A_1321 = arith.constant 0 : index
      %swap3A_1322 = tpu.vector_load %arg6[%swap3A_1321] {strides = array<i32>} : memref<16xf32, #tpu.memory_space<vmem>>, vector<16xf32>,
      tpu.vector_store %arg6[%swap3A_1321], %min3A_1320 {strides = array<i32>} : memref<16xf32, #tpu.memory_space<vmem>>, vector<16xf32>,
      %xor3A_1323 = arith.constant 1 : i32
      %xor3A_1324 = vector.broadcast %xor3A_1323 : i32 to vector<16xi32>
      %xor3A_1325 = arith.xori %iota3A, %xor3A_1324 : vector<16xi32>
      %gather3A_1326 = tpu.vector_load_idx %arg6[%xor3A_1325] : memref<16xf32, #tpu.memory_space<vmem>>[vector<16xi32>], vector<16xf32>,
      %min3A_1327 = arith.minimumf %min3A_1320, %gather3A_1326 : vector<16xf32>
      %broadcast_in_dim3A_1328 = arith.constant 256 : i32
      %broadcast_in_dim3A_1329 = vector.broadcast %broadcast_in_dim3A_1328 : i32 to vector<16xi32>
      %eq3A_1330 = arith.cmpf oeq, %select_n3A_1180, %min3A_1327 : vector<16xf32>
      %add3A_1331 = arith.constant 0 : i32
      %add3A_1332 = vector.broadcast %add3A_1331 : i32 to vector<16xi32>
      %add3A_1333 = arith.addi %iota3A, %add3A_1332 : vector<16xi32>
      %jit3A_1334 = arith.constant 256 : i32
      %broadcast_in_dim3A_1335 = vector.broadcast %jit3A_1334 : i32 to vector<16xi32>
      %select_n3A_1336 = arith.select %eq3A_1330, %add3A_1333, %broadcast_in_dim3A_1335 : vector<16xi1>, vector<16xi32>
      %min3A_1337 = arith.minsi %broadcast_in_dim3A_1329, %select_n3A_1336 : vector<16xi32>
      %eq3A_1338 = arith.cmpf oeq, %select_n3A_1187, %min3A_1327 : vector<16xf32>
      %add3A_1339 = arith.constant 16 : i32
      %add3A_1340 = vector.broadcast %add3A_1339 : i32 to vector<16xi32>
      %add3A_1341 = arith.addi %iota3A, %add3A_1340 : vector<16xi32>
      %jit3A_1342 = arith.constant 256 : i32
      %broadcast_in_dim3A_1343 = vector.broadcast %jit3A_1342 : i32 to vector<16xi32>
      %select_n3A_1344 = arith.select %eq3A_1338, %add3A_1341, %broadcast_in_dim3A_1343 : vector<16xi1>, vector<16xi32>
      %min3A_1345 = arith.minsi %min3A_1337, %select_n3A_1344 : vector<16xi32>
      %eq3A_1346 = arith.cmpf oeq, %select_n3A_1194, %min3A_1327 : vector<16xf32>
      %add3A_1347 = arith.constant 32 : i32
      %add3A_1348 = vector.broadcast %add3A_1347 : i32 to vector<16xi32>
      %add3A_1349 = arith.addi %iota3A, %add3A_1348 : vector<16xi32>
      %jit3A_1350 = arith.constant 256 : i32
      %broadcast_in_dim3A_1351 = vector.broadcast %jit3A_1350 : i32 to vector<16xi32>
      %select_n3A_1352 = arith.select %eq3A_1346, %add3A_1349, %broadcast_in_dim3A_1351 : vector<16xi1>, vector<16xi32>
      %min3A_1353 = arith.minsi %min3A_1345, %select_n3A_1352 : vector<16xi32>
      %eq3A_1354 = arith.cmpf oeq, %select_n3A_1201, %min3A_1327 : vector<16xf32>
      %add3A_1355 = arith.constant 48 : i32
      %add3A_1356 = vector.broadcast %add3A_1355 : i32 to vector<16xi32>
      %add3A_1357 = arith.addi %iota3A, %add3A_1356 : vector<16xi32>
      %jit3A_1358 = arith.constant 256 : i32
      %broadcast_in_dim3A_1359 = vector.broadcast %jit3A_1358 : i32 to vector<16xi32>
      %select_n3A_1360 = arith.select %eq3A_1354, %add3A_1357, %broadcast_in_dim3A_1359 : vector<16xi1>, vector<16xi32>
      %min3A_1361 = arith.minsi %min3A_1353, %select_n3A_1360 : vector<16xi32>
      %eq3A_1362 = arith.cmpf oeq, %select_n3A_1208, %min3A_1327 : vector<16xf32>
      %add3A_1363 = arith.constant 64 : i32
      %add3A_1364 = vector.broadcast %add3A_1363 : i32 to vector<16xi32>
      %add3A_1365 = arith.addi %iota3A, %add3A_1364 : vector<16xi32>
      %jit3A_1366 = arith.constant 256 : i32
      %broadcast_in_dim3A_1367 = vector.broadcast %jit3A_1366 : i32 to vector<16xi32>
      %select_n3A_1368 = arith.select %eq3A_1362, %add3A_1365, %broadcast_in_dim3A_1367 : vector<16xi1>, vector<16xi32>
      %min3A_1369 = arith.minsi %min3A_1361, %select_n3A_1368 : vector<16xi32>
      %eq3A_1370 = arith.cmpf oeq, %select_n3A_1215, %min3A_1327 : vector<16xf32>
      %add3A_1371 = arith.constant 80 : i32
      %add3A_1372 = vector.broadcast %add3A_1371 : i32 to vector<16xi32>
      %add3A_1373 = arith.addi %iota3A, %add3A_1372 : vector<16xi32>
      %jit3A_1374 = arith.constant 256 : i32
      %broadcast_in_dim3A_1375 = vector.broadcast %jit3A_1374 : i32 to vector<16xi32>
      %select_n3A_1376 = arith.select %eq3A_1370, %add3A_1373, %broadcast_in_dim3A_1375 : vector<16xi1>, vector<16xi32>
      %min3A_1377 = arith.minsi %min3A_1369, %select_n3A_1376 : vector<16xi32>
      %eq3A_1378 = arith.cmpf oeq, %select_n3A_1222, %min3A_1327 : vector<16xf32>
      %add3A_1379 = arith.constant 96 : i32
      %add3A_1380 = vector.broadcast %add3A_1379 : i32 to vector<16xi32>
      %add3A_1381 = arith.addi %iota3A, %add3A_1380 : vector<16xi32>
      %jit3A_1382 = arith.constant 256 : i32
      %broadcast_in_dim3A_1383 = vector.broadcast %jit3A_1382 : i32 to vector<16xi32>
      %select_n3A_1384 = arith.select %eq3A_1378, %add3A_1381, %broadcast_in_dim3A_1383 : vector<16xi1>, vector<16xi32>
      %min3A_1385 = arith.minsi %min3A_1377, %select_n3A_1384 : vector<16xi32>
      %eq3A_1386 = arith.cmpf oeq, %select_n3A_1229, %min3A_1327 : vector<16xf32>
      %add3A_1387 = arith.constant 112 : i32
      %add3A_1388 = vector.broadcast %add3A_1387 : i32 to vector<16xi32>
      %add3A_1389 = arith.addi %iota3A, %add3A_1388 : vector<16xi32>
      %jit3A_1390 = arith.constant 256 : i32
      %broadcast_in_dim3A_1391 = vector.broadcast %jit3A_1390 : i32 to vector<16xi32>
      %select_n3A_1392 = arith.select %eq3A_1386, %add3A_1389, %broadcast_in_dim3A_1391 : vector<16xi1>, vector<16xi32>
      %min3A_1393 = arith.minsi %min3A_1385, %select_n3A_1392 : vector<16xi32>
      %eq3A_1394 = arith.cmpf oeq, %select_n3A_1236, %min3A_1327 : vector<16xf32>
      %add3A_1395 = arith.constant 128 : i32
      %add3A_1396 = vector.broadcast %add3A_1395 : i32 to vector<16xi32>
      %add3A_1397 = arith.addi %iota3A, %add3A_1396 : vector<16xi32>
      %jit3A_1398 = arith.constant 256 : i32
      %broadcast_in_dim3A_1399 = vector.broadcast %jit3A_1398 : i32 to vector<16xi32>
      %select_n3A_1400 = arith.select %eq3A_1394, %add3A_1397, %broadcast_in_dim3A_1399 : vector<16xi1>, vector<16xi32>
      %min3A_1401 = arith.minsi %min3A_1393, %select_n3A_1400 : vector<16xi32>
      %eq3A_1402 = arith.cmpf oeq, %select_n3A_1243, %min3A_1327 : vector<16xf32>
      %add3A_1403 = arith.constant 144 : i32
      %add3A_1404 = vector.broadcast %add3A_1403 : i32 to vector<16xi32>
      %add3A_1405 = arith.addi %iota3A, %add3A_1404 : vector<16xi32>
      %jit3A_1406 = arith.constant 256 : i32
      %broadcast_in_dim3A_1407 = vector.broadcast %jit3A_1406 : i32 to vector<16xi32>
      %select_n3A_1408 = arith.select %eq3A_1402, %add3A_1405, %broadcast_in_dim3A_1407 : vector<16xi1>, vector<16xi32>
      %min3A_1409 = arith.minsi %min3A_1401, %select_n3A_1408 : vector<16xi32>
      %eq3A_1410 = arith.cmpf oeq, %select_n3A_1250, %min3A_1327 : vector<16xf32>
      %add3A_1411 = arith.constant 160 : i32
      %add3A_1412 = vector.broadcast %add3A_1411 : i32 to vector<16xi32>
      %add3A_1413 = arith.addi %iota3A, %add3A_1412 : vector<16xi32>
      %jit3A_1414 = arith.constant 256 : i32
      %broadcast_in_dim3A_1415 = vector.broadcast %jit3A_1414 : i32 to vector<16xi32>
      %select_n3A_1416 = arith.select %eq3A_1410, %add3A_1413, %broadcast_in_dim3A_1415 : vector<16xi1>, vector<16xi32>
      %min3A_1417 = arith.minsi %min3A_1409, %select_n3A_1416 : vector<16xi32>
      %eq3A_1418 = arith.cmpf oeq, %select_n3A_1257, %min3A_1327 : vector<16xf32>
      %add3A_1419 = arith.constant 176 : i32
      %add3A_1420 = vector.broadcast %add3A_1419 : i32 to vector<16xi32>
      %add3A_1421 = arith.addi %iota3A, %add3A_1420 : vector<16xi32>
      %jit3A_1422 = arith.constant 256 : i32
      %broadcast_in_dim3A_1423 = vector.broadcast %jit3A_1422 : i32 to vector<16xi32>
      %select_n3A_1424 = arith.select %eq3A_1418, %add3A_1421, %broadcast_in_dim3A_1423 : vector<16xi1>, vector<16xi32>
      %min3A_1425 = arith.minsi %min3A_1417, %select_n3A_1424 : vector<16xi32>
      %eq3A_1426 = arith.cmpf oeq, %select_n3A_1264, %min3A_1327 : vector<16xf32>
      %add3A_1427 = arith.constant 192 : i32
      %add3A_1428 = vector.broadcast %add3A_1427 : i32 to vector<16xi32>
      %add3A_1429 = arith.addi %iota3A, %add3A_1428 : vector<16xi32>
      %jit3A_1430 = arith.constant 256 : i32
      %broadcast_in_dim3A_1431 = vector.broadcast %jit3A_1430 : i32 to vector<16xi32>
      %select_n3A_1432 = arith.select %eq3A_1426, %add3A_1429, %broadcast_in_dim3A_1431 : vector<16xi1>, vector<16xi32>
      %min3A_1433 = arith.minsi %min3A_1425, %select_n3A_1432 : vector<16xi32>
      %eq3A_1434 = arith.cmpf oeq, %select_n3A_1271, %min3A_1327 : vector<16xf32>
      %add3A_1435 = arith.constant 208 : i32
      %add3A_1436 = vector.broadcast %add3A_1435 : i32 to vector<16xi32>
      %add3A_1437 = arith.addi %iota3A, %add3A_1436 : vector<16xi32>
      %jit3A_1438 = arith.constant 256 : i32
      %broadcast_in_dim3A_1439 = vector.broadcast %jit3A_1438 : i32 to vector<16xi32>
      %select_n3A_1440 = arith.select %eq3A_1434, %add3A_1437, %broadcast_in_dim3A_1439 : vector<16xi1>, vector<16xi32>
      %min3A_1441 = arith.minsi %min3A_1433, %select_n3A_1440 : vector<16xi32>
      %eq3A_1442 = arith.cmpf oeq, %select_n3A_1278, %min3A_1327 : vector<16xf32>
      %add3A_1443 = arith.constant 224 : i32
      %add3A_1444 = vector.broadcast %add3A_1443 : i32 to vector<16xi32>
      %add3A_1445 = arith.addi %iota3A, %add3A_1444 : vector<16xi32>
      %jit3A_1446 = arith.constant 256 : i32
      %broadcast_in_dim3A_1447 = vector.broadcast %jit3A_1446 : i32 to vector<16xi32>
      %select_n3A_1448 = arith.select %eq3A_1442, %add3A_1445, %broadcast_in_dim3A_1447 : vector<16xi1>, vector<16xi32>
      %min3A_1449 = arith.minsi %min3A_1441, %select_n3A_1448 : vector<16xi32>
      %eq3A_1450 = arith.cmpf oeq, %select_n3A_1285, %min3A_1327 : vector<16xf32>
      %add3A_1451 = arith.constant 240 : i32
      %add3A_1452 = vector.broadcast %add3A_1451 : i32 to vector<16xi32>
      %add3A_1453 = arith.addi %iota3A, %add3A_1452 : vector<16xi32>
      %jit3A_1454 = arith.constant 256 : i32
      %broadcast_in_dim3A_1455 = vector.broadcast %jit3A_1454 : i32 to vector<16xi32>
      %select_n3A_1456 = arith.select %eq3A_1450, %add3A_1453, %broadcast_in_dim3A_1455 : vector<16xi1>, vector<16xi32>
      %min3A_1457 = arith.minsi %min3A_1449, %select_n3A_1456 : vector<16xi32>
      %rev3A_1458 = arith.constant 15 : i32
      %rev3A_1459 = vector.broadcast %rev3A_1458 : i32 to vector<16xi32>
      %rev3A_1460 = tpu.iota {dimensions = array<i32: 0>} : vector<16xi32>
      %rev3A_1461 = arith.subi %rev3A_1459, %rev3A_1460 : vector<16xi32>
      %rev3A_1462 = tpu.dynamic_gather %min3A_1457[%rev3A_1461] in [0] : vector<16xi32>, vector<16xi32> -> vector<16xi32>
      %min3A_1463 = arith.minsi %min3A_1457, %rev3A_1462 : vector<16xi32>
      %swap3A_1464 = arith.constant 0 : index
      %swap3A_1465 = tpu.vector_load %arg7[%swap3A_1464] {strides = array<i32>} : memref<16xi32, #tpu.memory_space<vmem>>, vector<16xi32>,
      tpu.vector_store %arg7[%swap3A_1464], %min3A_1463 {strides = array<i32>} : memref<16xi32, #tpu.memory_space<vmem>>, vector<16xi32>,
      %xor3A_1466 = arith.constant 4 : i32
      %xor3A_1467 = vector.broadcast %xor3A_1466 : i32 to vector<16xi32>
      %xor3A_1468 = arith.xori %iota3A, %xor3A_1467 : vector<16xi32>
      %gather3A_1469 = tpu.vector_load_idx %arg7[%xor3A_1468] : memref<16xi32, #tpu.memory_space<vmem>>[vector<16xi32>], vector<16xi32>,
      %min3A_1470 = arith.minsi %min3A_1463, %gather3A_1469 : vector<16xi32>
      %swap3A_1471 = arith.constant 0 : index
      %swap3A_1472 = tpu.vector_load %arg7[%swap3A_1471] {strides = array<i32>} : memref<16xi32, #tpu.memory_space<vmem>>, vector<16xi32>,
      tpu.vector_store %arg7[%swap3A_1471], %min3A_1470 {strides = array<i32>} : memref<16xi32, #tpu.memory_space<vmem>>, vector<16xi32>,
      %xor3A_1473 = arith.constant 2 : i32
      %xor3A_1474 = vector.broadcast %xor3A_1473 : i32 to vector<16xi32>
      %xor3A_1475 = arith.xori %iota3A, %xor3A_1474 : vector<16xi32>
      %gather3A_1476 = tpu.vector_load_idx %arg7[%xor3A_1475] : memref<16xi32, #tpu.memory_space<vmem>>[vector<16xi32>], vector<16xi32>,
      %min3A_1477 = arith.minsi %min3A_1470, %gather3A_1476 : vector<16xi32>
      %swap3A_1478 = arith.constant 0 : index
      %swap3A_1479 = tpu.vector_load %arg7[%swap3A_1478] {strides = array<i32>} : memref<16xi32, #tpu.memory_space<vmem>>, vector<16xi32>,
      tpu.vector_store %arg7[%swap3A_1478], %min3A_1477 {strides = array<i32>} : memref<16xi32, #tpu.memory_space<vmem>>, vector<16xi32>,
      %xor3A_1480 = arith.constant 1 : i32
      %xor3A_1481 = vector.broadcast %xor3A_1480 : i32 to vector<16xi32>
      %xor3A_1482 = arith.xori %iota3A, %xor3A_1481 : vector<16xi32>
      %gather3A_1483 = tpu.vector_load_idx %arg7[%xor3A_1482] : memref<16xi32, #tpu.memory_space<vmem>>[vector<16xi32>], vector<16xi32>,
      %min3A_1484 = arith.minsi %min3A_1477, %gather3A_1483 : vector<16xi32>
      %eq3A_1485 = arith.constant 4 : i32
      %eq3A_1486 = vector.broadcast %eq3A_1485 : i32 to vector<16xi32>
      %eq3A_1487 = arith.cmpi eq, %iota3A, %eq3A_1486 : vector<16xi32>
      %select_n3A_1488 = arith.select %eq3A_1487, %min3A_1484, %select_n3A_1173 : vector<16xi1>, vector<16xi32>
      %add3A_1489 = arith.constant 0 : i32
      %add3A_1490 = vector.broadcast %add3A_1489 : i32 to vector<16xi32>
      %add3A_1491 = arith.addi %iota3A, %add3A_1490 : vector<16xi32>
      %eq3A_1492 = arith.cmpi eq, %add3A_1491, %min3A_1484 : vector<16xi32>
      %jit3A_1493 = arith.constant 0x7F800000 : f32
      %broadcast_in_dim3A_1494 = vector.broadcast %jit3A_1493 : f32 to vector<16xf32>
      %select_n3A_1495 = arith.select %eq3A_1492, %broadcast_in_dim3A_1494, %select_n3A_1180 : vector<16xi1>, vector<16xf32>
      %add3A_1496 = arith.constant 16 : i32
      %add3A_1497 = vector.broadcast %add3A_1496 : i32 to vector<16xi32>
      %add3A_1498 = arith.addi %iota3A, %add3A_1497 : vector<16xi32>
      %eq3A_1499 = arith.cmpi eq, %add3A_1498, %min3A_1484 : vector<16xi32>
      %jit3A_1500 = arith.constant 0x7F800000 : f32
      %broadcast_in_dim3A_1501 = vector.broadcast %jit3A_1500 : f32 to vector<16xf32>
      %select_n3A_1502 = arith.select %eq3A_1499, %broadcast_in_dim3A_1501, %select_n3A_1187 : vector<16xi1>, vector<16xf32>
      %add3A_1503 = arith.constant 32 : i32
      %add3A_1504 = vector.broadcast %add3A_1503 : i32 to vector<16xi32>
      %add3A_1505 = arith.addi %iota3A, %add3A_1504 : vector<16xi32>
      %eq3A_1506 = arith.cmpi eq, %add3A_1505, %min3A_1484 : vector<16xi32>
      %jit3A_1507 = arith.constant 0x7F800000 : f32
      %broadcast_in_dim3A_1508 = vector.broadcast %jit3A_1507 : f32 to vector<16xf32>
      %select_n3A_1509 = arith.select %eq3A_1506, %broadcast_in_dim3A_1508, %select_n3A_1194 : vector<16xi1>, vector<16xf32>
      %add3A_1510 = arith.constant 48 : i32
      %add3A_1511 = vector.broadcast %add3A_1510 : i32 to vector<16xi32>
      %add3A_1512 = arith.addi %iota3A, %add3A_1511 : vector<16xi32>
      %eq3A_1513 = arith.cmpi eq, %add3A_1512, %min3A_1484 : vector<16xi32>
      %jit3A_1514 = arith.constant 0x7F800000 : f32
      %broadcast_in_dim3A_1515 = vector.broadcast %jit3A_1514 : f32 to vector<16xf32>
      %select_n3A_1516 = arith.select %eq3A_1513, %broadcast_in_dim3A_1515, %select_n3A_1201 : vector<16xi1>, vector<16xf32>
      %add3A_1517 = arith.constant 64 : i32
      %add3A_1518 = vector.broadcast %add3A_1517 : i32 to vector<16xi32>
      %add3A_1519 = arith.addi %iota3A, %add3A_1518 : vector<16xi32>
      %eq3A_1520 = arith.cmpi eq, %add3A_1519, %min3A_1484 : vector<16xi32>
      %jit3A_1521 = arith.constant 0x7F800000 : f32
      %broadcast_in_dim3A_1522 = vector.broadcast %jit3A_1521 : f32 to vector<16xf32>
      %select_n3A_1523 = arith.select %eq3A_1520, %broadcast_in_dim3A_1522, %select_n3A_1208 : vector<16xi1>, vector<16xf32>
      %add3A_1524 = arith.constant 80 : i32
      %add3A_1525 = vector.broadcast %add3A_1524 : i32 to vector<16xi32>
      %add3A_1526 = arith.addi %iota3A, %add3A_1525 : vector<16xi32>
      %eq3A_1527 = arith.cmpi eq, %add3A_1526, %min3A_1484 : vector<16xi32>
      %jit3A_1528 = arith.constant 0x7F800000 : f32
      %broadcast_in_dim3A_1529 = vector.broadcast %jit3A_1528 : f32 to vector<16xf32>
      %select_n3A_1530 = arith.select %eq3A_1527, %broadcast_in_dim3A_1529, %select_n3A_1215 : vector<16xi1>, vector<16xf32>
      %add3A_1531 = arith.constant 96 : i32
      %add3A_1532 = vector.broadcast %add3A_1531 : i32 to vector<16xi32>
      %add3A_1533 = arith.addi %iota3A, %add3A_1532 : vector<16xi32>
      %eq3A_1534 = arith.cmpi eq, %add3A_1533, %min3A_1484 : vector<16xi32>
      %jit3A_1535 = arith.constant 0x7F800000 : f32
      %broadcast_in_dim3A_1536 = vector.broadcast %jit3A_1535 : f32 to vector<16xf32>
      %select_n3A_1537 = arith.select %eq3A_1534, %broadcast_in_dim3A_1536, %select_n3A_1222 : vector<16xi1>, vector<16xf32>
      %add3A_1538 = arith.constant 112 : i32
      %add3A_1539 = vector.broadcast %add3A_1538 : i32 to vector<16xi32>
      %add3A_1540 = arith.addi %iota3A, %add3A_1539 : vector<16xi32>
      %eq3A_1541 = arith.cmpi eq, %add3A_1540, %min3A_1484 : vector<16xi32>
      %jit3A_1542 = arith.constant 0x7F800000 : f32
      %broadcast_in_dim3A_1543 = vector.broadcast %jit3A_1542 : f32 to vector<16xf32>
      %select_n3A_1544 = arith.select %eq3A_1541, %broadcast_in_dim3A_1543, %select_n3A_1229 : vector<16xi1>, vector<16xf32>
      %add3A_1545 = arith.constant 128 : i32
      %add3A_1546 = vector.broadcast %add3A_1545 : i32 to vector<16xi32>
      %add3A_1547 = arith.addi %iota3A, %add3A_1546 : vector<16xi32>
      %eq3A_1548 = arith.cmpi eq, %add3A_1547, %min3A_1484 : vector<16xi32>
      %jit3A_1549 = arith.constant 0x7F800000 : f32
      %broadcast_in_dim3A_1550 = vector.broadcast %jit3A_1549 : f32 to vector<16xf32>
      %select_n3A_1551 = arith.select %eq3A_1548, %broadcast_in_dim3A_1550, %select_n3A_1236 : vector<16xi1>, vector<16xf32>
      %add3A_1552 = arith.constant 144 : i32
      %add3A_1553 = vector.broadcast %add3A_1552 : i32 to vector<16xi32>
      %add3A_1554 = arith.addi %iota3A, %add3A_1553 : vector<16xi32>
      %eq3A_1555 = arith.cmpi eq, %add3A_1554, %min3A_1484 : vector<16xi32>
      %jit3A_1556 = arith.constant 0x7F800000 : f32
      %broadcast_in_dim3A_1557 = vector.broadcast %jit3A_1556 : f32 to vector<16xf32>
      %select_n3A_1558 = arith.select %eq3A_1555, %broadcast_in_dim3A_1557, %select_n3A_1243 : vector<16xi1>, vector<16xf32>
      %add3A_1559 = arith.constant 160 : i32
      %add3A_1560 = vector.broadcast %add3A_1559 : i32 to vector<16xi32>
      %add3A_1561 = arith.addi %iota3A, %add3A_1560 : vector<16xi32>
      %eq3A_1562 = arith.cmpi eq, %add3A_1561, %min3A_1484 : vector<16xi32>
      %jit3A_1563 = arith.constant 0x7F800000 : f32
      %broadcast_in_dim3A_1564 = vector.broadcast %jit3A_1563 : f32 to vector<16xf32>
      %select_n3A_1565 = arith.select %eq3A_1562, %broadcast_in_dim3A_1564, %select_n3A_1250 : vector<16xi1>, vector<16xf32>
      %add3A_1566 = arith.constant 176 : i32
      %add3A_1567 = vector.broadcast %add3A_1566 : i32 to vector<16xi32>
      %add3A_1568 = arith.addi %iota3A, %add3A_1567 : vector<16xi32>
      %eq3A_1569 = arith.cmpi eq, %add3A_1568, %min3A_1484 : vector<16xi32>
      %jit3A_1570 = arith.constant 0x7F800000 : f32
      %broadcast_in_dim3A_1571 = vector.broadcast %jit3A_1570 : f32 to vector<16xf32>
      %select_n3A_1572 = arith.select %eq3A_1569, %broadcast_in_dim3A_1571, %select_n3A_1257 : vector<16xi1>, vector<16xf32>
      %add3A_1573 = arith.constant 192 : i32
      %add3A_1574 = vector.broadcast %add3A_1573 : i32 to vector<16xi32>
      %add3A_1575 = arith.addi %iota3A, %add3A_1574 : vector<16xi32>
      %eq3A_1576 = arith.cmpi eq, %add3A_1575, %min3A_1484 : vector<16xi32>
      %jit3A_1577 = arith.constant 0x7F800000 : f32
      %broadcast_in_dim3A_1578 = vector.broadcast %jit3A_1577 : f32 to vector<16xf32>
      %select_n3A_1579 = arith.select %eq3A_1576, %broadcast_in_dim3A_1578, %select_n3A_1264 : vector<16xi1>, vector<16xf32>
      %add3A_1580 = arith.constant 208 : i32
      %add3A_1581 = vector.broadcast %add3A_1580 : i32 to vector<16xi32>
      %add3A_1582 = arith.addi %iota3A, %add3A_1581 : vector<16xi32>
      %eq3A_1583 = arith.cmpi eq, %add3A_1582, %min3A_1484 : vector<16xi32>
      %jit3A_1584 = arith.constant 0x7F800000 : f32
      %broadcast_in_dim3A_1585 = vector.broadcast %jit3A_1584 : f32 to vector<16xf32>
      %select_n3A_1586 = arith.select %eq3A_1583, %broadcast_in_dim3A_1585, %select_n3A_1271 : vector<16xi1>, vector<16xf32>
      %add3A_1587 = arith.constant 224 : i32
      %add3A_1588 = vector.broadcast %add3A_1587 : i32 to vector<16xi32>
      %add3A_1589 = arith.addi %iota3A, %add3A_1588 : vector<16xi32>
      %eq3A_1590 = arith.cmpi eq, %add3A_1589, %min3A_1484 : vector<16xi32>
      %jit3A_1591 = arith.constant 0x7F800000 : f32
      %broadcast_in_dim3A_1592 = vector.broadcast %jit3A_1591 : f32 to vector<16xf32>
      %select_n3A_1593 = arith.select %eq3A_1590, %broadcast_in_dim3A_1592, %select_n3A_1278 : vector<16xi1>, vector<16xf32>
      %add3A_1594 = arith.constant 240 : i32
      %add3A_1595 = vector.broadcast %add3A_1594 : i32 to vector<16xi32>
      %add3A_1596 = arith.addi %iota3A, %add3A_1595 : vector<16xi32>
      %eq3A_1597 = arith.cmpi eq, %add3A_1596, %min3A_1484 : vector<16xi32>
      %jit3A_1598 = arith.constant 0x7F800000 : f32
      %broadcast_in_dim3A_1599 = vector.broadcast %jit3A_1598 : f32 to vector<16xf32>
      %select_n3A_1600 = arith.select %eq3A_1597, %broadcast_in_dim3A_1599, %select_n3A_1285 : vector<16xi1>, vector<16xf32>
      %min3A_1601 = arith.minimumf %select_n3A_1495, %select_n3A_1502 : vector<16xf32>
      %min3A_1602 = arith.minimumf %min3A_1601, %select_n3A_1509 : vector<16xf32>
      %min3A_1603 = arith.minimumf %min3A_1602, %select_n3A_1516 : vector<16xf32>
      %min3A_1604 = arith.minimumf %min3A_1603, %select_n3A_1523 : vector<16xf32>
      %min3A_1605 = arith.minimumf %min3A_1604, %select_n3A_1530 : vector<16xf32>
      %min3A_1606 = arith.minimumf %min3A_1605, %select_n3A_1537 : vector<16xf32>
      %min3A_1607 = arith.minimumf %min3A_1606, %select_n3A_1544 : vector<16xf32>
      %min3A_1608 = arith.minimumf %min3A_1607, %select_n3A_1551 : vector<16xf32>
      %min3A_1609 = arith.minimumf %min3A_1608, %select_n3A_1558 : vector<16xf32>
      %min3A_1610 = arith.minimumf %min3A_1609, %select_n3A_1565 : vector<16xf32>
      %min3A_1611 = arith.minimumf %min3A_1610, %select_n3A_1572 : vector<16xf32>
      %min3A_1612 = arith.minimumf %min3A_1611, %select_n3A_1579 : vector<16xf32>
      %min3A_1613 = arith.minimumf %min3A_1612, %select_n3A_1586 : vector<16xf32>
      %min3A_1614 = arith.minimumf %min3A_1613, %select_n3A_1593 : vector<16xf32>
      %min3A_1615 = arith.minimumf %min3A_1614, %select_n3A_1600 : vector<16xf32>
      %rev3A_1616 = arith.constant 15 : i32
      %rev3A_1617 = vector.broadcast %rev3A_1616 : i32 to vector<16xi32>
      %rev3A_1618 = tpu.iota {dimensions = array<i32: 0>} : vector<16xi32>
      %rev3A_1619 = arith.subi %rev3A_1617, %rev3A_1618 : vector<16xi32>
      %rev3A_1620 = tpu.dynamic_gather %min3A_1615[%rev3A_1619] in [0] : vector<16xf32>, vector<16xi32> -> vector<16xf32>
      %min3A_1621 = arith.minimumf %min3A_1615, %rev3A_1620 : vector<16xf32>
      %swap3A_1622 = arith.constant 0 : index
      %swap3A_1623 = tpu.vector_load %arg6[%swap3A_1622] {strides = array<i32>} : memref<16xf32, #tpu.memory_space<vmem>>, vector<16xf32>,
      tpu.vector_store %arg6[%swap3A_1622], %min3A_1621 {strides = array<i32>} : memref<16xf32, #tpu.memory_space<vmem>>, vector<16xf32>,
      %xor3A_1624 = arith.constant 4 : i32
      %xor3A_1625 = vector.broadcast %xor3A_1624 : i32 to vector<16xi32>
      %xor3A_1626 = arith.xori %iota3A, %xor3A_1625 : vector<16xi32>
      %gather3A_1627 = tpu.vector_load_idx %arg6[%xor3A_1626] : memref<16xf32, #tpu.memory_space<vmem>>[vector<16xi32>], vector<16xf32>,
      %min3A_1628 = arith.minimumf %min3A_1621, %gather3A_1627 : vector<16xf32>
      %swap3A_1629 = arith.constant 0 : index
      %swap3A_1630 = tpu.vector_load %arg6[%swap3A_1629] {strides = array<i32>} : memref<16xf32, #tpu.memory_space<vmem>>, vector<16xf32>,
      tpu.vector_store %arg6[%swap3A_1629], %min3A_1628 {strides = array<i32>} : memref<16xf32, #tpu.memory_space<vmem>>, vector<16xf32>,
      %xor3A_1631 = arith.constant 2 : i32
      %xor3A_1632 = vector.broadcast %xor3A_1631 : i32 to vector<16xi32>
      %xor3A_1633 = arith.xori %iota3A, %xor3A_1632 : vector<16xi32>
      %gather3A_1634 = tpu.vector_load_idx %arg6[%xor3A_1633] : memref<16xf32, #tpu.memory_space<vmem>>[vector<16xi32>], vector<16xf32>,
      %min3A_1635 = arith.minimumf %min3A_1628, %gather3A_1634 : vector<16xf32>
      %swap3A_1636 = arith.constant 0 : index
      %swap3A_1637 = tpu.vector_load %arg6[%swap3A_1636] {strides = array<i32>} : memref<16xf32, #tpu.memory_space<vmem>>, vector<16xf32>,
      tpu.vector_store %arg6[%swap3A_1636], %min3A_1635 {strides = array<i32>} : memref<16xf32, #tpu.memory_space<vmem>>, vector<16xf32>,
      %xor3A_1638 = arith.constant 1 : i32
      %xor3A_1639 = vector.broadcast %xor3A_1638 : i32 to vector<16xi32>
      %xor3A_1640 = arith.xori %iota3A, %xor3A_1639 : vector<16xi32>
      %gather3A_1641 = tpu.vector_load_idx %arg6[%xor3A_1640] : memref<16xf32, #tpu.memory_space<vmem>>[vector<16xi32>], vector<16xf32>,
      %min3A_1642 = arith.minimumf %min3A_1635, %gather3A_1641 : vector<16xf32>
      %broadcast_in_dim3A_1643 = arith.constant 256 : i32
      %broadcast_in_dim3A_1644 = vector.broadcast %broadcast_in_dim3A_1643 : i32 to vector<16xi32>
      %eq3A_1645 = arith.cmpf oeq, %select_n3A_1495, %min3A_1642 : vector<16xf32>
      %add3A_1646 = arith.constant 0 : i32
      %add3A_1647 = vector.broadcast %add3A_1646 : i32 to vector<16xi32>
      %add3A_1648 = arith.addi %iota3A, %add3A_1647 : vector<16xi32>
      %jit3A_1649 = arith.constant 256 : i32
      %broadcast_in_dim3A_1650 = vector.broadcast %jit3A_1649 : i32 to vector<16xi32>
      %select_n3A_1651 = arith.select %eq3A_1645, %add3A_1648, %broadcast_in_dim3A_1650 : vector<16xi1>, vector<16xi32>
      %min3A_1652 = arith.minsi %broadcast_in_dim3A_1644, %select_n3A_1651 : vector<16xi32>
      %eq3A_1653 = arith.cmpf oeq, %select_n3A_1502, %min3A_1642 : vector<16xf32>
      %add3A_1654 = arith.constant 16 : i32
      %add3A_1655 = vector.broadcast %add3A_1654 : i32 to vector<16xi32>
      %add3A_1656 = arith.addi %iota3A, %add3A_1655 : vector<16xi32>
      %jit3A_1657 = arith.constant 256 : i32
      %broadcast_in_dim3A_1658 = vector.broadcast %jit3A_1657 : i32 to vector<16xi32>
      %select_n3A_1659 = arith.select %eq3A_1653, %add3A_1656, %broadcast_in_dim3A_1658 : vector<16xi1>, vector<16xi32>
      %min3A_1660 = arith.minsi %min3A_1652, %select_n3A_1659 : vector<16xi32>
      %eq3A_1661 = arith.cmpf oeq, %select_n3A_1509, %min3A_1642 : vector<16xf32>
      %add3A_1662 = arith.constant 32 : i32
      %add3A_1663 = vector.broadcast %add3A_1662 : i32 to vector<16xi32>
      %add3A_1664 = arith.addi %iota3A, %add3A_1663 : vector<16xi32>
      %jit3A_1665 = arith.constant 256 : i32
      %broadcast_in_dim3A_1666 = vector.broadcast %jit3A_1665 : i32 to vector<16xi32>
      %select_n3A_1667 = arith.select %eq3A_1661, %add3A_1664, %broadcast_in_dim3A_1666 : vector<16xi1>, vector<16xi32>
      %min3A_1668 = arith.minsi %min3A_1660, %select_n3A_1667 : vector<16xi32>
      %eq3A_1669 = arith.cmpf oeq, %select_n3A_1516, %min3A_1642 : vector<16xf32>
      %add3A_1670 = arith.constant 48 : i32
      %add3A_1671 = vector.broadcast %add3A_1670 : i32 to vector<16xi32>
      %add3A_1672 = arith.addi %iota3A, %add3A_1671 : vector<16xi32>
      %jit3A_1673 = arith.constant 256 : i32
      %broadcast_in_dim3A_1674 = vector.broadcast %jit3A_1673 : i32 to vector<16xi32>
      %select_n3A_1675 = arith.select %eq3A_1669, %add3A_1672, %broadcast_in_dim3A_1674 : vector<16xi1>, vector<16xi32>
      %min3A_1676 = arith.minsi %min3A_1668, %select_n3A_1675 : vector<16xi32>
      %eq3A_1677 = arith.cmpf oeq, %select_n3A_1523, %min3A_1642 : vector<16xf32>
      %add3A_1678 = arith.constant 64 : i32
      %add3A_1679 = vector.broadcast %add3A_1678 : i32 to vector<16xi32>
      %add3A_1680 = arith.addi %iota3A, %add3A_1679 : vector<16xi32>
      %jit3A_1681 = arith.constant 256 : i32
      %broadcast_in_dim3A_1682 = vector.broadcast %jit3A_1681 : i32 to vector<16xi32>
      %select_n3A_1683 = arith.select %eq3A_1677, %add3A_1680, %broadcast_in_dim3A_1682 : vector<16xi1>, vector<16xi32>
      %min3A_1684 = arith.minsi %min3A_1676, %select_n3A_1683 : vector<16xi32>
      %eq3A_1685 = arith.cmpf oeq, %select_n3A_1530, %min3A_1642 : vector<16xf32>
      %add3A_1686 = arith.constant 80 : i32
      %add3A_1687 = vector.broadcast %add3A_1686 : i32 to vector<16xi32>
      %add3A_1688 = arith.addi %iota3A, %add3A_1687 : vector<16xi32>
      %jit3A_1689 = arith.constant 256 : i32
      %broadcast_in_dim3A_1690 = vector.broadcast %jit3A_1689 : i32 to vector<16xi32>
      %select_n3A_1691 = arith.select %eq3A_1685, %add3A_1688, %broadcast_in_dim3A_1690 : vector<16xi1>, vector<16xi32>
      %min3A_1692 = arith.minsi %min3A_1684, %select_n3A_1691 : vector<16xi32>
      %eq3A_1693 = arith.cmpf oeq, %select_n3A_1537, %min3A_1642 : vector<16xf32>
      %add3A_1694 = arith.constant 96 : i32
      %add3A_1695 = vector.broadcast %add3A_1694 : i32 to vector<16xi32>
      %add3A_1696 = arith.addi %iota3A, %add3A_1695 : vector<16xi32>
      %jit3A_1697 = arith.constant 256 : i32
      %broadcast_in_dim3A_1698 = vector.broadcast %jit3A_1697 : i32 to vector<16xi32>
      %select_n3A_1699 = arith.select %eq3A_1693, %add3A_1696, %broadcast_in_dim3A_1698 : vector<16xi1>, vector<16xi32>
      %min3A_1700 = arith.minsi %min3A_1692, %select_n3A_1699 : vector<16xi32>
      %eq3A_1701 = arith.cmpf oeq, %select_n3A_1544, %min3A_1642 : vector<16xf32>
      %add3A_1702 = arith.constant 112 : i32
      %add3A_1703 = vector.broadcast %add3A_1702 : i32 to vector<16xi32>
      %add3A_1704 = arith.addi %iota3A, %add3A_1703 : vector<16xi32>
      %jit3A_1705 = arith.constant 256 : i32
      %broadcast_in_dim3A_1706 = vector.broadcast %jit3A_1705 : i32 to vector<16xi32>
      %select_n3A_1707 = arith.select %eq3A_1701, %add3A_1704, %broadcast_in_dim3A_1706 : vector<16xi1>, vector<16xi32>
      %min3A_1708 = arith.minsi %min3A_1700, %select_n3A_1707 : vector<16xi32>
      %eq3A_1709 = arith.cmpf oeq, %select_n3A_1551, %min3A_1642 : vector<16xf32>
      %add3A_1710 = arith.constant 128 : i32
      %add3A_1711 = vector.broadcast %add3A_1710 : i32 to vector<16xi32>
      %add3A_1712 = arith.addi %iota3A, %add3A_1711 : vector<16xi32>
      %jit3A_1713 = arith.constant 256 : i32
      %broadcast_in_dim3A_1714 = vector.broadcast %jit3A_1713 : i32 to vector<16xi32>
      %select_n3A_1715 = arith.select %eq3A_1709, %add3A_1712, %broadcast_in_dim3A_1714 : vector<16xi1>, vector<16xi32>
      %min3A_1716 = arith.minsi %min3A_1708, %select_n3A_1715 : vector<16xi32>
      %eq3A_1717 = arith.cmpf oeq, %select_n3A_1558, %min3A_1642 : vector<16xf32>
      %add3A_1718 = arith.constant 144 : i32
      %add3A_1719 = vector.broadcast %add3A_1718 : i32 to vector<16xi32>
      %add3A_1720 = arith.addi %iota3A, %add3A_1719 : vector<16xi32>
      %jit3A_1721 = arith.constant 256 : i32
      %broadcast_in_dim3A_1722 = vector.broadcast %jit3A_1721 : i32 to vector<16xi32>
      %select_n3A_1723 = arith.select %eq3A_1717, %add3A_1720, %broadcast_in_dim3A_1722 : vector<16xi1>, vector<16xi32>
      %min3A_1724 = arith.minsi %min3A_1716, %select_n3A_1723 : vector<16xi32>
      %eq3A_1725 = arith.cmpf oeq, %select_n3A_1565, %min3A_1642 : vector<16xf32>
      %add3A_1726 = arith.constant 160 : i32
      %add3A_1727 = vector.broadcast %add3A_1726 : i32 to vector<16xi32>
      %add3A_1728 = arith.addi %iota3A, %add3A_1727 : vector<16xi32>
      %jit3A_1729 = arith.constant 256 : i32
      %broadcast_in_dim3A_1730 = vector.broadcast %jit3A_1729 : i32 to vector<16xi32>
      %select_n3A_1731 = arith.select %eq3A_1725, %add3A_1728, %broadcast_in_dim3A_1730 : vector<16xi1>, vector<16xi32>
      %min3A_1732 = arith.minsi %min3A_1724, %select_n3A_1731 : vector<16xi32>
      %eq3A_1733 = arith.cmpf oeq, %select_n3A_1572, %min3A_1642 : vector<16xf32>
      %add3A_1734 = arith.constant 176 : i32
      %add3A_1735 = vector.broadcast %add3A_1734 : i32 to vector<16xi32>
      %add3A_1736 = arith.addi %iota3A, %add3A_1735 : vector<16xi32>
      %jit3A_1737 = arith.constant 256 : i32
      %broadcast_in_dim3A_1738 = vector.broadcast %jit3A_1737 : i32 to vector<16xi32>
      %select_n3A_1739 = arith.select %eq3A_1733, %add3A_1736, %broadcast_in_dim3A_1738 : vector<16xi1>, vector<16xi32>
      %min3A_1740 = arith.minsi %min3A_1732, %select_n3A_1739 : vector<16xi32>
      %eq3A_1741 = arith.cmpf oeq, %select_n3A_1579, %min3A_1642 : vector<16xf32>
      %add3A_1742 = arith.constant 192 : i32
      %add3A_1743 = vector.broadcast %add3A_1742 : i32 to vector<16xi32>
      %add3A_1744 = arith.addi %iota3A, %add3A_1743 : vector<16xi32>
      %jit3A_1745 = arith.constant 256 : i32
      %broadcast_in_dim3A_1746 = vector.broadcast %jit3A_1745 : i32 to vector<16xi32>
      %select_n3A_1747 = arith.select %eq3A_1741, %add3A_1744, %broadcast_in_dim3A_1746 : vector<16xi1>, vector<16xi32>
      %min3A_1748 = arith.minsi %min3A_1740, %select_n3A_1747 : vector<16xi32>
      %eq3A_1749 = arith.cmpf oeq, %select_n3A_1586, %min3A_1642 : vector<16xf32>
      %add3A_1750 = arith.constant 208 : i32
      %add3A_1751 = vector.broadcast %add3A_1750 : i32 to vector<16xi32>
      %add3A_1752 = arith.addi %iota3A, %add3A_1751 : vector<16xi32>
      %jit3A_1753 = arith.constant 256 : i32
      %broadcast_in_dim3A_1754 = vector.broadcast %jit3A_1753 : i32 to vector<16xi32>
      %select_n3A_1755 = arith.select %eq3A_1749, %add3A_1752, %broadcast_in_dim3A_1754 : vector<16xi1>, vector<16xi32>
      %min3A_1756 = arith.minsi %min3A_1748, %select_n3A_1755 : vector<16xi32>
      %eq3A_1757 = arith.cmpf oeq, %select_n3A_1593, %min3A_1642 : vector<16xf32>
      %add3A_1758 = arith.constant 224 : i32
      %add3A_1759 = vector.broadcast %add3A_1758 : i32 to vector<16xi32>
      %add3A_1760 = arith.addi %iota3A, %add3A_1759 : vector<16xi32>
      %jit3A_1761 = arith.constant 256 : i32
      %broadcast_in_dim3A_1762 = vector.broadcast %jit3A_1761 : i32 to vector<16xi32>
      %select_n3A_1763 = arith.select %eq3A_1757, %add3A_1760, %broadcast_in_dim3A_1762 : vector<16xi1>, vector<16xi32>
      %min3A_1764 = arith.minsi %min3A_1756, %select_n3A_1763 : vector<16xi32>
      %eq3A_1765 = arith.cmpf oeq, %select_n3A_1600, %min3A_1642 : vector<16xf32>
      %add3A_1766 = arith.constant 240 : i32
      %add3A_1767 = vector.broadcast %add3A_1766 : i32 to vector<16xi32>
      %add3A_1768 = arith.addi %iota3A, %add3A_1767 : vector<16xi32>
      %jit3A_1769 = arith.constant 256 : i32
      %broadcast_in_dim3A_1770 = vector.broadcast %jit3A_1769 : i32 to vector<16xi32>
      %select_n3A_1771 = arith.select %eq3A_1765, %add3A_1768, %broadcast_in_dim3A_1770 : vector<16xi1>, vector<16xi32>
      %min3A_1772 = arith.minsi %min3A_1764, %select_n3A_1771 : vector<16xi32>
      %rev3A_1773 = arith.constant 15 : i32
      %rev3A_1774 = vector.broadcast %rev3A_1773 : i32 to vector<16xi32>
      %rev3A_1775 = tpu.iota {dimensions = array<i32: 0>} : vector<16xi32>
      %rev3A_1776 = arith.subi %rev3A_1774, %rev3A_1775 : vector<16xi32>
      %rev3A_1777 = tpu.dynamic_gather %min3A_1772[%rev3A_1776] in [0] : vector<16xi32>, vector<16xi32> -> vector<16xi32>
      %min3A_1778 = arith.minsi %min3A_1772, %rev3A_1777 : vector<16xi32>
      %swap3A_1779 = arith.constant 0 : index
      %swap3A_1780 = tpu.vector_load %arg7[%swap3A_1779] {strides = array<i32>} : memref<16xi32, #tpu.memory_space<vmem>>, vector<16xi32>,
      tpu.vector_store %arg7[%swap3A_1779], %min3A_1778 {strides = array<i32>} : memref<16xi32, #tpu.memory_space<vmem>>, vector<16xi32>,
      %xor3A_1781 = arith.constant 4 : i32
      %xor3A_1782 = vector.broadcast %xor3A_1781 : i32 to vector<16xi32>
      %xor3A_1783 = arith.xori %iota3A, %xor3A_1782 : vector<16xi32>
      %gather3A_1784 = tpu.vector_load_idx %arg7[%xor3A_1783] : memref<16xi32, #tpu.memory_space<vmem>>[vector<16xi32>], vector<16xi32>,
      %min3A_1785 = arith.minsi %min3A_1778, %gather3A_1784 : vector<16xi32>
      %swap3A_1786 = arith.constant 0 : index
      %swap3A_1787 = tpu.vector_load %arg7[%swap3A_1786] {strides = array<i32>} : memref<16xi32, #tpu.memory_space<vmem>>, vector<16xi32>,
      tpu.vector_store %arg7[%swap3A_1786], %min3A_1785 {strides = array<i32>} : memref<16xi32, #tpu.memory_space<vmem>>, vector<16xi32>,
      %xor3A_1788 = arith.constant 2 : i32
      %xor3A_1789 = vector.broadcast %xor3A_1788 : i32 to vector<16xi32>
      %xor3A_1790 = arith.xori %iota3A, %xor3A_1789 : vector<16xi32>
      %gather3A_1791 = tpu.vector_load_idx %arg7[%xor3A_1790] : memref<16xi32, #tpu.memory_space<vmem>>[vector<16xi32>], vector<16xi32>,
      %min3A_1792 = arith.minsi %min3A_1785, %gather3A_1791 : vector<16xi32>
      %swap3A_1793 = arith.constant 0 : index
      %swap3A_1794 = tpu.vector_load %arg7[%swap3A_1793] {strides = array<i32>} : memref<16xi32, #tpu.memory_space<vmem>>, vector<16xi32>,
      tpu.vector_store %arg7[%swap3A_1793], %min3A_1792 {strides = array<i32>} : memref<16xi32, #tpu.memory_space<vmem>>, vector<16xi32>,
      %xor3A_1795 = arith.constant 1 : i32
      %xor3A_1796 = vector.broadcast %xor3A_1795 : i32 to vector<16xi32>
      %xor3A_1797 = arith.xori %iota3A, %xor3A_1796 : vector<16xi32>
      %gather3A_1798 = tpu.vector_load_idx %arg7[%xor3A_1797] : memref<16xi32, #tpu.memory_space<vmem>>[vector<16xi32>], vector<16xi32>,
      %min3A_1799 = arith.minsi %min3A_1792, %gather3A_1798 : vector<16xi32>
      %eq3A_1800 = arith.constant 5 : i32
      %eq3A_1801 = vector.broadcast %eq3A_1800 : i32 to vector<16xi32>
      %eq3A_1802 = arith.cmpi eq, %iota3A, %eq3A_1801 : vector<16xi32>
      %select_n3A_1803 = arith.select %eq3A_1802, %min3A_1799, %select_n3A_1488 : vector<16xi1>, vector<16xi32>
      %add3A_1804 = arith.constant 0 : i32
      %add3A_1805 = vector.broadcast %add3A_1804 : i32 to vector<16xi32>
      %add3A_1806 = arith.addi %iota3A, %add3A_1805 : vector<16xi32>
      %eq3A_1807 = arith.cmpi eq, %add3A_1806, %min3A_1799 : vector<16xi32>
      %jit3A_1808 = arith.constant 0x7F800000 : f32
      %broadcast_in_dim3A_1809 = vector.broadcast %jit3A_1808 : f32 to vector<16xf32>
      %select_n3A_1810 = arith.select %eq3A_1807, %broadcast_in_dim3A_1809, %select_n3A_1495 : vector<16xi1>, vector<16xf32>
      %add3A_1811 = arith.constant 16 : i32
      %add3A_1812 = vector.broadcast %add3A_1811 : i32 to vector<16xi32>
      %add3A_1813 = arith.addi %iota3A, %add3A_1812 : vector<16xi32>
      %eq3A_1814 = arith.cmpi eq, %add3A_1813, %min3A_1799 : vector<16xi32>
      %jit3A_1815 = arith.constant 0x7F800000 : f32
      %broadcast_in_dim3A_1816 = vector.broadcast %jit3A_1815 : f32 to vector<16xf32>
      %select_n3A_1817 = arith.select %eq3A_1814, %broadcast_in_dim3A_1816, %select_n3A_1502 : vector<16xi1>, vector<16xf32>
      %add3A_1818 = arith.constant 32 : i32
      %add3A_1819 = vector.broadcast %add3A_1818 : i32 to vector<16xi32>
      %add3A_1820 = arith.addi %iota3A, %add3A_1819 : vector<16xi32>
      %eq3A_1821 = arith.cmpi eq, %add3A_1820, %min3A_1799 : vector<16xi32>
      %jit3A_1822 = arith.constant 0x7F800000 : f32
      %broadcast_in_dim3A_1823 = vector.broadcast %jit3A_1822 : f32 to vector<16xf32>
      %select_n3A_1824 = arith.select %eq3A_1821, %broadcast_in_dim3A_1823, %select_n3A_1509 : vector<16xi1>, vector<16xf32>
      %add3A_1825 = arith.constant 48 : i32
      %add3A_1826 = vector.broadcast %add3A_1825 : i32 to vector<16xi32>
      %add3A_1827 = arith.addi %iota3A, %add3A_1826 : vector<16xi32>
      %eq3A_1828 = arith.cmpi eq, %add3A_1827, %min3A_1799 : vector<16xi32>
      %jit3A_1829 = arith.constant 0x7F800000 : f32
      %broadcast_in_dim3A_1830 = vector.broadcast %jit3A_1829 : f32 to vector<16xf32>
      %select_n3A_1831 = arith.select %eq3A_1828, %broadcast_in_dim3A_1830, %select_n3A_1516 : vector<16xi1>, vector<16xf32>
      %add3A_1832 = arith.constant 64 : i32
      %add3A_1833 = vector.broadcast %add3A_1832 : i32 to vector<16xi32>
      %add3A_1834 = arith.addi %iota3A, %add3A_1833 : vector<16xi32>
      %eq3A_1835 = arith.cmpi eq, %add3A_1834, %min3A_1799 : vector<16xi32>
      %jit3A_1836 = arith.constant 0x7F800000 : f32
      %broadcast_in_dim3A_1837 = vector.broadcast %jit3A_1836 : f32 to vector<16xf32>
      %select_n3A_1838 = arith.select %eq3A_1835, %broadcast_in_dim3A_1837, %select_n3A_1523 : vector<16xi1>, vector<16xf32>
      %add3A_1839 = arith.constant 80 : i32
      %add3A_1840 = vector.broadcast %add3A_1839 : i32 to vector<16xi32>
      %add3A_1841 = arith.addi %iota3A, %add3A_1840 : vector<16xi32>
      %eq3A_1842 = arith.cmpi eq, %add3A_1841, %min3A_1799 : vector<16xi32>
      %jit3A_1843 = arith.constant 0x7F800000 : f32
      %broadcast_in_dim3A_1844 = vector.broadcast %jit3A_1843 : f32 to vector<16xf32>
      %select_n3A_1845 = arith.select %eq3A_1842, %broadcast_in_dim3A_1844, %select_n3A_1530 : vector<16xi1>, vector<16xf32>
      %add3A_1846 = arith.constant 96 : i32
      %add3A_1847 = vector.broadcast %add3A_1846 : i32 to vector<16xi32>
      %add3A_1848 = arith.addi %iota3A, %add3A_1847 : vector<16xi32>
      %eq3A_1849 = arith.cmpi eq, %add3A_1848, %min3A_1799 : vector<16xi32>
      %jit3A_1850 = arith.constant 0x7F800000 : f32
      %broadcast_in_dim3A_1851 = vector.broadcast %jit3A_1850 : f32 to vector<16xf32>
      %select_n3A_1852 = arith.select %eq3A_1849, %broadcast_in_dim3A_1851, %select_n3A_1537 : vector<16xi1>, vector<16xf32>
      %add3A_1853 = arith.constant 112 : i32
      %add3A_1854 = vector.broadcast %add3A_1853 : i32 to vector<16xi32>
      %add3A_1855 = arith.addi %iota3A, %add3A_1854 : vector<16xi32>
      %eq3A_1856 = arith.cmpi eq, %add3A_1855, %min3A_1799 : vector<16xi32>
      %jit3A_1857 = arith.constant 0x7F800000 : f32
      %broadcast_in_dim3A_1858 = vector.broadcast %jit3A_1857 : f32 to vector<16xf32>
      %select_n3A_1859 = arith.select %eq3A_1856, %broadcast_in_dim3A_1858, %select_n3A_1544 : vector<16xi1>, vector<16xf32>
      %add3A_1860 = arith.constant 128 : i32
      %add3A_1861 = vector.broadcast %add3A_1860 : i32 to vector<16xi32>
      %add3A_1862 = arith.addi %iota3A, %add3A_1861 : vector<16xi32>
      %eq3A_1863 = arith.cmpi eq, %add3A_1862, %min3A_1799 : vector<16xi32>
      %jit3A_1864 = arith.constant 0x7F800000 : f32
      %broadcast_in_dim3A_1865 = vector.broadcast %jit3A_1864 : f32 to vector<16xf32>
      %select_n3A_1866 = arith.select %eq3A_1863, %broadcast_in_dim3A_1865, %select_n3A_1551 : vector<16xi1>, vector<16xf32>
      %add3A_1867 = arith.constant 144 : i32
      %add3A_1868 = vector.broadcast %add3A_1867 : i32 to vector<16xi32>
      %add3A_1869 = arith.addi %iota3A, %add3A_1868 : vector<16xi32>
      %eq3A_1870 = arith.cmpi eq, %add3A_1869, %min3A_1799 : vector<16xi32>
      %jit3A_1871 = arith.constant 0x7F800000 : f32
      %broadcast_in_dim3A_1872 = vector.broadcast %jit3A_1871 : f32 to vector<16xf32>
      %select_n3A_1873 = arith.select %eq3A_1870, %broadcast_in_dim3A_1872, %select_n3A_1558 : vector<16xi1>, vector<16xf32>
      %add3A_1874 = arith.constant 160 : i32
      %add3A_1875 = vector.broadcast %add3A_1874 : i32 to vector<16xi32>
      %add3A_1876 = arith.addi %iota3A, %add3A_1875 : vector<16xi32>
      %eq3A_1877 = arith.cmpi eq, %add3A_1876, %min3A_1799 : vector<16xi32>
      %jit3A_1878 = arith.constant 0x7F800000 : f32
      %broadcast_in_dim3A_1879 = vector.broadcast %jit3A_1878 : f32 to vector<16xf32>
      %select_n3A_1880 = arith.select %eq3A_1877, %broadcast_in_dim3A_1879, %select_n3A_1565 : vector<16xi1>, vector<16xf32>
      %add3A_1881 = arith.constant 176 : i32
      %add3A_1882 = vector.broadcast %add3A_1881 : i32 to vector<16xi32>
      %add3A_1883 = arith.addi %iota3A, %add3A_1882 : vector<16xi32>
      %eq3A_1884 = arith.cmpi eq, %add3A_1883, %min3A_1799 : vector<16xi32>
      %jit3A_1885 = arith.constant 0x7F800000 : f32
      %broadcast_in_dim3A_1886 = vector.broadcast %jit3A_1885 : f32 to vector<16xf32>
      %select_n3A_1887 = arith.select %eq3A_1884, %broadcast_in_dim3A_1886, %select_n3A_1572 : vector<16xi1>, vector<16xf32>
      %add3A_1888 = arith.constant 192 : i32
      %add3A_1889 = vector.broadcast %add3A_1888 : i32 to vector<16xi32>
      %add3A_1890 = arith.addi %iota3A, %add3A_1889 : vector<16xi32>
      %eq3A_1891 = arith.cmpi eq, %add3A_1890, %min3A_1799 : vector<16xi32>
      %jit3A_1892 = arith.constant 0x7F800000 : f32
      %broadcast_in_dim3A_1893 = vector.broadcast %jit3A_1892 : f32 to vector<16xf32>
      %select_n3A_1894 = arith.select %eq3A_1891, %broadcast_in_dim3A_1893, %select_n3A_1579 : vector<16xi1>, vector<16xf32>
      %add3A_1895 = arith.constant 208 : i32
      %add3A_1896 = vector.broadcast %add3A_1895 : i32 to vector<16xi32>
      %add3A_1897 = arith.addi %iota3A, %add3A_1896 : vector<16xi32>
      %eq3A_1898 = arith.cmpi eq, %add3A_1897, %min3A_1799 : vector<16xi32>
      %jit3A_1899 = arith.constant 0x7F800000 : f32
      %broadcast_in_dim3A_1900 = vector.broadcast %jit3A_1899 : f32 to vector<16xf32>
      %select_n3A_1901 = arith.select %eq3A_1898, %broadcast_in_dim3A_1900, %select_n3A_1586 : vector<16xi1>, vector<16xf32>
      %add3A_1902 = arith.constant 224 : i32
      %add3A_1903 = vector.broadcast %add3A_1902 : i32 to vector<16xi32>
      %add3A_1904 = arith.addi %iota3A, %add3A_1903 : vector<16xi32>
      %eq3A_1905 = arith.cmpi eq, %add3A_1904, %min3A_1799 : vector<16xi32>
      %jit3A_1906 = arith.constant 0x7F800000 : f32
      %broadcast_in_dim3A_1907 = vector.broadcast %jit3A_1906 : f32 to vector<16xf32>
      %select_n3A_1908 = arith.select %eq3A_1905, %broadcast_in_dim3A_1907, %select_n3A_1593 : vector<16xi1>, vector<16xf32>
      %add3A_1909 = arith.constant 240 : i32
      %add3A_1910 = vector.broadcast %add3A_1909 : i32 to vector<16xi32>
      %add3A_1911 = arith.addi %iota3A, %add3A_1910 : vector<16xi32>
      %eq3A_1912 = arith.cmpi eq, %add3A_1911, %min3A_1799 : vector<16xi32>
      %jit3A_1913 = arith.constant 0x7F800000 : f32
      %broadcast_in_dim3A_1914 = vector.broadcast %jit3A_1913 : f32 to vector<16xf32>
      %select_n3A_1915 = arith.select %eq3A_1912, %broadcast_in_dim3A_1914, %select_n3A_1600 : vector<16xi1>, vector<16xf32>
      %min3A_1916 = arith.minimumf %select_n3A_1810, %select_n3A_1817 : vector<16xf32>
      %min3A_1917 = arith.minimumf %min3A_1916, %select_n3A_1824 : vector<16xf32>
      %min3A_1918 = arith.minimumf %min3A_1917, %select_n3A_1831 : vector<16xf32>
      %min3A_1919 = arith.minimumf %min3A_1918, %select_n3A_1838 : vector<16xf32>
      %min3A_1920 = arith.minimumf %min3A_1919, %select_n3A_1845 : vector<16xf32>
      %min3A_1921 = arith.minimumf %min3A_1920, %select_n3A_1852 : vector<16xf32>
      %min3A_1922 = arith.minimumf %min3A_1921, %select_n3A_1859 : vector<16xf32>
      %min3A_1923 = arith.minimumf %min3A_1922, %select_n3A_1866 : vector<16xf32>
      %min3A_1924 = arith.minimumf %min3A_1923, %select_n3A_1873 : vector<16xf32>
      %min3A_1925 = arith.minimumf %min3A_1924, %select_n3A_1880 : vector<16xf32>
      %min3A_1926 = arith.minimumf %min3A_1925, %select_n3A_1887 : vector<16xf32>
      %min3A_1927 = arith.minimumf %min3A_1926, %select_n3A_1894 : vector<16xf32>
      %min3A_1928 = arith.minimumf %min3A_1927, %select_n3A_1901 : vector<16xf32>
      %min3A_1929 = arith.minimumf %min3A_1928, %select_n3A_1908 : vector<16xf32>
      %min3A_1930 = arith.minimumf %min3A_1929, %select_n3A_1915 : vector<16xf32>
      %rev3A_1931 = arith.constant 15 : i32
      %rev3A_1932 = vector.broadcast %rev3A_1931 : i32 to vector<16xi32>
      %rev3A_1933 = tpu.iota {dimensions = array<i32: 0>} : vector<16xi32>
      %rev3A_1934 = arith.subi %rev3A_1932, %rev3A_1933 : vector<16xi32>
      %rev3A_1935 = tpu.dynamic_gather %min3A_1930[%rev3A_1934] in [0] : vector<16xf32>, vector<16xi32> -> vector<16xf32>
      %min3A_1936 = arith.minimumf %min3A_1930, %rev3A_1935 : vector<16xf32>
      %swap3A_1937 = arith.constant 0 : index
      %swap3A_1938 = tpu.vector_load %arg6[%swap3A_1937] {strides = array<i32>} : memref<16xf32, #tpu.memory_space<vmem>>, vector<16xf32>,
      tpu.vector_store %arg6[%swap3A_1937], %min3A_1936 {strides = array<i32>} : memref<16xf32, #tpu.memory_space<vmem>>, vector<16xf32>,
      %xor3A_1939 = arith.constant 4 : i32
      %xor3A_1940 = vector.broadcast %xor3A_1939 : i32 to vector<16xi32>
      %xor3A_1941 = arith.xori %iota3A, %xor3A_1940 : vector<16xi32>
      %gather3A_1942 = tpu.vector_load_idx %arg6[%xor3A_1941] : memref<16xf32, #tpu.memory_space<vmem>>[vector<16xi32>], vector<16xf32>,
      %min3A_1943 = arith.minimumf %min3A_1936, %gather3A_1942 : vector<16xf32>
      %swap3A_1944 = arith.constant 0 : index
      %swap3A_1945 = tpu.vector_load %arg6[%swap3A_1944] {strides = array<i32>} : memref<16xf32, #tpu.memory_space<vmem>>, vector<16xf32>,
      tpu.vector_store %arg6[%swap3A_1944], %min3A_1943 {strides = array<i32>} : memref<16xf32, #tpu.memory_space<vmem>>, vector<16xf32>,
      %xor3A_1946 = arith.constant 2 : i32
      %xor3A_1947 = vector.broadcast %xor3A_1946 : i32 to vector<16xi32>
      %xor3A_1948 = arith.xori %iota3A, %xor3A_1947 : vector<16xi32>
      %gather3A_1949 = tpu.vector_load_idx %arg6[%xor3A_1948] : memref<16xf32, #tpu.memory_space<vmem>>[vector<16xi32>], vector<16xf32>,
      %min3A_1950 = arith.minimumf %min3A_1943, %gather3A_1949 : vector<16xf32>
      %swap3A_1951 = arith.constant 0 : index
      %swap3A_1952 = tpu.vector_load %arg6[%swap3A_1951] {strides = array<i32>} : memref<16xf32, #tpu.memory_space<vmem>>, vector<16xf32>,
      tpu.vector_store %arg6[%swap3A_1951], %min3A_1950 {strides = array<i32>} : memref<16xf32, #tpu.memory_space<vmem>>, vector<16xf32>,
      %xor3A_1953 = arith.constant 1 : i32
      %xor3A_1954 = vector.broadcast %xor3A_1953 : i32 to vector<16xi32>
      %xor3A_1955 = arith.xori %iota3A, %xor3A_1954 : vector<16xi32>
      %gather3A_1956 = tpu.vector_load_idx %arg6[%xor3A_1955] : memref<16xf32, #tpu.memory_space<vmem>>[vector<16xi32>], vector<16xf32>,
      %min3A_1957 = arith.minimumf %min3A_1950, %gather3A_1956 : vector<16xf32>
      %broadcast_in_dim3A_1958 = arith.constant 256 : i32
      %broadcast_in_dim3A_1959 = vector.broadcast %broadcast_in_dim3A_1958 : i32 to vector<16xi32>
      %eq3A_1960 = arith.cmpf oeq, %select_n3A_1810, %min3A_1957 : vector<16xf32>
      %add3A_1961 = arith.constant 0 : i32
      %add3A_1962 = vector.broadcast %add3A_1961 : i32 to vector<16xi32>
      %add3A_1963 = arith.addi %iota3A, %add3A_1962 : vector<16xi32>
      %jit3A_1964 = arith.constant 256 : i32
      %broadcast_in_dim3A_1965 = vector.broadcast %jit3A_1964 : i32 to vector<16xi32>
      %select_n3A_1966 = arith.select %eq3A_1960, %add3A_1963, %broadcast_in_dim3A_1965 : vector<16xi1>, vector<16xi32>
      %min3A_1967 = arith.minsi %broadcast_in_dim3A_1959, %select_n3A_1966 : vector<16xi32>
      %eq3A_1968 = arith.cmpf oeq, %select_n3A_1817, %min3A_1957 : vector<16xf32>
      %add3A_1969 = arith.constant 16 : i32
      %add3A_1970 = vector.broadcast %add3A_1969 : i32 to vector<16xi32>
      %add3A_1971 = arith.addi %iota3A, %add3A_1970 : vector<16xi32>
      %jit3A_1972 = arith.constant 256 : i32
      %broadcast_in_dim3A_1973 = vector.broadcast %jit3A_1972 : i32 to vector<16xi32>
      %select_n3A_1974 = arith.select %eq3A_1968, %add3A_1971, %broadcast_in_dim3A_1973 : vector<16xi1>, vector<16xi32>
      %min3A_1975 = arith.minsi %min3A_1967, %select_n3A_1974 : vector<16xi32>
      %eq3A_1976 = arith.cmpf oeq, %select_n3A_1824, %min3A_1957 : vector<16xf32>
      %add3A_1977 = arith.constant 32 : i32
      %add3A_1978 = vector.broadcast %add3A_1977 : i32 to vector<16xi32>
      %add3A_1979 = arith.addi %iota3A, %add3A_1978 : vector<16xi32>
      %jit3A_1980 = arith.constant 256 : i32
      %broadcast_in_dim3A_1981 = vector.broadcast %jit3A_1980 : i32 to vector<16xi32>
      %select_n3A_1982 = arith.select %eq3A_1976, %add3A_1979, %broadcast_in_dim3A_1981 : vector<16xi1>, vector<16xi32>
      %min3A_1983 = arith.minsi %min3A_1975, %select_n3A_1982 : vector<16xi32>
      %eq3A_1984 = arith.cmpf oeq, %select_n3A_1831, %min3A_1957 : vector<16xf32>
      %add3A_1985 = arith.constant 48 : i32
      %add3A_1986 = vector.broadcast %add3A_1985 : i32 to vector<16xi32>
      %add3A_1987 = arith.addi %iota3A, %add3A_1986 : vector<16xi32>
      %jit3A_1988 = arith.constant 256 : i32
      %broadcast_in_dim3A_1989 = vector.broadcast %jit3A_1988 : i32 to vector<16xi32>
      %select_n3A_1990 = arith.select %eq3A_1984, %add3A_1987, %broadcast_in_dim3A_1989 : vector<16xi1>, vector<16xi32>
      %min3A_1991 = arith.minsi %min3A_1983, %select_n3A_1990 : vector<16xi32>
      %eq3A_1992 = arith.cmpf oeq, %select_n3A_1838, %min3A_1957 : vector<16xf32>
      %add3A_1993 = arith.constant 64 : i32
      %add3A_1994 = vector.broadcast %add3A_1993 : i32 to vector<16xi32>
      %add3A_1995 = arith.addi %iota3A, %add3A_1994 : vector<16xi32>
      %jit3A_1996 = arith.constant 256 : i32
      %broadcast_in_dim3A_1997 = vector.broadcast %jit3A_1996 : i32 to vector<16xi32>
      %select_n3A_1998 = arith.select %eq3A_1992, %add3A_1995, %broadcast_in_dim3A_1997 : vector<16xi1>, vector<16xi32>
      %min3A_1999 = arith.minsi %min3A_1991, %select_n3A_1998 : vector<16xi32>
      %eq3A_2000 = arith.cmpf oeq, %select_n3A_1845, %min3A_1957 : vector<16xf32>
      %add3A_2001 = arith.constant 80 : i32
      %add3A_2002 = vector.broadcast %add3A_2001 : i32 to vector<16xi32>
      %add3A_2003 = arith.addi %iota3A, %add3A_2002 : vector<16xi32>
      %jit3A_2004 = arith.constant 256 : i32
      %broadcast_in_dim3A_2005 = vector.broadcast %jit3A_2004 : i32 to vector<16xi32>
      %select_n3A_2006 = arith.select %eq3A_2000, %add3A_2003, %broadcast_in_dim3A_2005 : vector<16xi1>, vector<16xi32>
      %min3A_2007 = arith.minsi %min3A_1999, %select_n3A_2006 : vector<16xi32>
      %eq3A_2008 = arith.cmpf oeq, %select_n3A_1852, %min3A_1957 : vector<16xf32>
      %add3A_2009 = arith.constant 96 : i32
      %add3A_2010 = vector.broadcast %add3A_2009 : i32 to vector<16xi32>
      %add3A_2011 = arith.addi %iota3A, %add3A_2010 : vector<16xi32>
      %jit3A_2012 = arith.constant 256 : i32
      %broadcast_in_dim3A_2013 = vector.broadcast %jit3A_2012 : i32 to vector<16xi32>
      %select_n3A_2014 = arith.select %eq3A_2008, %add3A_2011, %broadcast_in_dim3A_2013 : vector<16xi1>, vector<16xi32>
      %min3A_2015 = arith.minsi %min3A_2007, %select_n3A_2014 : vector<16xi32>
      %eq3A_2016 = arith.cmpf oeq, %select_n3A_1859, %min3A_1957 : vector<16xf32>
      %add3A_2017 = arith.constant 112 : i32
      %add3A_2018 = vector.broadcast %add3A_2017 : i32 to vector<16xi32>
      %add3A_2019 = arith.addi %iota3A, %add3A_2018 : vector<16xi32>
      %jit3A_2020 = arith.constant 256 : i32
      %broadcast_in_dim3A_2021 = vector.broadcast %jit3A_2020 : i32 to vector<16xi32>
      %select_n3A_2022 = arith.select %eq3A_2016, %add3A_2019, %broadcast_in_dim3A_2021 : vector<16xi1>, vector<16xi32>
      %min3A_2023 = arith.minsi %min3A_2015, %select_n3A_2022 : vector<16xi32>
      %eq3A_2024 = arith.cmpf oeq, %select_n3A_1866, %min3A_1957 : vector<16xf32>
      %add3A_2025 = arith.constant 128 : i32
      %add3A_2026 = vector.broadcast %add3A_2025 : i32 to vector<16xi32>
      %add3A_2027 = arith.addi %iota3A, %add3A_2026 : vector<16xi32>
      %jit3A_2028 = arith.constant 256 : i32
      %broadcast_in_dim3A_2029 = vector.broadcast %jit3A_2028 : i32 to vector<16xi32>
      %select_n3A_2030 = arith.select %eq3A_2024, %add3A_2027, %broadcast_in_dim3A_2029 : vector<16xi1>, vector<16xi32>
      %min3A_2031 = arith.minsi %min3A_2023, %select_n3A_2030 : vector<16xi32>
      %eq3A_2032 = arith.cmpf oeq, %select_n3A_1873, %min3A_1957 : vector<16xf32>
      %add3A_2033 = arith.constant 144 : i32
      %add3A_2034 = vector.broadcast %add3A_2033 : i32 to vector<16xi32>
      %add3A_2035 = arith.addi %iota3A, %add3A_2034 : vector<16xi32>
      %jit3A_2036 = arith.constant 256 : i32
      %broadcast_in_dim3A_2037 = vector.broadcast %jit3A_2036 : i32 to vector<16xi32>
      %select_n3A_2038 = arith.select %eq3A_2032, %add3A_2035, %broadcast_in_dim3A_2037 : vector<16xi1>, vector<16xi32>
      %min3A_2039 = arith.minsi %min3A_2031, %select_n3A_2038 : vector<16xi32>
      %eq3A_2040 = arith.cmpf oeq, %select_n3A_1880, %min3A_1957 : vector<16xf32>
      %add3A_2041 = arith.constant 160 : i32
      %add3A_2042 = vector.broadcast %add3A_2041 : i32 to vector<16xi32>
      %add3A_2043 = arith.addi %iota3A, %add3A_2042 : vector<16xi32>
      %jit3A_2044 = arith.constant 256 : i32
      %broadcast_in_dim3A_2045 = vector.broadcast %jit3A_2044 : i32 to vector<16xi32>
      %select_n3A_2046 = arith.select %eq3A_2040, %add3A_2043, %broadcast_in_dim3A_2045 : vector<16xi1>, vector<16xi32>
      %min3A_2047 = arith.minsi %min3A_2039, %select_n3A_2046 : vector<16xi32>
      %eq3A_2048 = arith.cmpf oeq, %select_n3A_1887, %min3A_1957 : vector<16xf32>
      %add3A_2049 = arith.constant 176 : i32
      %add3A_2050 = vector.broadcast %add3A_2049 : i32 to vector<16xi32>
      %add3A_2051 = arith.addi %iota3A, %add3A_2050 : vector<16xi32>
      %jit3A_2052 = arith.constant 256 : i32
      %broadcast_in_dim3A_2053 = vector.broadcast %jit3A_2052 : i32 to vector<16xi32>
      %select_n3A_2054 = arith.select %eq3A_2048, %add3A_2051, %broadcast_in_dim3A_2053 : vector<16xi1>, vector<16xi32>
      %min3A_2055 = arith.minsi %min3A_2047, %select_n3A_2054 : vector<16xi32>
      %eq3A_2056 = arith.cmpf oeq, %select_n3A_1894, %min3A_1957 : vector<16xf32>
      %add3A_2057 = arith.constant 192 : i32
      %add3A_2058 = vector.broadcast %add3A_2057 : i32 to vector<16xi32>
      %add3A_2059 = arith.addi %iota3A, %add3A_2058 : vector<16xi32>
      %jit3A_2060 = arith.constant 256 : i32
      %broadcast_in_dim3A_2061 = vector.broadcast %jit3A_2060 : i32 to vector<16xi32>
      %select_n3A_2062 = arith.select %eq3A_2056, %add3A_2059, %broadcast_in_dim3A_2061 : vector<16xi1>, vector<16xi32>
      %min3A_2063 = arith.minsi %min3A_2055, %select_n3A_2062 : vector<16xi32>
      %eq3A_2064 = arith.cmpf oeq, %select_n3A_1901, %min3A_1957 : vector<16xf32>
      %add3A_2065 = arith.constant 208 : i32
      %add3A_2066 = vector.broadcast %add3A_2065 : i32 to vector<16xi32>
      %add3A_2067 = arith.addi %iota3A, %add3A_2066 : vector<16xi32>
      %jit3A_2068 = arith.constant 256 : i32
      %broadcast_in_dim3A_2069 = vector.broadcast %jit3A_2068 : i32 to vector<16xi32>
      %select_n3A_2070 = arith.select %eq3A_2064, %add3A_2067, %broadcast_in_dim3A_2069 : vector<16xi1>, vector<16xi32>
      %min3A_2071 = arith.minsi %min3A_2063, %select_n3A_2070 : vector<16xi32>
      %eq3A_2072 = arith.cmpf oeq, %select_n3A_1908, %min3A_1957 : vector<16xf32>
      %add3A_2073 = arith.constant 224 : i32
      %add3A_2074 = vector.broadcast %add3A_2073 : i32 to vector<16xi32>
      %add3A_2075 = arith.addi %iota3A, %add3A_2074 : vector<16xi32>
      %jit3A_2076 = arith.constant 256 : i32
      %broadcast_in_dim3A_2077 = vector.broadcast %jit3A_2076 : i32 to vector<16xi32>
      %select_n3A_2078 = arith.select %eq3A_2072, %add3A_2075, %broadcast_in_dim3A_2077 : vector<16xi1>, vector<16xi32>
      %min3A_2079 = arith.minsi %min3A_2071, %select_n3A_2078 : vector<16xi32>
      %eq3A_2080 = arith.cmpf oeq, %select_n3A_1915, %min3A_1957 : vector<16xf32>
      %add3A_2081 = arith.constant 240 : i32
      %add3A_2082 = vector.broadcast %add3A_2081 : i32 to vector<16xi32>
      %add3A_2083 = arith.addi %iota3A, %add3A_2082 : vector<16xi32>
      %jit3A_2084 = arith.constant 256 : i32
      %broadcast_in_dim3A_2085 = vector.broadcast %jit3A_2084 : i32 to vector<16xi32>
      %select_n3A_2086 = arith.select %eq3A_2080, %add3A_2083, %broadcast_in_dim3A_2085 : vector<16xi1>, vector<16xi32>
      %min3A_2087 = arith.minsi %min3A_2079, %select_n3A_2086 : vector<16xi32>
      %rev3A_2088 = arith.constant 15 : i32
      %rev3A_2089 = vector.broadcast %rev3A_2088 : i32 to vector<16xi32>
      %rev3A_2090 = tpu.iota {dimensions = array<i32: 0>} : vector<16xi32>
      %rev3A_2091 = arith.subi %rev3A_2089, %rev3A_2090 : vector<16xi32>
      %rev3A_2092 = tpu.dynamic_gather %min3A_2087[%rev3A_2091] in [0] : vector<16xi32>, vector<16xi32> -> vector<16xi32>
      %min3A_2093 = arith.minsi %min3A_2087, %rev3A_2092 : vector<16xi32>
      %swap3A_2094 = arith.constant 0 : index
      %swap3A_2095 = tpu.vector_load %arg7[%swap3A_2094] {strides = array<i32>} : memref<16xi32, #tpu.memory_space<vmem>>, vector<16xi32>,
      tpu.vector_store %arg7[%swap3A_2094], %min3A_2093 {strides = array<i32>} : memref<16xi32, #tpu.memory_space<vmem>>, vector<16xi32>,
      %xor3A_2096 = arith.constant 4 : i32
      %xor3A_2097 = vector.broadcast %xor3A_2096 : i32 to vector<16xi32>
      %xor3A_2098 = arith.xori %iota3A, %xor3A_2097 : vector<16xi32>
      %gather3A_2099 = tpu.vector_load_idx %arg7[%xor3A_2098] : memref<16xi32, #tpu.memory_space<vmem>>[vector<16xi32>], vector<16xi32>,
      %min3A_2100 = arith.minsi %min3A_2093, %gather3A_2099 : vector<16xi32>
      %swap3A_2101 = arith.constant 0 : index
      %swap3A_2102 = tpu.vector_load %arg7[%swap3A_2101] {strides = array<i32>} : memref<16xi32, #tpu.memory_space<vmem>>, vector<16xi32>,
      tpu.vector_store %arg7[%swap3A_2101], %min3A_2100 {strides = array<i32>} : memref<16xi32, #tpu.memory_space<vmem>>, vector<16xi32>,
      %xor3A_2103 = arith.constant 2 : i32
      %xor3A_2104 = vector.broadcast %xor3A_2103 : i32 to vector<16xi32>
      %xor3A_2105 = arith.xori %iota3A, %xor3A_2104 : vector<16xi32>
      %gather3A_2106 = tpu.vector_load_idx %arg7[%xor3A_2105] : memref<16xi32, #tpu.memory_space<vmem>>[vector<16xi32>], vector<16xi32>,
      %min3A_2107 = arith.minsi %min3A_2100, %gather3A_2106 : vector<16xi32>
      %swap3A_2108 = arith.constant 0 : index
      %swap3A_2109 = tpu.vector_load %arg7[%swap3A_2108] {strides = array<i32>} : memref<16xi32, #tpu.memory_space<vmem>>, vector<16xi32>,
      tpu.vector_store %arg7[%swap3A_2108], %min3A_2107 {strides = array<i32>} : memref<16xi32, #tpu.memory_space<vmem>>, vector<16xi32>,
      %xor3A_2110 = arith.constant 1 : i32
      %xor3A_2111 = vector.broadcast %xor3A_2110 : i32 to vector<16xi32>
      %xor3A_2112 = arith.xori %iota3A, %xor3A_2111 : vector<16xi32>
      %gather3A_2113 = tpu.vector_load_idx %arg7[%xor3A_2112] : memref<16xi32, #tpu.memory_space<vmem>>[vector<16xi32>], vector<16xi32>,
      %min3A_2114 = arith.minsi %min3A_2107, %gather3A_2113 : vector<16xi32>
      %eq3A_2115 = arith.constant 6 : i32
      %eq3A_2116 = vector.broadcast %eq3A_2115 : i32 to vector<16xi32>
      %eq3A_2117 = arith.cmpi eq, %iota3A, %eq3A_2116 : vector<16xi32>
      %select_n3A_2118 = arith.select %eq3A_2117, %min3A_2114, %select_n3A_1803 : vector<16xi1>, vector<16xi32>
      %add3A_2119 = arith.constant 0 : i32
      %add3A_2120 = vector.broadcast %add3A_2119 : i32 to vector<16xi32>
      %add3A_2121 = arith.addi %iota3A, %add3A_2120 : vector<16xi32>
      %eq3A_2122 = arith.cmpi eq, %add3A_2121, %min3A_2114 : vector<16xi32>
      %jit3A_2123 = arith.constant 0x7F800000 : f32
      %broadcast_in_dim3A_2124 = vector.broadcast %jit3A_2123 : f32 to vector<16xf32>
      %select_n3A_2125 = arith.select %eq3A_2122, %broadcast_in_dim3A_2124, %select_n3A_1810 : vector<16xi1>, vector<16xf32>
      %add3A_2126 = arith.constant 16 : i32
      %add3A_2127 = vector.broadcast %add3A_2126 : i32 to vector<16xi32>
      %add3A_2128 = arith.addi %iota3A, %add3A_2127 : vector<16xi32>
      %eq3A_2129 = arith.cmpi eq, %add3A_2128, %min3A_2114 : vector<16xi32>
      %jit3A_2130 = arith.constant 0x7F800000 : f32
      %broadcast_in_dim3A_2131 = vector.broadcast %jit3A_2130 : f32 to vector<16xf32>
      %select_n3A_2132 = arith.select %eq3A_2129, %broadcast_in_dim3A_2131, %select_n3A_1817 : vector<16xi1>, vector<16xf32>
      %add3A_2133 = arith.constant 32 : i32
      %add3A_2134 = vector.broadcast %add3A_2133 : i32 to vector<16xi32>
      %add3A_2135 = arith.addi %iota3A, %add3A_2134 : vector<16xi32>
      %eq3A_2136 = arith.cmpi eq, %add3A_2135, %min3A_2114 : vector<16xi32>
      %jit3A_2137 = arith.constant 0x7F800000 : f32
      %broadcast_in_dim3A_2138 = vector.broadcast %jit3A_2137 : f32 to vector<16xf32>
      %select_n3A_2139 = arith.select %eq3A_2136, %broadcast_in_dim3A_2138, %select_n3A_1824 : vector<16xi1>, vector<16xf32>
      %add3A_2140 = arith.constant 48 : i32
      %add3A_2141 = vector.broadcast %add3A_2140 : i32 to vector<16xi32>
      %add3A_2142 = arith.addi %iota3A, %add3A_2141 : vector<16xi32>
      %eq3A_2143 = arith.cmpi eq, %add3A_2142, %min3A_2114 : vector<16xi32>
      %jit3A_2144 = arith.constant 0x7F800000 : f32
      %broadcast_in_dim3A_2145 = vector.broadcast %jit3A_2144 : f32 to vector<16xf32>
      %select_n3A_2146 = arith.select %eq3A_2143, %broadcast_in_dim3A_2145, %select_n3A_1831 : vector<16xi1>, vector<16xf32>
      %add3A_2147 = arith.constant 64 : i32
      %add3A_2148 = vector.broadcast %add3A_2147 : i32 to vector<16xi32>
      %add3A_2149 = arith.addi %iota3A, %add3A_2148 : vector<16xi32>
      %eq3A_2150 = arith.cmpi eq, %add3A_2149, %min3A_2114 : vector<16xi32>
      %jit3A_2151 = arith.constant 0x7F800000 : f32
      %broadcast_in_dim3A_2152 = vector.broadcast %jit3A_2151 : f32 to vector<16xf32>
      %select_n3A_2153 = arith.select %eq3A_2150, %broadcast_in_dim3A_2152, %select_n3A_1838 : vector<16xi1>, vector<16xf32>
      %add3A_2154 = arith.constant 80 : i32
      %add3A_2155 = vector.broadcast %add3A_2154 : i32 to vector<16xi32>
      %add3A_2156 = arith.addi %iota3A, %add3A_2155 : vector<16xi32>
      %eq3A_2157 = arith.cmpi eq, %add3A_2156, %min3A_2114 : vector<16xi32>
      %jit3A_2158 = arith.constant 0x7F800000 : f32
      %broadcast_in_dim3A_2159 = vector.broadcast %jit3A_2158 : f32 to vector<16xf32>
      %select_n3A_2160 = arith.select %eq3A_2157, %broadcast_in_dim3A_2159, %select_n3A_1845 : vector<16xi1>, vector<16xf32>
      %add3A_2161 = arith.constant 96 : i32
      %add3A_2162 = vector.broadcast %add3A_2161 : i32 to vector<16xi32>
      %add3A_2163 = arith.addi %iota3A, %add3A_2162 : vector<16xi32>
      %eq3A_2164 = arith.cmpi eq, %add3A_2163, %min3A_2114 : vector<16xi32>
      %jit3A_2165 = arith.constant 0x7F800000 : f32
      %broadcast_in_dim3A_2166 = vector.broadcast %jit3A_2165 : f32 to vector<16xf32>
      %select_n3A_2167 = arith.select %eq3A_2164, %broadcast_in_dim3A_2166, %select_n3A_1852 : vector<16xi1>, vector<16xf32>
      %add3A_2168 = arith.constant 112 : i32
      %add3A_2169 = vector.broadcast %add3A_2168 : i32 to vector<16xi32>
      %add3A_2170 = arith.addi %iota3A, %add3A_2169 : vector<16xi32>
      %eq3A_2171 = arith.cmpi eq, %add3A_2170, %min3A_2114 : vector<16xi32>
      %jit3A_2172 = arith.constant 0x7F800000 : f32
      %broadcast_in_dim3A_2173 = vector.broadcast %jit3A_2172 : f32 to vector<16xf32>
      %select_n3A_2174 = arith.select %eq3A_2171, %broadcast_in_dim3A_2173, %select_n3A_1859 : vector<16xi1>, vector<16xf32>
      %add3A_2175 = arith.constant 128 : i32
      %add3A_2176 = vector.broadcast %add3A_2175 : i32 to vector<16xi32>
      %add3A_2177 = arith.addi %iota3A, %add3A_2176 : vector<16xi32>
      %eq3A_2178 = arith.cmpi eq, %add3A_2177, %min3A_2114 : vector<16xi32>
      %jit3A_2179 = arith.constant 0x7F800000 : f32
      %broadcast_in_dim3A_2180 = vector.broadcast %jit3A_2179 : f32 to vector<16xf32>
      %select_n3A_2181 = arith.select %eq3A_2178, %broadcast_in_dim3A_2180, %select_n3A_1866 : vector<16xi1>, vector<16xf32>
      %add3A_2182 = arith.constant 144 : i32
      %add3A_2183 = vector.broadcast %add3A_2182 : i32 to vector<16xi32>
      %add3A_2184 = arith.addi %iota3A, %add3A_2183 : vector<16xi32>
      %eq3A_2185 = arith.cmpi eq, %add3A_2184, %min3A_2114 : vector<16xi32>
      %jit3A_2186 = arith.constant 0x7F800000 : f32
      %broadcast_in_dim3A_2187 = vector.broadcast %jit3A_2186 : f32 to vector<16xf32>
      %select_n3A_2188 = arith.select %eq3A_2185, %broadcast_in_dim3A_2187, %select_n3A_1873 : vector<16xi1>, vector<16xf32>
      %add3A_2189 = arith.constant 160 : i32
      %add3A_2190 = vector.broadcast %add3A_2189 : i32 to vector<16xi32>
      %add3A_2191 = arith.addi %iota3A, %add3A_2190 : vector<16xi32>
      %eq3A_2192 = arith.cmpi eq, %add3A_2191, %min3A_2114 : vector<16xi32>
      %jit3A_2193 = arith.constant 0x7F800000 : f32
      %broadcast_in_dim3A_2194 = vector.broadcast %jit3A_2193 : f32 to vector<16xf32>
      %select_n3A_2195 = arith.select %eq3A_2192, %broadcast_in_dim3A_2194, %select_n3A_1880 : vector<16xi1>, vector<16xf32>
      %add3A_2196 = arith.constant 176 : i32
      %add3A_2197 = vector.broadcast %add3A_2196 : i32 to vector<16xi32>
      %add3A_2198 = arith.addi %iota3A, %add3A_2197 : vector<16xi32>
      %eq3A_2199 = arith.cmpi eq, %add3A_2198, %min3A_2114 : vector<16xi32>
      %jit3A_2200 = arith.constant 0x7F800000 : f32
      %broadcast_in_dim3A_2201 = vector.broadcast %jit3A_2200 : f32 to vector<16xf32>
      %select_n3A_2202 = arith.select %eq3A_2199, %broadcast_in_dim3A_2201, %select_n3A_1887 : vector<16xi1>, vector<16xf32>
      %add3A_2203 = arith.constant 192 : i32
      %add3A_2204 = vector.broadcast %add3A_2203 : i32 to vector<16xi32>
      %add3A_2205 = arith.addi %iota3A, %add3A_2204 : vector<16xi32>
      %eq3A_2206 = arith.cmpi eq, %add3A_2205, %min3A_2114 : vector<16xi32>
      %jit3A_2207 = arith.constant 0x7F800000 : f32
      %broadcast_in_dim3A_2208 = vector.broadcast %jit3A_2207 : f32 to vector<16xf32>
      %select_n3A_2209 = arith.select %eq3A_2206, %broadcast_in_dim3A_2208, %select_n3A_1894 : vector<16xi1>, vector<16xf32>
      %add3A_2210 = arith.constant 208 : i32
      %add3A_2211 = vector.broadcast %add3A_2210 : i32 to vector<16xi32>
      %add3A_2212 = arith.addi %iota3A, %add3A_2211 : vector<16xi32>
      %eq3A_2213 = arith.cmpi eq, %add3A_2212, %min3A_2114 : vector<16xi32>
      %jit3A_2214 = arith.constant 0x7F800000 : f32
      %broadcast_in_dim3A_2215 = vector.broadcast %jit3A_2214 : f32 to vector<16xf32>
      %select_n3A_2216 = arith.select %eq3A_2213, %broadcast_in_dim3A_2215, %select_n3A_1901 : vector<16xi1>, vector<16xf32>
      %add3A_2217 = arith.constant 224 : i32
      %add3A_2218 = vector.broadcast %add3A_2217 : i32 to vector<16xi32>
      %add3A_2219 = arith.addi %iota3A, %add3A_2218 : vector<16xi32>
      %eq3A_2220 = arith.cmpi eq, %add3A_2219, %min3A_2114 : vector<16xi32>
      %jit3A_2221 = arith.constant 0x7F800000 : f32
      %broadcast_in_dim3A_2222 = vector.broadcast %jit3A_2221 : f32 to vector<16xf32>
      %select_n3A_2223 = arith.select %eq3A_2220, %broadcast_in_dim3A_2222, %select_n3A_1908 : vector<16xi1>, vector<16xf32>
      %add3A_2224 = arith.constant 240 : i32
      %add3A_2225 = vector.broadcast %add3A_2224 : i32 to vector<16xi32>
      %add3A_2226 = arith.addi %iota3A, %add3A_2225 : vector<16xi32>
      %eq3A_2227 = arith.cmpi eq, %add3A_2226, %min3A_2114 : vector<16xi32>
      %jit3A_2228 = arith.constant 0x7F800000 : f32
      %broadcast_in_dim3A_2229 = vector.broadcast %jit3A_2228 : f32 to vector<16xf32>
      %select_n3A_2230 = arith.select %eq3A_2227, %broadcast_in_dim3A_2229, %select_n3A_1915 : vector<16xi1>, vector<16xf32>
      %broadcast_in_dim3A_2231 = arith.constant 7 : i32
      %broadcast_in_dim3A_2232 = vector.broadcast %broadcast_in_dim3A_2231 : i32 to vector<16xi32>
      %swap3A_2233 = arith.constant 0 : index
      %swap3A_2234 = tpu.vector_load %arg5[%swap3A_2233] {strides = array<i32>} : memref<256xi32, #tpu.memory_space<vmem>>, vector<16xi32>,
      tpu.vector_store %arg5[%swap3A_2233], %broadcast_in_dim3A_2232 {strides = array<i32>} : memref<256xi32, #tpu.memory_space<vmem>>, vector<16xi32>,
      %swap3A_2235 = arith.constant 16 : index
      %swap3A_2236 = tpu.vector_load %arg5[%swap3A_2235] {strides = array<i32>} : memref<256xi32, #tpu.memory_space<vmem>>, vector<16xi32>,
      tpu.vector_store %arg5[%swap3A_2235], %broadcast_in_dim3A_2232 {strides = array<i32>} : memref<256xi32, #tpu.memory_space<vmem>>, vector<16xi32>,
      %swap3A_2237 = arith.constant 32 : index
      %swap3A_2238 = tpu.vector_load %arg5[%swap3A_2237] {strides = array<i32>} : memref<256xi32, #tpu.memory_space<vmem>>, vector<16xi32>,
      tpu.vector_store %arg5[%swap3A_2237], %broadcast_in_dim3A_2232 {strides = array<i32>} : memref<256xi32, #tpu.memory_space<vmem>>, vector<16xi32>,
      %swap3A_2239 = arith.constant 48 : index
      %swap3A_2240 = tpu.vector_load %arg5[%swap3A_2239] {strides = array<i32>} : memref<256xi32, #tpu.memory_space<vmem>>, vector<16xi32>,
      tpu.vector_store %arg5[%swap3A_2239], %broadcast_in_dim3A_2232 {strides = array<i32>} : memref<256xi32, #tpu.memory_space<vmem>>, vector<16xi32>,
      %swap3A_2241 = arith.constant 64 : index
      %swap3A_2242 = tpu.vector_load %arg5[%swap3A_2241] {strides = array<i32>} : memref<256xi32, #tpu.memory_space<vmem>>, vector<16xi32>,
      tpu.vector_store %arg5[%swap3A_2241], %broadcast_in_dim3A_2232 {strides = array<i32>} : memref<256xi32, #tpu.memory_space<vmem>>, vector<16xi32>,
      %swap3A_2243 = arith.constant 80 : index
      %swap3A_2244 = tpu.vector_load %arg5[%swap3A_2243] {strides = array<i32>} : memref<256xi32, #tpu.memory_space<vmem>>, vector<16xi32>,
      tpu.vector_store %arg5[%swap3A_2243], %broadcast_in_dim3A_2232 {strides = array<i32>} : memref<256xi32, #tpu.memory_space<vmem>>, vector<16xi32>,
      %swap3A_2245 = arith.constant 96 : index
      %swap3A_2246 = tpu.vector_load %arg5[%swap3A_2245] {strides = array<i32>} : memref<256xi32, #tpu.memory_space<vmem>>, vector<16xi32>,
      tpu.vector_store %arg5[%swap3A_2245], %broadcast_in_dim3A_2232 {strides = array<i32>} : memref<256xi32, #tpu.memory_space<vmem>>, vector<16xi32>,
      %swap3A_2247 = arith.constant 112 : index
      %swap3A_2248 = tpu.vector_load %arg5[%swap3A_2247] {strides = array<i32>} : memref<256xi32, #tpu.memory_space<vmem>>, vector<16xi32>,
      tpu.vector_store %arg5[%swap3A_2247], %broadcast_in_dim3A_2232 {strides = array<i32>} : memref<256xi32, #tpu.memory_space<vmem>>, vector<16xi32>,
      %swap3A_2249 = arith.constant 128 : index
      %swap3A_2250 = tpu.vector_load %arg5[%swap3A_2249] {strides = array<i32>} : memref<256xi32, #tpu.memory_space<vmem>>, vector<16xi32>,
      tpu.vector_store %arg5[%swap3A_2249], %broadcast_in_dim3A_2232 {strides = array<i32>} : memref<256xi32, #tpu.memory_space<vmem>>, vector<16xi32>,
      %swap3A_2251 = arith.constant 144 : index
      %swap3A_2252 = tpu.vector_load %arg5[%swap3A_2251] {strides = array<i32>} : memref<256xi32, #tpu.memory_space<vmem>>, vector<16xi32>,
      tpu.vector_store %arg5[%swap3A_2251], %broadcast_in_dim3A_2232 {strides = array<i32>} : memref<256xi32, #tpu.memory_space<vmem>>, vector<16xi32>,
      %swap3A_2253 = arith.constant 160 : index
      %swap3A_2254 = tpu.vector_load %arg5[%swap3A_2253] {strides = array<i32>} : memref<256xi32, #tpu.memory_space<vmem>>, vector<16xi32>,
      tpu.vector_store %arg5[%swap3A_2253], %broadcast_in_dim3A_2232 {strides = array<i32>} : memref<256xi32, #tpu.memory_space<vmem>>, vector<16xi32>,
      %swap3A_2255 = arith.constant 176 : index
      %swap3A_2256 = tpu.vector_load %arg5[%swap3A_2255] {strides = array<i32>} : memref<256xi32, #tpu.memory_space<vmem>>, vector<16xi32>,
      tpu.vector_store %arg5[%swap3A_2255], %broadcast_in_dim3A_2232 {strides = array<i32>} : memref<256xi32, #tpu.memory_space<vmem>>, vector<16xi32>,
      %swap3A_2257 = arith.constant 192 : index
      %swap3A_2258 = tpu.vector_load %arg5[%swap3A_2257] {strides = array<i32>} : memref<256xi32, #tpu.memory_space<vmem>>, vector<16xi32>,
      tpu.vector_store %arg5[%swap3A_2257], %broadcast_in_dim3A_2232 {strides = array<i32>} : memref<256xi32, #tpu.memory_space<vmem>>, vector<16xi32>,
      %swap3A_2259 = arith.constant 208 : index
      %swap3A_2260 = tpu.vector_load %arg5[%swap3A_2259] {strides = array<i32>} : memref<256xi32, #tpu.memory_space<vmem>>, vector<16xi32>,
      tpu.vector_store %arg5[%swap3A_2259], %broadcast_in_dim3A_2232 {strides = array<i32>} : memref<256xi32, #tpu.memory_space<vmem>>, vector<16xi32>,
      %swap3A_2261 = arith.constant 224 : index
      %swap3A_2262 = tpu.vector_load %arg5[%swap3A_2261] {strides = array<i32>} : memref<256xi32, #tpu.memory_space<vmem>>, vector<16xi32>,
      tpu.vector_store %arg5[%swap3A_2261], %broadcast_in_dim3A_2232 {strides = array<i32>} : memref<256xi32, #tpu.memory_space<vmem>>, vector<16xi32>,
      %swap3A_2263 = arith.constant 240 : index
      %swap3A_2264 = tpu.vector_load %arg5[%swap3A_2263] {strides = array<i32>} : memref<256xi32, #tpu.memory_space<vmem>>, vector<16xi32>,
      tpu.vector_store %arg5[%swap3A_2263], %broadcast_in_dim3A_2232 {strides = array<i32>} : memref<256xi32, #tpu.memory_space<vmem>>, vector<16xi32>,
      %lt3A_2265 = arith.constant 7 : i32
      %lt3A_2266 = vector.broadcast %lt3A_2265 : i32 to vector<16xi32>
      %lt3A_2267 = arith.cmpi slt, %iota3A, %lt3A_2266 : vector<16xi32>
      tpu.vector_store_idx %arg5[%select_n3A_2118], %iota3A masked %lt3A_2267 : memref<256xi32, #tpu.memory_space<vmem>>[vector<16xi32>], vector<16xi32>, vector<16xi1>
      "tpu.region"() ({
        %run_scoped3A = tpu.sem_alloc : memref<!tpu.dma_semaphore, #tpu.memory_space<semaphore_mem>>
        %dma_start3A = arith.constant 0 : i32
        %dma_start3A_2268 = tpu.memref_slice %arg3[%add3A, %dma_start3A] : memref<16x256xi32, #tpu.memory_space<hbm>> -> memref<1x256xi32, #tpu.memory_space<hbm>>
        %dma_start3A_2269 = tpu.memref_squeeze %dma_start3A_2268 : memref<1x256xi32, #tpu.memory_space<hbm>> -> memref<256xi32, #tpu.memory_space<hbm>>
        %dma_start3A_2270 = arith.constant 0 : i32
        %dma_start3A_2271 = tpu.memref_slice %arg3[%add3A, %dma_start3A_2270] : memref<16x256xi32, #tpu.memory_space<hbm>> -> memref<1x256xi32, #tpu.memory_space<hbm>>
        %dma_start3A_2272 = tpu.memref_squeeze %dma_start3A_2271 : memref<1x256xi32, #tpu.memory_space<hbm>> -> memref<256xi32, #tpu.memory_space<hbm>>
        tpu.enqueue_dma source(%arg5 : memref<256xi32, #tpu.memory_space<vmem>>) target(%dma_start3A_2272 : memref<256xi32, #tpu.memory_space<hbm>>) target_semaphore(%run_scoped3A : memref<!tpu.dma_semaphore, #tpu.memory_space<semaphore_mem>>)
        %dma_wait3A = arith.constant 0 : i32
        %dma_wait3A_2273 = tpu.memref_slice %arg3[%add3A, %dma_wait3A] : memref<16x256xi32, #tpu.memory_space<hbm>> -> memref<1x256xi32, #tpu.memory_space<hbm>>
        %dma_wait3A_2274 = tpu.memref_squeeze %dma_wait3A_2273 : memref<1x256xi32, #tpu.memory_space<hbm>> -> memref<256xi32, #tpu.memory_space<hbm>>
        %dma_wait3A_2275 = arith.constant 0 : i32
        %dma_wait3A_2276 = tpu.memref_slice %arg3[%add3A, %dma_wait3A_2275] : memref<16x256xi32, #tpu.memory_space<hbm>> -> memref<1x256xi32, #tpu.memory_space<hbm>>
        %dma_wait3A_2277 = tpu.memref_squeeze %dma_wait3A_2276 : memref<1x256xi32, #tpu.memory_space<hbm>> -> memref<256xi32, #tpu.memory_space<hbm>>
        tpu.wait_dma2 semaphore(%run_scoped3A : memref<!tpu.dma_semaphore, #tpu.memory_space<semaphore_mem>>) src(%arg5 : memref<256xi32, #tpu.memory_space<vmem>>) dst(%dma_wait3A_2277 : memref<256xi32, #tpu.memory_space<hbm>>)
        tpu.yield
      }) : () -> ()
    } else {
    }
    return
  }
}

module attributes {stable_mosaic.version = 14 : i64} {
  func.func @_fused_kernel(%arg0: i32, %arg1: memref<16x256xf32, #tpu.memory_space<vmem>>, %arg2: memref<1x16xf32, #tpu.memory_space<vmem>>, %arg3: memref<2x256x1xf32, #tpu.memory_space<vmem>>, %arg4: memref<2x256x1xf32, #tpu.memory_space<vmem>>, %arg5: memref<16x256xi32, #tpu.memory_space<vmem>>, %arg6: memref<2x256x1xi32, #tpu.memory_space<vmem>>, %arg7: memref<2x256x256xf32, #tpu.memory_space<vmem>>, %arg8: memref<512x256xf32, #tpu.memory_space<vmem>>, %arg9: memref<256x256xf32, #tpu.memory_space<vmem>>, %arg10: memref<256x256xf32, #tpu.memory_space<vmem>>, %arg11: memref<256x256xf32, #tpu.memory_space<vmem>>, %arg12: memref<2x64xf32, #tpu.memory_space<vmem>>, %arg13: memref<1x64xf32, #tpu.memory_space<vmem>>, %arg14: memref<8x64xf32, #tpu.memory_space<vmem>>, %arg15: memref<1x8xf32, #tpu.memory_space<vmem>>, %arg16: memref<2x256x256xf32, #tpu.memory_space<vmem>>) attributes {dimension_semantics = [#tpu.dimension_semantics<arbitrary>], iteration_bounds = array<i64: 8>, scalar_prefetch = 0 : i64, scratch_operands = 0 : i64, tpu.core_type = #tpu.core_type<tc>, window_params = [{pipeline_mode = #tpu.pipeline_mode<synchronous>, transform_indices = @transform_0, window_bounds = array<i64: 16, 256>}, {pipeline_mode = #tpu.pipeline_mode<synchronous>, transform_indices = @transform_1, window_bounds = array<i64: 1, 16>}, {transform_indices = @transform_2, window_bounds = array<i64: 2, 256, 1>}, {transform_indices = @transform_3, window_bounds = array<i64: 2, 256, 1>}, {pipeline_mode = #tpu.pipeline_mode<synchronous>, transform_indices = @transform_4, window_bounds = array<i64: 16, 256>}, {transform_indices = @transform_5, window_bounds = array<i64: 2, 256, 1>}, {transform_indices = @transform_6, window_bounds = array<i64: 2, 256, 256>}, {pipeline_mode = #tpu.pipeline_mode<synchronous>, transform_indices = @transform_7, window_bounds = array<i64: 512, 256>}, {pipeline_mode = #tpu.pipeline_mode<synchronous>, transform_indices = @transform_8, window_bounds = array<i64: 256, 256>}, {pipeline_mode = #tpu.pipeline_mode<synchronous>, transform_indices = @transform_9, window_bounds = array<i64: 256, 256>}, {pipeline_mode = #tpu.pipeline_mode<synchronous>, transform_indices = @transform_10, window_bounds = array<i64: 256, 256>}, {pipeline_mode = #tpu.pipeline_mode<synchronous>, transform_indices = @transform_11, window_bounds = array<i64: 2, 64>}, {pipeline_mode = #tpu.pipeline_mode<synchronous>, transform_indices = @transform_12, window_bounds = array<i64: 1, 64>}, {pipeline_mode = #tpu.pipeline_mode<synchronous>, transform_indices = @transform_13, window_bounds = array<i64: 8, 64>}, {pipeline_mode = #tpu.pipeline_mode<synchronous>, transform_indices = @transform_14, window_bounds = array<i64: 1, 8>}, {transform_indices = @transform_15, window_bounds = array<i64: 2, 256, 256>}]} {
    %get3A = arith.constant 0 : index
    %get3A_0 = arith.constant 0 : index
    %get3A_1 = vector.load %arg1[%get3A, %get3A_0] : memref<16x256xf32, #tpu.memory_space<vmem>>, vector<16x256xf32>
    %lt3A = arith.constant 2.000000e+01 : f32
    %lt3A_2 = vector.broadcast %lt3A : f32 to vector<16x256xf32>
    %lt3A_3 = arith.cmpf olt, %get3A_1, %lt3A_2 : vector<16x256xf32>
    %convert_element_type3A = arith.extui %lt3A_3 : vector<16x256xi1> to vector<16x256xi32>
    %convert_element_type3A_4 = arith.sitofp %convert_element_type3A : vector<16x256xi32> to vector<16x256xf32>
    %reduce_sum3A = vector.shape_cast %convert_element_type3A_4 : vector<16x256xf32> to vector<1x16x256xf32>
    %reduce_sum3A_5 = arith.constant dense<0.000000e+00> : vector<1xf32>
    %reduce_sum3A_6 = vector.multi_reduction <add>, %reduce_sum3A, %reduce_sum3A_5 [1, 2] : vector<1x16x256xf32> to vector<1xf32>
    %reduce_sum3A_7 = vector.shape_cast %reduce_sum3A_6 : vector<1xf32> to vector<1x1x1xf32>
    %reduce_sum3A_8 = vector.extract %reduce_sum3A_7[0, 0, 0] : f32 from vector<1x1x1xf32>
    %div3A = arith.constant 4.096000e+03 : f32
    %div3A_9 = arith.divf %reduce_sum3A_8, %div3A : f32
    %get3A_10 = arith.constant 0 : index
    %get3A_11 = arith.constant 0 : index
    %get3A_12 = vector.load %arg2[%get3A_10, %get3A_11] : memref<1x16xf32, #tpu.memory_space<vmem>>, vector<1x16xf32>
    %reduce_sum3A_13 = vector.shape_cast %get3A_12 : vector<1x16xf32> to vector<1x1x16xf32>
    %reduce_sum3A_14 = arith.constant dense<0.000000e+00> : vector<1xf32>
    %reduce_sum3A_15 = vector.multi_reduction <add>, %reduce_sum3A_13, %reduce_sum3A_14 [1, 2] : vector<1x1x16xf32> to vector<1xf32>
    %reduce_sum3A_16 = vector.shape_cast %reduce_sum3A_15 : vector<1xf32> to vector<1x1x1xf32>
    %reduce_sum3A_17 = vector.extract %reduce_sum3A_16[0, 0, 0] : f32 from vector<1x1x1xf32>
    %div3A_18 = arith.constant 1.600000e+01 : f32
    %div3A_19 = arith.divf %reduce_sum3A_17, %div3A_18 : f32
    %gt3A = arith.constant 1.500000e+01 : f32
    %gt3A_20 = arith.cmpf ogt, %div3A_19, %gt3A : f32
    %convert_element_type3A_21 = arith.extui %gt3A_20 : i1 to i32
    %add3A = arith.constant 4 : i32
    %add3A_22 = arith.addi %add3A, %convert_element_type3A_21 : i32
    %gt3A_23 = arith.constant 5.000000e-01 : f32
    %gt3A_24 = arith.cmpf ogt, %div3A_9, %gt3A_23 : f32
    %convert_element_type3A_25 = arith.extui %gt3A_24 : i1 to i32
    %add3A_26 = arith.addi %add3A_22, %convert_element_type3A_25 : i32
    %min3A = arith.constant 6 : i32
    %min3A_27 = arith.minsi %add3A_26, %min3A : i32
    %get3A_28 = arith.constant 0 : index
    %get3A_29 = arith.constant 0 : index
    %get3A_30 = arith.constant 0 : index
    %get3A_31 = vector.load %arg7[%get3A_28, %get3A_29, %get3A_30] : memref<2x256x256xf32, #tpu.memory_space<vmem>>, vector<2x256x256xf32>
    %reshape3A = vector.shape_cast %get3A_31 : vector<2x256x256xf32> to vector<512x256xf32>
    %get3A_32 = arith.constant 0 : index
    %get3A_33 = arith.constant 0 : index
    %get3A_34 = vector.load %arg8[%get3A_32, %get3A_33] : memref<512x256xf32, #tpu.memory_space<vmem>>, vector<512x256xf32>
    %dot_general3A = arith.constant dense<0.000000e+00> : vector<512x512xf32>
    %dot_general3A_35 = tpu.matmul %reshape3A, %get3A_34, %dot_general3A {dimension_numbers = #tpu.dot_dimension_numbers<[1], [1], [0], [0], [0, 0, 1, 0], [], []>, transpose_lhs_hint = false} : vector<512x256xf32>, vector<512x256xf32>, vector<512x512xf32> -> vector<512x512xf32>
    %get3A_36 = arith.constant 0 : index
    %get3A_37 = arith.constant 0 : index
    %get3A_38 = arith.constant 0 : index
    %get3A_39 = vector.load %arg4[%get3A_36, %get3A_37, %get3A_38] : memref<2x256x1xf32, #tpu.memory_space<vmem>>, vector<2x256x1xf32>
    %reshape3A_40 = vector.shape_cast %get3A_39 : vector<2x256x1xf32> to vector<512x1xf32>
    %gt3A_41 = arith.constant 0.000000e+00 : f32
    %gt3A_42 = vector.broadcast %gt3A_41 : f32 to vector<512x1xf32>
    %gt3A_43 = arith.cmpf ogt, %reshape3A_40, %gt3A_42 : vector<512x1xf32>
    %slice3A = vector.extract_strided_slice %dot_general3A_35 {offsets = [0, 256], sizes = [512, 256], strides = [1, 1]} : vector<512x512xf32> to vector<512x256xf32>
    %slice3A_44 = vector.extract_strided_slice %dot_general3A_35 {offsets = [0, 0], sizes = [512, 256], strides = [1, 1]} : vector<512x512xf32> to vector<512x256xf32>
    %broadcast_in_dim3A = vector.shape_cast %gt3A_43 : vector<512x1xi1> to vector<512x1xi1>
    %broadcast_in_dim3A_45 = vector.broadcast %broadcast_in_dim3A : vector<512x1xi1> to vector<512x256xi1>
    %select_n3A = arith.select %broadcast_in_dim3A_45, %slice3A, %slice3A_44 : vector<512x256xi1>, vector<512x256xf32>
    %get3A_46 = arith.constant 0 : index
    %get3A_47 = arith.constant 0 : index
    %get3A_48 = arith.constant 0 : index
    %get3A_49 = vector.load %arg3[%get3A_46, %get3A_47, %get3A_48] : memref<2x256x1xf32, #tpu.memory_space<vmem>>, vector<2x256x1xf32>
    %reshape3A_50 = vector.shape_cast %get3A_49 : vector<2x256x1xf32> to vector<512x1xf32>
    %get3A_51 = arith.constant 0 : index
    %get3A_52 = arith.constant 0 : index
    %get3A_53 = arith.constant 0 : index
    %get3A_54 = vector.load %arg6[%get3A_51, %get3A_52, %get3A_53] : memref<2x256x1xi32, #tpu.memory_space<vmem>>, vector<2x256x1xi32>
    %reshape3A_55 = vector.shape_cast %get3A_54 : vector<2x256x1xi32> to vector<512x1xi32>
    %iota3A = tpu.iota {dimensions = array<i32: 1>} : vector<256x64xi32>
    %iota3A_56 = tpu.iota {dimensions = array<i32: 0>} : vector<256x64xi32>
    %jit3A = arith.constant 32 : i32
    %div3A_57 = vector.broadcast %jit3A : i32 to vector<256x64xi32>
    %div3A_58 = arith.divsi %iota3A_56, %div3A_57 : vector<256x64xi32>
    %sign3A = arith.constant 0 : i32
    %sign3A_59 = vector.broadcast %sign3A : i32 to vector<256x64xi32>
    %sign3A_60 = arith.cmpi sgt, %iota3A_56, %sign3A_59 : vector<256x64xi32>
    %sign3A_61 = arith.extui %sign3A_60 : vector<256x64xi1> to vector<256x64xi32>
    %sign3A_62 = arith.constant 0 : i32
    %sign3A_63 = vector.broadcast %sign3A_62 : i32 to vector<256x64xi32>
    %sign3A_64 = arith.cmpi slt, %iota3A_56, %sign3A_63 : vector<256x64xi32>
    %sign3A_65 = arith.extui %sign3A_64 : vector<256x64xi1> to vector<256x64xi32>
    %sign3A_66 = arith.subi %sign3A_61, %sign3A_65 : vector<256x64xi32>
    %sign3A_67 = arith.constant 0 : i32
    %sign3A_68 = arith.cmpi sgt, %jit3A, %sign3A_67 : i32
    %sign3A_69 = arith.extui %sign3A_68 : i1 to i32
    %sign3A_70 = arith.constant 0 : i32
    %sign3A_71 = arith.cmpi slt, %jit3A, %sign3A_70 : i32
    %sign3A_72 = arith.extui %sign3A_71 : i1 to i32
    %sign3A_73 = arith.subi %sign3A_69, %sign3A_72 : i32
    %ne3A = vector.broadcast %sign3A_73 : i32 to vector<256x64xi32>
    %ne3A_74 = arith.cmpi ne, %sign3A_66, %ne3A : vector<256x64xi32>
    %rem3A = vector.broadcast %jit3A : i32 to vector<256x64xi32>
    %rem3A_75 = arith.remsi %iota3A_56, %rem3A : vector<256x64xi32>
    %ne3A_76 = arith.constant 0 : i32
    %ne3A_77 = vector.broadcast %ne3A_76 : i32 to vector<256x64xi32>
    %ne3A_78 = arith.cmpi ne, %rem3A_75, %ne3A_77 : vector<256x64xi32>
    %and3A = arith.andi %ne3A_74, %ne3A_78 : vector<256x64xi1>
    %sub3A = arith.constant 1 : i32
    %sub3A_79 = vector.broadcast %sub3A : i32 to vector<256x64xi32>
    %sub3A_80 = arith.subi %div3A_58, %sub3A_79 : vector<256x64xi32>
    %select_n3A_81 = arith.select %and3A, %sub3A_80, %div3A_58 : vector<256x64xi1>, vector<256x64xi32>
    %jit3A_82 = arith.constant 8 : i32
    %eq3A = arith.constant 0 : i32
    %eq3A_83 = arith.cmpi eq, %jit3A_82, %eq3A : i32
    %jit3A_84 = arith.constant 1 : i32
    %select_n3A_85 = arith.select %eq3A_83, %jit3A_84, %jit3A_82 : i32
    %rem3A_86 = vector.broadcast %select_n3A_85 : i32 to vector<256x64xi32>
    %rem3A_87 = arith.remsi %iota3A, %rem3A_86 : vector<256x64xi32>
    %ne3A_88 = arith.constant 0 : i32
    %ne3A_89 = vector.broadcast %ne3A_88 : i32 to vector<256x64xi32>
    %ne3A_90 = arith.cmpi ne, %rem3A_87, %ne3A_89 : vector<256x64xi32>
    %lt3A_91 = arith.constant 0 : i32
    %lt3A_92 = vector.broadcast %lt3A_91 : i32 to vector<256x64xi32>
    %lt3A_93 = arith.cmpi slt, %rem3A_87, %lt3A_92 : vector<256x64xi32>
    %lt3A_94 = arith.constant 0 : i32
    %lt3A_95 = arith.cmpi slt, %select_n3A_85, %lt3A_94 : i32
    %ne3A_96 = vector.broadcast %lt3A_95 : i1 to vector<256x64xi1>
    %ne3A_97 = vector.broadcast %ne3A_96 : vector<256x64xi1> to vector<256x64xi1>
    %ne3A_98 = arith.xori %lt3A_93, %ne3A_97 : vector<256x64xi1>
    %and3A_99 = arith.andi %ne3A_98, %ne3A_90 : vector<256x64xi1>
    %add3A_100 = vector.broadcast %select_n3A_85 : i32 to vector<256x64xi32>
    %add3A_101 = arith.addi %rem3A_87, %add3A_100 : vector<256x64xi32>
    %select_n3A_102 = arith.select %and3A_99, %add3A_101, %rem3A_87 : vector<256x64xi1>, vector<256x64xi32>
    %eq3A_103 = arith.cmpi eq, %select_n3A_81, %select_n3A_102 : vector<256x64xi32>
    %convert_element_type3A_104 = arith.extui %eq3A_103 : vector<256x64xi1> to vector<256x64xi32>
    %convert_element_type3A_105 = arith.sitofp %convert_element_type3A_104 : vector<256x64xi32> to vector<256x64xf32>
    %iota3A_106 = tpu.iota {dimensions = array<i32: 1>} : vector<8x64xi32>
    %jit3A_107 = arith.constant 8 : i32
    %div3A_108 = vector.broadcast %jit3A_107 : i32 to vector<8x64xi32>
    %div3A_109 = arith.divsi %iota3A_106, %div3A_108 : vector<8x64xi32>
    %sign3A_110 = arith.constant 0 : i32
    %sign3A_111 = vector.broadcast %sign3A_110 : i32 to vector<8x64xi32>
    %sign3A_112 = arith.cmpi sgt, %iota3A_106, %sign3A_111 : vector<8x64xi32>
    %sign3A_113 = arith.extui %sign3A_112 : vector<8x64xi1> to vector<8x64xi32>
    %sign3A_114 = arith.constant 0 : i32
    %sign3A_115 = vector.broadcast %sign3A_114 : i32 to vector<8x64xi32>
    %sign3A_116 = arith.cmpi slt, %iota3A_106, %sign3A_115 : vector<8x64xi32>
    %sign3A_117 = arith.extui %sign3A_116 : vector<8x64xi1> to vector<8x64xi32>
    %sign3A_118 = arith.subi %sign3A_113, %sign3A_117 : vector<8x64xi32>
    %sign3A_119 = arith.constant 0 : i32
    %sign3A_120 = arith.cmpi sgt, %jit3A_107, %sign3A_119 : i32
    %sign3A_121 = arith.extui %sign3A_120 : i1 to i32
    %sign3A_122 = arith.constant 0 : i32
    %sign3A_123 = arith.cmpi slt, %jit3A_107, %sign3A_122 : i32
    %sign3A_124 = arith.extui %sign3A_123 : i1 to i32
    %sign3A_125 = arith.subi %sign3A_121, %sign3A_124 : i32
    %ne3A_126 = vector.broadcast %sign3A_125 : i32 to vector<8x64xi32>
    %ne3A_127 = arith.cmpi ne, %sign3A_118, %ne3A_126 : vector<8x64xi32>
    %rem3A_128 = vector.broadcast %jit3A_107 : i32 to vector<8x64xi32>
    %rem3A_129 = arith.remsi %iota3A_106, %rem3A_128 : vector<8x64xi32>
    %ne3A_130 = arith.constant 0 : i32
    %ne3A_131 = vector.broadcast %ne3A_130 : i32 to vector<8x64xi32>
    %ne3A_132 = arith.cmpi ne, %rem3A_129, %ne3A_131 : vector<8x64xi32>
    %and3A_133 = arith.andi %ne3A_127, %ne3A_132 : vector<8x64xi1>
    %sub3A_134 = arith.constant 1 : i32
    %sub3A_135 = vector.broadcast %sub3A_134 : i32 to vector<8x64xi32>
    %sub3A_136 = arith.subi %div3A_109, %sub3A_135 : vector<8x64xi32>
    %select_n3A_137 = arith.select %and3A_133, %sub3A_136, %div3A_109 : vector<8x64xi1>, vector<8x64xi32>
    %iota3A_138 = tpu.iota {dimensions = array<i32: 0>} : vector<8x64xi32>
    %eq3A_139 = arith.cmpi eq, %select_n3A_137, %iota3A_138 : vector<8x64xi32>
    %convert_element_type3A_140 = arith.extui %eq3A_139 : vector<8x64xi1> to vector<8x64xi32>
    %convert_element_type3A_141 = arith.sitofp %convert_element_type3A_140 : vector<8x64xi32> to vector<8x64xf32>
    %iota3A_142 = tpu.iota {dimensions = array<i32: 0>} : vector<64x256xi32>
    %iota3A_143 = tpu.iota {dimensions = array<i32: 1>} : vector<64x256xi32>
    %jit3A_144 = arith.constant 32 : i32
    %div3A_145 = vector.broadcast %jit3A_144 : i32 to vector<64x256xi32>
    %div3A_146 = arith.divsi %iota3A_143, %div3A_145 : vector<64x256xi32>
    %sign3A_147 = arith.constant 0 : i32
    %sign3A_148 = vector.broadcast %sign3A_147 : i32 to vector<64x256xi32>
    %sign3A_149 = arith.cmpi sgt, %iota3A_143, %sign3A_148 : vector<64x256xi32>
    %sign3A_150 = arith.extui %sign3A_149 : vector<64x256xi1> to vector<64x256xi32>
    %sign3A_151 = arith.constant 0 : i32
    %sign3A_152 = vector.broadcast %sign3A_151 : i32 to vector<64x256xi32>
    %sign3A_153 = arith.cmpi slt, %iota3A_143, %sign3A_152 : vector<64x256xi32>
    %sign3A_154 = arith.extui %sign3A_153 : vector<64x256xi1> to vector<64x256xi32>
    %sign3A_155 = arith.subi %sign3A_150, %sign3A_154 : vector<64x256xi32>
    %sign3A_156 = arith.constant 0 : i32
    %sign3A_157 = arith.cmpi sgt, %jit3A_144, %sign3A_156 : i32
    %sign3A_158 = arith.extui %sign3A_157 : i1 to i32
    %sign3A_159 = arith.constant 0 : i32
    %sign3A_160 = arith.cmpi slt, %jit3A_144, %sign3A_159 : i32
    %sign3A_161 = arith.extui %sign3A_160 : i1 to i32
    %sign3A_162 = arith.subi %sign3A_158, %sign3A_161 : i32
    %ne3A_163 = vector.broadcast %sign3A_162 : i32 to vector<64x256xi32>
    %ne3A_164 = arith.cmpi ne, %sign3A_155, %ne3A_163 : vector<64x256xi32>
    %rem3A_165 = vector.broadcast %jit3A_144 : i32 to vector<64x256xi32>
    %rem3A_166 = arith.remsi %iota3A_143, %rem3A_165 : vector<64x256xi32>
    %ne3A_167 = arith.constant 0 : i32
    %ne3A_168 = vector.broadcast %ne3A_167 : i32 to vector<64x256xi32>
    %ne3A_169 = arith.cmpi ne, %rem3A_166, %ne3A_168 : vector<64x256xi32>
    %and3A_170 = arith.andi %ne3A_164, %ne3A_169 : vector<64x256xi1>
    %sub3A_171 = arith.constant 1 : i32
    %sub3A_172 = vector.broadcast %sub3A_171 : i32 to vector<64x256xi32>
    %sub3A_173 = arith.subi %div3A_146, %sub3A_172 : vector<64x256xi32>
    %select_n3A_174 = arith.select %and3A_170, %sub3A_173, %div3A_146 : vector<64x256xi1>, vector<64x256xi32>
    %jit3A_175 = arith.constant 8 : i32
    %eq3A_176 = arith.constant 0 : i32
    %eq3A_177 = arith.cmpi eq, %jit3A_175, %eq3A_176 : i32
    %jit3A_178 = arith.constant 1 : i32
    %select_n3A_179 = arith.select %eq3A_177, %jit3A_178, %jit3A_175 : i32
    %rem3A_180 = vector.broadcast %select_n3A_179 : i32 to vector<64x256xi32>
    %rem3A_181 = arith.remsi %iota3A_142, %rem3A_180 : vector<64x256xi32>
    %ne3A_182 = arith.constant 0 : i32
    %ne3A_183 = vector.broadcast %ne3A_182 : i32 to vector<64x256xi32>
    %ne3A_184 = arith.cmpi ne, %rem3A_181, %ne3A_183 : vector<64x256xi32>
    %lt3A_185 = arith.constant 0 : i32
    %lt3A_186 = vector.broadcast %lt3A_185 : i32 to vector<64x256xi32>
    %lt3A_187 = arith.cmpi slt, %rem3A_181, %lt3A_186 : vector<64x256xi32>
    %lt3A_188 = arith.constant 0 : i32
    %lt3A_189 = arith.cmpi slt, %select_n3A_179, %lt3A_188 : i32
    %ne3A_190 = vector.broadcast %lt3A_189 : i1 to vector<64x256xi1>
    %ne3A_191 = vector.broadcast %ne3A_190 : vector<64x256xi1> to vector<64x256xi1>
    %ne3A_192 = arith.xori %lt3A_187, %ne3A_191 : vector<64x256xi1>
    %and3A_193 = arith.andi %ne3A_192, %ne3A_184 : vector<64x256xi1>
    %add3A_194 = vector.broadcast %select_n3A_179 : i32 to vector<64x256xi32>
    %add3A_195 = arith.addi %rem3A_181, %add3A_194 : vector<64x256xi32>
    %select_n3A_196 = arith.select %and3A_193, %add3A_195, %rem3A_181 : vector<64x256xi1>, vector<64x256xi32>
    %eq3A_197 = arith.cmpi eq, %select_n3A_174, %select_n3A_196 : vector<64x256xi32>
    %convert_element_type3A_198 = arith.extui %eq3A_197 : vector<64x256xi1> to vector<64x256xi32>
    %convert_element_type3A_199 = arith.sitofp %convert_element_type3A_198 : vector<64x256xi32> to vector<64x256xf32>
    %iota3A_200 = tpu.iota {dimensions = array<i32: 0>} : vector<64x8xi32>
    %jit3A_201 = arith.constant 8 : i32
    %div3A_202 = vector.broadcast %jit3A_201 : i32 to vector<64x8xi32>
    %div3A_203 = arith.divsi %iota3A_200, %div3A_202 : vector<64x8xi32>
    %sign3A_204 = arith.constant 0 : i32
    %sign3A_205 = vector.broadcast %sign3A_204 : i32 to vector<64x8xi32>
    %sign3A_206 = arith.cmpi sgt, %iota3A_200, %sign3A_205 : vector<64x8xi32>
    %sign3A_207 = arith.extui %sign3A_206 : vector<64x8xi1> to vector<64x8xi32>
    %sign3A_208 = arith.constant 0 : i32
    %sign3A_209 = vector.broadcast %sign3A_208 : i32 to vector<64x8xi32>
    %sign3A_210 = arith.cmpi slt, %iota3A_200, %sign3A_209 : vector<64x8xi32>
    %sign3A_211 = arith.extui %sign3A_210 : vector<64x8xi1> to vector<64x8xi32>
    %sign3A_212 = arith.subi %sign3A_207, %sign3A_211 : vector<64x8xi32>
    %sign3A_213 = arith.constant 0 : i32
    %sign3A_214 = arith.cmpi sgt, %jit3A_201, %sign3A_213 : i32
    %sign3A_215 = arith.extui %sign3A_214 : i1 to i32
    %sign3A_216 = arith.constant 0 : i32
    %sign3A_217 = arith.cmpi slt, %jit3A_201, %sign3A_216 : i32
    %sign3A_218 = arith.extui %sign3A_217 : i1 to i32
    %sign3A_219 = arith.subi %sign3A_215, %sign3A_218 : i32
    %ne3A_220 = vector.broadcast %sign3A_219 : i32 to vector<64x8xi32>
    %ne3A_221 = arith.cmpi ne, %sign3A_212, %ne3A_220 : vector<64x8xi32>
    %rem3A_222 = vector.broadcast %jit3A_201 : i32 to vector<64x8xi32>
    %rem3A_223 = arith.remsi %iota3A_200, %rem3A_222 : vector<64x8xi32>
    %ne3A_224 = arith.constant 0 : i32
    %ne3A_225 = vector.broadcast %ne3A_224 : i32 to vector<64x8xi32>
    %ne3A_226 = arith.cmpi ne, %rem3A_223, %ne3A_225 : vector<64x8xi32>
    %and3A_227 = arith.andi %ne3A_221, %ne3A_226 : vector<64x8xi1>
    %sub3A_228 = arith.constant 1 : i32
    %sub3A_229 = vector.broadcast %sub3A_228 : i32 to vector<64x8xi32>
    %sub3A_230 = arith.subi %div3A_203, %sub3A_229 : vector<64x8xi32>
    %select_n3A_231 = arith.select %and3A_227, %sub3A_230, %div3A_203 : vector<64x8xi1>, vector<64x8xi32>
    %iota3A_232 = tpu.iota {dimensions = array<i32: 1>} : vector<64x8xi32>
    %eq3A_233 = arith.cmpi eq, %select_n3A_231, %iota3A_232 : vector<64x8xi32>
    %convert_element_type3A_234 = arith.extui %eq3A_233 : vector<64x8xi1> to vector<64x8xi32>
    %convert_element_type3A_235 = arith.sitofp %convert_element_type3A_234 : vector<64x8xi32> to vector<64x8xf32>
    %iota3A_236 = tpu.iota {dimensions = array<i32: 0>} : vector<64x64xi32>
    %jit3A_237 = arith.constant 8 : i32
    %eq3A_238 = arith.constant 0 : i32
    %eq3A_239 = arith.cmpi eq, %jit3A_237, %eq3A_238 : i32
    %jit3A_240 = arith.constant 1 : i32
    %select_n3A_241 = arith.select %eq3A_239, %jit3A_240, %jit3A_237 : i32
    %rem3A_242 = vector.broadcast %select_n3A_241 : i32 to vector<64x64xi32>
    %rem3A_243 = arith.remsi %iota3A_236, %rem3A_242 : vector<64x64xi32>
    %ne3A_244 = arith.constant 0 : i32
    %ne3A_245 = vector.broadcast %ne3A_244 : i32 to vector<64x64xi32>
    %ne3A_246 = arith.cmpi ne, %rem3A_243, %ne3A_245 : vector<64x64xi32>
    %lt3A_247 = arith.constant 0 : i32
    %lt3A_248 = vector.broadcast %lt3A_247 : i32 to vector<64x64xi32>
    %lt3A_249 = arith.cmpi slt, %rem3A_243, %lt3A_248 : vector<64x64xi32>
    %lt3A_250 = arith.constant 0 : i32
    %lt3A_251 = arith.cmpi slt, %select_n3A_241, %lt3A_250 : i32
    %ne3A_252 = vector.broadcast %lt3A_251 : i1 to vector<64x64xi1>
    %ne3A_253 = vector.broadcast %ne3A_252 : vector<64x64xi1> to vector<64x64xi1>
    %ne3A_254 = arith.xori %lt3A_249, %ne3A_253 : vector<64x64xi1>
    %and3A_255 = arith.andi %ne3A_254, %ne3A_246 : vector<64x64xi1>
    %add3A_256 = vector.broadcast %select_n3A_241 : i32 to vector<64x64xi32>
    %add3A_257 = arith.addi %rem3A_243, %add3A_256 : vector<64x64xi32>
    %select_n3A_258 = arith.select %and3A_255, %add3A_257, %rem3A_243 : vector<64x64xi1>, vector<64x64xi32>
    %iota3A_259 = tpu.iota {dimensions = array<i32: 1>} : vector<64x64xi32>
    %jit3A_260 = arith.constant 8 : i32
    %eq3A_261 = arith.constant 0 : i32
    %eq3A_262 = arith.cmpi eq, %jit3A_260, %eq3A_261 : i32
    %jit3A_263 = arith.constant 1 : i32
    %select_n3A_264 = arith.select %eq3A_262, %jit3A_263, %jit3A_260 : i32
    %rem3A_265 = vector.broadcast %select_n3A_264 : i32 to vector<64x64xi32>
    %rem3A_266 = arith.remsi %iota3A_259, %rem3A_265 : vector<64x64xi32>
    %ne3A_267 = arith.constant 0 : i32
    %ne3A_268 = vector.broadcast %ne3A_267 : i32 to vector<64x64xi32>
    %ne3A_269 = arith.cmpi ne, %rem3A_266, %ne3A_268 : vector<64x64xi32>
    %lt3A_270 = arith.constant 0 : i32
    %lt3A_271 = vector.broadcast %lt3A_270 : i32 to vector<64x64xi32>
    %lt3A_272 = arith.cmpi slt, %rem3A_266, %lt3A_271 : vector<64x64xi32>
    %lt3A_273 = arith.constant 0 : i32
    %lt3A_274 = arith.cmpi slt, %select_n3A_264, %lt3A_273 : i32
    %ne3A_275 = vector.broadcast %lt3A_274 : i1 to vector<64x64xi1>
    %ne3A_276 = vector.broadcast %ne3A_275 : vector<64x64xi1> to vector<64x64xi1>
    %ne3A_277 = arith.xori %lt3A_272, %ne3A_276 : vector<64x64xi1>
    %and3A_278 = arith.andi %ne3A_277, %ne3A_269 : vector<64x64xi1>
    %add3A_279 = vector.broadcast %select_n3A_264 : i32 to vector<64x64xi32>
    %add3A_280 = arith.addi %rem3A_266, %add3A_279 : vector<64x64xi32>
    %select_n3A_281 = arith.select %and3A_278, %add3A_280, %rem3A_266 : vector<64x64xi1>, vector<64x64xi32>
    %eq3A_282 = arith.cmpi eq, %select_n3A_258, %select_n3A_281 : vector<64x64xi32>
    %convert_element_type3A_283 = arith.extui %eq3A_282 : vector<64x64xi1> to vector<64x64xi32>
    %convert_element_type3A_284 = arith.sitofp %convert_element_type3A_283 : vector<64x64xi32> to vector<64x64xf32>
    %iota3A_285 = tpu.iota {dimensions = array<i32: 0>} : vector<8x256xi32>
    %iota3A_286 = tpu.iota {dimensions = array<i32: 1>} : vector<256x64xi32>
    %jit3A_287 = arith.constant 8 : i32
    %div3A_288 = vector.broadcast %jit3A_287 : i32 to vector<256x64xi32>
    %div3A_289 = arith.divsi %iota3A_286, %div3A_288 : vector<256x64xi32>
    %sign3A_290 = arith.constant 0 : i32
    %sign3A_291 = vector.broadcast %sign3A_290 : i32 to vector<256x64xi32>
    %sign3A_292 = arith.cmpi sgt, %iota3A_286, %sign3A_291 : vector<256x64xi32>
    %sign3A_293 = arith.extui %sign3A_292 : vector<256x64xi1> to vector<256x64xi32>
    %sign3A_294 = arith.constant 0 : i32
    %sign3A_295 = vector.broadcast %sign3A_294 : i32 to vector<256x64xi32>
    %sign3A_296 = arith.cmpi slt, %iota3A_286, %sign3A_295 : vector<256x64xi32>
    %sign3A_297 = arith.extui %sign3A_296 : vector<256x64xi1> to vector<256x64xi32>
    %sign3A_298 = arith.subi %sign3A_293, %sign3A_297 : vector<256x64xi32>
    %sign3A_299 = arith.constant 0 : i32
    %sign3A_300 = arith.cmpi sgt, %jit3A_287, %sign3A_299 : i32
    %sign3A_301 = arith.extui %sign3A_300 : i1 to i32
    %sign3A_302 = arith.constant 0 : i32
    %sign3A_303 = arith.cmpi slt, %jit3A_287, %sign3A_302 : i32
    %sign3A_304 = arith.extui %sign3A_303 : i1 to i32
    %sign3A_305 = arith.subi %sign3A_301, %sign3A_304 : i32
    %ne3A_306 = vector.broadcast %sign3A_305 : i32 to vector<256x64xi32>
    %ne3A_307 = arith.cmpi ne, %sign3A_298, %ne3A_306 : vector<256x64xi32>
    %rem3A_308 = vector.broadcast %jit3A_287 : i32 to vector<256x64xi32>
    %rem3A_309 = arith.remsi %iota3A_286, %rem3A_308 : vector<256x64xi32>
    %ne3A_310 = arith.constant 0 : i32
    %ne3A_311 = vector.broadcast %ne3A_310 : i32 to vector<256x64xi32>
    %ne3A_312 = arith.cmpi ne, %rem3A_309, %ne3A_311 : vector<256x64xi32>
    %and3A_313 = arith.andi %ne3A_307, %ne3A_312 : vector<256x64xi1>
    %sub3A_314 = arith.constant 1 : i32
    %sub3A_315 = vector.broadcast %sub3A_314 : i32 to vector<256x64xi32>
    %sub3A_316 = arith.subi %div3A_289, %sub3A_315 : vector<256x64xi32>
    %select_n3A_317 = arith.select %and3A_313, %sub3A_316, %div3A_289 : vector<256x64xi1>, vector<256x64xi32>
    %iota3A_318 = tpu.iota {dimensions = array<i32: 1>} : vector<64x448xi32>
    %jit3A_319 = arith.constant 64 : i32
    %eq3A_320 = arith.constant 0 : i32
    %eq3A_321 = arith.cmpi eq, %jit3A_319, %eq3A_320 : i32
    %jit3A_322 = arith.constant 1 : i32
    %select_n3A_323 = arith.select %eq3A_321, %jit3A_322, %jit3A_319 : i32
    %rem3A_324 = vector.broadcast %select_n3A_323 : i32 to vector<64x448xi32>
    %rem3A_325 = arith.remsi %iota3A_318, %rem3A_324 : vector<64x448xi32>
    %ne3A_326 = arith.constant 0 : i32
    %ne3A_327 = vector.broadcast %ne3A_326 : i32 to vector<64x448xi32>
    %ne3A_328 = arith.cmpi ne, %rem3A_325, %ne3A_327 : vector<64x448xi32>
    %lt3A_329 = arith.constant 0 : i32
    %lt3A_330 = vector.broadcast %lt3A_329 : i32 to vector<64x448xi32>
    %lt3A_331 = arith.cmpi slt, %rem3A_325, %lt3A_330 : vector<64x448xi32>
    %lt3A_332 = arith.constant 0 : i32
    %lt3A_333 = arith.cmpi slt, %select_n3A_323, %lt3A_332 : i32
    %ne3A_334 = vector.broadcast %lt3A_333 : i1 to vector<64x448xi1>
    %ne3A_335 = vector.broadcast %ne3A_334 : vector<64x448xi1> to vector<64x448xi1>
    %ne3A_336 = arith.xori %lt3A_331, %ne3A_335 : vector<64x448xi1>
    %and3A_337 = arith.andi %ne3A_336, %ne3A_328 : vector<64x448xi1>
    %add3A_338 = vector.broadcast %select_n3A_323 : i32 to vector<64x448xi32>
    %add3A_339 = arith.addi %rem3A_325, %add3A_338 : vector<64x448xi32>
    %select_n3A_340 = arith.select %and3A_337, %add3A_339, %rem3A_325 : vector<64x448xi1>, vector<64x448xi32>
    %iota3A_341 = tpu.iota {dimensions = array<i32: 0>} : vector<64x448xi32>
    %eq3A_342 = arith.cmpi eq, %select_n3A_340, %iota3A_341 : vector<64x448xi32>
    %convert_element_type3A_343 = arith.extui %eq3A_342 : vector<64x448xi1> to vector<64x448xi32>
    %convert_element_type3A_344 = arith.sitofp %convert_element_type3A_343 : vector<64x448xi32> to vector<64x448xf32>
    %iota3A_345 = tpu.iota {dimensions = array<i32: 0>} : vector<448x64xi32>
    %jit3A_346 = arith.constant 64 : i32
    %eq3A_347 = arith.constant 0 : i32
    %eq3A_348 = arith.cmpi eq, %jit3A_346, %eq3A_347 : i32
    %jit3A_349 = arith.constant 1 : i32
    %select_n3A_350 = arith.select %eq3A_348, %jit3A_349, %jit3A_346 : i32
    %rem3A_351 = vector.broadcast %select_n3A_350 : i32 to vector<448x64xi32>
    %rem3A_352 = arith.remsi %iota3A_345, %rem3A_351 : vector<448x64xi32>
    %ne3A_353 = arith.constant 0 : i32
    %ne3A_354 = vector.broadcast %ne3A_353 : i32 to vector<448x64xi32>
    %ne3A_355 = arith.cmpi ne, %rem3A_352, %ne3A_354 : vector<448x64xi32>
    %lt3A_356 = arith.constant 0 : i32
    %lt3A_357 = vector.broadcast %lt3A_356 : i32 to vector<448x64xi32>
    %lt3A_358 = arith.cmpi slt, %rem3A_352, %lt3A_357 : vector<448x64xi32>
    %lt3A_359 = arith.constant 0 : i32
    %lt3A_360 = arith.cmpi slt, %select_n3A_350, %lt3A_359 : i32
    %ne3A_361 = vector.broadcast %lt3A_360 : i1 to vector<448x64xi1>
    %ne3A_362 = vector.broadcast %ne3A_361 : vector<448x64xi1> to vector<448x64xi1>
    %ne3A_363 = arith.xori %lt3A_358, %ne3A_362 : vector<448x64xi1>
    %and3A_364 = arith.andi %ne3A_363, %ne3A_355 : vector<448x64xi1>
    %add3A_365 = vector.broadcast %select_n3A_350 : i32 to vector<448x64xi32>
    %add3A_366 = arith.addi %rem3A_352, %add3A_365 : vector<448x64xi32>
    %select_n3A_367 = arith.select %and3A_364, %add3A_366, %rem3A_352 : vector<448x64xi1>, vector<448x64xi32>
    %iota3A_368 = tpu.iota {dimensions = array<i32: 1>} : vector<448x64xi32>
    %eq3A_369 = arith.cmpi eq, %select_n3A_367, %iota3A_368 : vector<448x64xi32>
    %convert_element_type3A_370 = arith.extui %eq3A_369 : vector<448x64xi1> to vector<448x64xi32>
    %convert_element_type3A_371 = arith.sitofp %convert_element_type3A_370 : vector<448x64xi32> to vector<448x64xf32>
    %iota3A_372 = tpu.iota {dimensions = array<i32: 1>} : vector<8x64xi32>
    %jit3A_373 = arith.constant 8 : i32
    %eq3A_374 = arith.constant 0 : i32
    %eq3A_375 = arith.cmpi eq, %jit3A_373, %eq3A_374 : i32
    %jit3A_376 = arith.constant 1 : i32
    %select_n3A_377 = arith.select %eq3A_375, %jit3A_376, %jit3A_373 : i32
    %rem3A_378 = vector.broadcast %select_n3A_377 : i32 to vector<8x64xi32>
    %rem3A_379 = arith.remsi %iota3A_372, %rem3A_378 : vector<8x64xi32>
    %ne3A_380 = arith.constant 0 : i32
    %ne3A_381 = vector.broadcast %ne3A_380 : i32 to vector<8x64xi32>
    %ne3A_382 = arith.cmpi ne, %rem3A_379, %ne3A_381 : vector<8x64xi32>
    %lt3A_383 = arith.constant 0 : i32
    %lt3A_384 = vector.broadcast %lt3A_383 : i32 to vector<8x64xi32>
    %lt3A_385 = arith.cmpi slt, %rem3A_379, %lt3A_384 : vector<8x64xi32>
    %lt3A_386 = arith.constant 0 : i32
    %lt3A_387 = arith.cmpi slt, %select_n3A_377, %lt3A_386 : i32
    %ne3A_388 = vector.broadcast %lt3A_387 : i1 to vector<8x64xi1>
    %ne3A_389 = vector.broadcast %ne3A_388 : vector<8x64xi1> to vector<8x64xi1>
    %ne3A_390 = arith.xori %lt3A_385, %ne3A_389 : vector<8x64xi1>
    %and3A_391 = arith.andi %ne3A_390, %ne3A_382 : vector<8x64xi1>
    %add3A_392 = vector.broadcast %select_n3A_377 : i32 to vector<8x64xi32>
    %add3A_393 = arith.addi %rem3A_379, %add3A_392 : vector<8x64xi32>
    %select_n3A_394 = arith.select %and3A_391, %add3A_393, %rem3A_379 : vector<8x64xi1>, vector<8x64xi32>
    %iota3A_395 = tpu.iota {dimensions = array<i32: 0>} : vector<8x64xi32>
    %eq3A_396 = arith.cmpi eq, %select_n3A_394, %iota3A_395 : vector<8x64xi32>
    %convert_element_type3A_397 = arith.extui %eq3A_396 : vector<8x64xi1> to vector<8x64xi32>
    %convert_element_type3A_398 = arith.sitofp %convert_element_type3A_397 : vector<8x64xi32> to vector<8x64xf32>
    %iota3A_399 = tpu.iota {dimensions = array<i32: 0>} : vector<448x64xi32>
    %jit3A_400 = arith.constant 64 : i32
    %div3A_401 = vector.broadcast %jit3A_400 : i32 to vector<448x64xi32>
    %div3A_402 = arith.divsi %iota3A_399, %div3A_401 : vector<448x64xi32>
    %sign3A_403 = arith.constant 0 : i32
    %sign3A_404 = vector.broadcast %sign3A_403 : i32 to vector<448x64xi32>
    %sign3A_405 = arith.cmpi sgt, %iota3A_399, %sign3A_404 : vector<448x64xi32>
    %sign3A_406 = arith.extui %sign3A_405 : vector<448x64xi1> to vector<448x64xi32>
    %sign3A_407 = arith.constant 0 : i32
    %sign3A_408 = vector.broadcast %sign3A_407 : i32 to vector<448x64xi32>
    %sign3A_409 = arith.cmpi slt, %iota3A_399, %sign3A_408 : vector<448x64xi32>
    %sign3A_410 = arith.extui %sign3A_409 : vector<448x64xi1> to vector<448x64xi32>
    %sign3A_411 = arith.subi %sign3A_406, %sign3A_410 : vector<448x64xi32>
    %sign3A_412 = arith.constant 0 : i32
    %sign3A_413 = arith.cmpi sgt, %jit3A_400, %sign3A_412 : i32
    %sign3A_414 = arith.extui %sign3A_413 : i1 to i32
    %sign3A_415 = arith.constant 0 : i32
    %sign3A_416 = arith.cmpi slt, %jit3A_400, %sign3A_415 : i32
    %sign3A_417 = arith.extui %sign3A_416 : i1 to i32
    %sign3A_418 = arith.subi %sign3A_414, %sign3A_417 : i32
    %ne3A_419 = vector.broadcast %sign3A_418 : i32 to vector<448x64xi32>
    %ne3A_420 = arith.cmpi ne, %sign3A_411, %ne3A_419 : vector<448x64xi32>
    %rem3A_421 = vector.broadcast %jit3A_400 : i32 to vector<448x64xi32>
    %rem3A_422 = arith.remsi %iota3A_399, %rem3A_421 : vector<448x64xi32>
    %ne3A_423 = arith.constant 0 : i32
    %ne3A_424 = vector.broadcast %ne3A_423 : i32 to vector<448x64xi32>
    %ne3A_425 = arith.cmpi ne, %rem3A_422, %ne3A_424 : vector<448x64xi32>
    %and3A_426 = arith.andi %ne3A_420, %ne3A_425 : vector<448x64xi1>
    %sub3A_427 = arith.constant 1 : i32
    %sub3A_428 = vector.broadcast %sub3A_427 : i32 to vector<448x64xi32>
    %sub3A_429 = arith.subi %div3A_402, %sub3A_428 : vector<448x64xi32>
    %select_n3A_430 = arith.select %and3A_426, %sub3A_429, %div3A_402 : vector<448x64xi1>, vector<448x64xi32>
    %iota3A_431 = tpu.iota {dimensions = array<i32: 1>} : vector<448x64xi32>
    %jit3A_432 = arith.constant 8 : i32
    %div3A_433 = vector.broadcast %jit3A_432 : i32 to vector<448x64xi32>
    %div3A_434 = arith.divsi %iota3A_431, %div3A_433 : vector<448x64xi32>
    %sign3A_435 = arith.constant 0 : i32
    %sign3A_436 = vector.broadcast %sign3A_435 : i32 to vector<448x64xi32>
    %sign3A_437 = arith.cmpi sgt, %iota3A_431, %sign3A_436 : vector<448x64xi32>
    %sign3A_438 = arith.extui %sign3A_437 : vector<448x64xi1> to vector<448x64xi32>
    %sign3A_439 = arith.constant 0 : i32
    %sign3A_440 = vector.broadcast %sign3A_439 : i32 to vector<448x64xi32>
    %sign3A_441 = arith.cmpi slt, %iota3A_431, %sign3A_440 : vector<448x64xi32>
    %sign3A_442 = arith.extui %sign3A_441 : vector<448x64xi1> to vector<448x64xi32>
    %sign3A_443 = arith.subi %sign3A_438, %sign3A_442 : vector<448x64xi32>
    %sign3A_444 = arith.constant 0 : i32
    %sign3A_445 = arith.cmpi sgt, %jit3A_432, %sign3A_444 : i32
    %sign3A_446 = arith.extui %sign3A_445 : i1 to i32
    %sign3A_447 = arith.constant 0 : i32
    %sign3A_448 = arith.cmpi slt, %jit3A_432, %sign3A_447 : i32
    %sign3A_449 = arith.extui %sign3A_448 : i1 to i32
    %sign3A_450 = arith.subi %sign3A_446, %sign3A_449 : i32
    %ne3A_451 = vector.broadcast %sign3A_450 : i32 to vector<448x64xi32>
    %ne3A_452 = arith.cmpi ne, %sign3A_443, %ne3A_451 : vector<448x64xi32>
    %rem3A_453 = vector.broadcast %jit3A_432 : i32 to vector<448x64xi32>
    %rem3A_454 = arith.remsi %iota3A_431, %rem3A_453 : vector<448x64xi32>
    %ne3A_455 = arith.constant 0 : i32
    %ne3A_456 = vector.broadcast %ne3A_455 : i32 to vector<448x64xi32>
    %ne3A_457 = arith.cmpi ne, %rem3A_454, %ne3A_456 : vector<448x64xi32>
    %and3A_458 = arith.andi %ne3A_452, %ne3A_457 : vector<448x64xi1>
    %sub3A_459 = arith.constant 1 : i32
    %sub3A_460 = vector.broadcast %sub3A_459 : i32 to vector<448x64xi32>
    %sub3A_461 = arith.subi %div3A_434, %sub3A_460 : vector<448x64xi32>
    %select_n3A_462 = arith.select %and3A_458, %sub3A_461, %div3A_434 : vector<448x64xi1>, vector<448x64xi32>
    %eq3A_463 = arith.cmpi eq, %select_n3A_430, %select_n3A_462 : vector<448x64xi32>
    %convert_element_type3A_464 = arith.extui %eq3A_463 : vector<448x64xi1> to vector<448x64xi32>
    %convert_element_type3A_465 = arith.sitofp %convert_element_type3A_464 : vector<448x64xi32> to vector<448x64xf32>
    %get3A_466 = arith.constant 0 : index
    %get3A_467 = arith.constant 0 : index
    %get3A_468 = vector.load %arg14[%get3A_466, %get3A_467] : memref<8x64xf32, #tpu.memory_space<vmem>>, vector<8x64xf32>
    %dot_general3A_469 = arith.constant dense<0.000000e+00> : vector<448x8xf32>
    %dot_general3A_470 = tpu.matmul %convert_element_type3A_371, %get3A_468, %dot_general3A_469 {dimension_numbers = #tpu.dot_dimension_numbers<[1], [1], [0], [0], [0, 0, 1, 0], [], []>, transpose_lhs_hint = false} : vector<448x64xf32>, vector<8x64xf32>, vector<448x8xf32> -> vector<448x8xf32>
    %dot_general3A_471 = arith.constant dense<0.000000e+00> : vector<448x64xf32>
    %dot_general3A_472 = tpu.matmul %dot_general3A_470, %convert_element_type3A_398, %dot_general3A_471 {dimension_numbers = #tpu.dot_dimension_numbers<[1], [0], [0], [1], [0, 0, 1, 1], [], []>, transpose_lhs_hint = false} : vector<448x8xf32>, vector<8x64xf32>, vector<448x64xf32> -> vector<448x64xf32>
    %mul3A = arith.mulf %dot_general3A_472, %convert_element_type3A_465 : vector<448x64xf32>
    %iota3A_473 = tpu.iota {dimensions = array<i32: 1>} : vector<8x448xi32>
    %jit3A_474 = arith.constant 64 : i32
    %div3A_475 = vector.broadcast %jit3A_474 : i32 to vector<8x448xi32>
    %div3A_476 = arith.divsi %iota3A_473, %div3A_475 : vector<8x448xi32>
    %sign3A_477 = arith.constant 0 : i32
    %sign3A_478 = vector.broadcast %sign3A_477 : i32 to vector<8x448xi32>
    %sign3A_479 = arith.cmpi sgt, %iota3A_473, %sign3A_478 : vector<8x448xi32>
    %sign3A_480 = arith.extui %sign3A_479 : vector<8x448xi1> to vector<8x448xi32>
    %sign3A_481 = arith.constant 0 : i32
    %sign3A_482 = vector.broadcast %sign3A_481 : i32 to vector<8x448xi32>
    %sign3A_483 = arith.cmpi slt, %iota3A_473, %sign3A_482 : vector<8x448xi32>
    %sign3A_484 = arith.extui %sign3A_483 : vector<8x448xi1> to vector<8x448xi32>
    %sign3A_485 = arith.subi %sign3A_480, %sign3A_484 : vector<8x448xi32>
    %sign3A_486 = arith.constant 0 : i32
    %sign3A_487 = arith.cmpi sgt, %jit3A_474, %sign3A_486 : i32
    %sign3A_488 = arith.extui %sign3A_487 : i1 to i32
    %sign3A_489 = arith.constant 0 : i32
    %sign3A_490 = arith.cmpi slt, %jit3A_474, %sign3A_489 : i32
    %sign3A_491 = arith.extui %sign3A_490 : i1 to i32
    %sign3A_492 = arith.subi %sign3A_488, %sign3A_491 : i32
    %ne3A_493 = vector.broadcast %sign3A_492 : i32 to vector<8x448xi32>
    %ne3A_494 = arith.cmpi ne, %sign3A_485, %ne3A_493 : vector<8x448xi32>
    %rem3A_495 = vector.broadcast %jit3A_474 : i32 to vector<8x448xi32>
    %rem3A_496 = arith.remsi %iota3A_473, %rem3A_495 : vector<8x448xi32>
    %ne3A_497 = arith.constant 0 : i32
    %ne3A_498 = vector.broadcast %ne3A_497 : i32 to vector<8x448xi32>
    %ne3A_499 = arith.cmpi ne, %rem3A_496, %ne3A_498 : vector<8x448xi32>
    %and3A_500 = arith.andi %ne3A_494, %ne3A_499 : vector<8x448xi1>
    %sub3A_501 = arith.constant 1 : i32
    %sub3A_502 = vector.broadcast %sub3A_501 : i32 to vector<8x448xi32>
    %sub3A_503 = arith.subi %div3A_476, %sub3A_502 : vector<8x448xi32>
    %select_n3A_504 = arith.select %and3A_500, %sub3A_503, %div3A_476 : vector<8x448xi1>, vector<8x448xi32>
    %iota3A_505 = tpu.iota {dimensions = array<i32: 0>} : vector<8x448xi32>
    %eq3A_506 = arith.cmpi eq, %select_n3A_504, %iota3A_505 : vector<8x448xi32>
    %convert_element_type3A_507 = arith.extui %eq3A_506 : vector<8x448xi1> to vector<8x448xi32>
    %convert_element_type3A_508 = arith.sitofp %convert_element_type3A_507 : vector<8x448xi32> to vector<8x448xf32>
    %get3A_509 = arith.constant 1 : index
    %get3A_510 = arith.constant 0 : index
    %get3A_511 = vector.load %arg12[%get3A_509, %get3A_510] : memref<2x64xf32, #tpu.memory_space<vmem>>, vector<1x64xf32>
    %dot_general3A_512 = arith.constant dense<0.000000e+00> : vector<1x448xf32>
    %dot_general3A_513 = tpu.matmul %get3A_511, %convert_element_type3A_344, %dot_general3A_512 {dimension_numbers = #tpu.dot_dimension_numbers<[1], [0], [0], [1], [0, 0, 1, 1], [], []>, transpose_lhs_hint = false} : vector<1x64xf32>, vector<64x448xf32>, vector<1x448xf32> -> vector<1x448xf32>
    %mul3A_514 = vector.broadcast %dot_general3A_513 : vector<1x448xf32> to vector<8x448xf32>
    %mul3A_515 = arith.mulf %convert_element_type3A_508, %mul3A_514 : vector<8x448xf32>
    %get3A_516 = arith.constant 0 : index
    %get3A_517 = arith.constant 0 : index
    %get3A_518 = vector.load %arg15[%get3A_516, %get3A_517] : memref<1x8xf32, #tpu.memory_space<vmem>>, vector<1x8xf32>
    %dot_general3A_519 = arith.constant dense<0.000000e+00> : vector<1x64xf32>
    %dot_general3A_520 = tpu.matmul %get3A_518, %convert_element_type3A_398, %dot_general3A_519 {dimension_numbers = #tpu.dot_dimension_numbers<[1], [0], [0], [1], [0, 0, 1, 1], [], []>, transpose_lhs_hint = false} : vector<1x8xf32>, vector<8x64xf32>, vector<1x64xf32> -> vector<1x64xf32>
    %get3A_521 = arith.constant 0 : index
    %get3A_522 = arith.constant 0 : index
    %get3A_523 = vector.load %arg12[%get3A_521, %get3A_522] : memref<2x64xf32, #tpu.memory_space<vmem>>, vector<1x64xf32>
    %mul3A_524 = vector.broadcast %reshape3A_50 : vector<512x1xf32> to vector<512x64xf32>
    %mul3A_525 = vector.broadcast %get3A_523 : vector<1x64xf32> to vector<512x64xf32>
    %mul3A_526 = arith.mulf %mul3A_524, %mul3A_525 : vector<512x64xf32>
    %get3A_527 = arith.constant 0 : index
    %get3A_528 = arith.constant 0 : index
    %get3A_529 = vector.load %arg13[%get3A_527, %get3A_528] : memref<1x64xf32, #tpu.memory_space<vmem>>, vector<1x64xf32>
    %add3A_530 = vector.broadcast %get3A_529 : vector<1x64xf32> to vector<512x64xf32>
    %add3A_531 = arith.addf %mul3A_526, %add3A_530 : vector<512x64xf32>
    %dot_general3A_532 = arith.constant dense<0.000000e+00> : vector<512x448xf32>
    %dot_general3A_533 = tpu.matmul %add3A_531, %convert_element_type3A_344, %dot_general3A_532 {dimension_numbers = #tpu.dot_dimension_numbers<[1], [0], [0], [1], [0, 0, 1, 1], [], []>, transpose_lhs_hint = false} : vector<512x64xf32>, vector<64x448xf32>, vector<512x448xf32> -> vector<512x448xf32>
    %iota3A_534 = tpu.iota {dimensions = array<i32: 1>} : vector<256x8xi32>
    %mul3A_535 = arith.constant 2 : i32
    %mul3A_536 = arith.muli %arg0, %mul3A_535 : i32
    %add3A_537 = arith.constant 0 : i32
    %add3A_538 = arith.addi %mul3A_536, %add3A_537 : i32
    %slice3A_539 = vector.extract_strided_slice %reshape3A {offsets = [0, 0], sizes = [256, 256], strides = [1, 1]} : vector<512x256xf32> to vector<256x256xf32>
    %slice3A_540 = vector.extract_strided_slice %select_n3A {offsets = [0, 0], sizes = [256, 256], strides = [1, 1]} : vector<512x256xf32> to vector<256x256xf32>
    %get3A_541 = arith.index_cast %add3A_538 : i32 to index
    %get3A_542 = arith.constant 0 : index
    %get3A_543 = vector.load %arg5[%get3A_541, %get3A_542] : memref<16x256xi32, #tpu.memory_space<vmem>>, vector<1x256xi32>
    %slice3A_544 = vector.extract_strided_slice %reshape3A_55 {offsets = [0, 0], sizes = [256, 1], strides = [1, 1]} : vector<512x1xi32> to vector<256x1xi32>
    %eq3A_545 = vector.broadcast %get3A_543 : vector<1x256xi32> to vector<8x256xi32>
    %eq3A_546 = arith.cmpi eq, %iota3A_285, %eq3A_545 : vector<8x256xi32>
    %lt3A_547 = arith.constant 7 : i32
    %lt3A_548 = vector.broadcast %lt3A_547 : i32 to vector<1x256xi32>
    %lt3A_549 = arith.cmpi slt, %get3A_543, %lt3A_548 : vector<1x256xi32>
    %and3A_550 = vector.broadcast %lt3A_549 : vector<1x256xi1> to vector<8x256xi1>
    %and3A_551 = arith.andi %eq3A_546, %and3A_550 : vector<8x256xi1>
    %convert_element_type3A_552 = arith.extui %and3A_551 : vector<8x256xi1> to vector<8x256xi32>
    %convert_element_type3A_553 = arith.sitofp %convert_element_type3A_552 : vector<8x256xi32> to vector<8x256xf32>
    %eq3A_554 = vector.broadcast %slice3A_544 : vector<256x1xi32> to vector<256x8xi32>
    %eq3A_555 = arith.cmpi eq, %iota3A_534, %eq3A_554 : vector<256x8xi32>
    %convert_element_type3A_556 = arith.extui %eq3A_555 : vector<256x8xi1> to vector<256x8xi32>
    %convert_element_type3A_557 = arith.sitofp %convert_element_type3A_556 : vector<256x8xi32> to vector<256x8xf32>
    %get3A_558 = arith.index_cast %add3A_538 : i32 to index
    %get3A_559 = arith.constant 0 : index
    %get3A_560 = vector.load %arg1[%get3A_558, %get3A_559] : memref<16x256xf32, #tpu.memory_space<vmem>>, vector<1x256xf32>
    %dot_general3A_561 = arith.constant dense<0.000000e+00> : vector<8x256xf32>
    %dot_general3A_562 = tpu.matmul %convert_element_type3A_553, %slice3A_539, %dot_general3A_561 {dimension_numbers = #tpu.dot_dimension_numbers<[1], [0], [0], [1], [0, 0, 1, 1], [], []>, transpose_lhs_hint = false} : vector<8x256xf32>, vector<256x256xf32>, vector<8x256xf32> -> vector<8x256xf32>
    %get3A_563 = arith.constant 0 : index
    %get3A_564 = arith.constant 0 : index
    %get3A_565 = vector.load %arg9[%get3A_563, %get3A_564] : memref<256x256xf32, #tpu.memory_space<vmem>>, vector<256x256xf32>
    %dot_general3A_566 = arith.constant dense<0.000000e+00> : vector<256x8xf32>
    %dot_general3A_567 = tpu.matmul %get3A_565, %dot_general3A_562, %dot_general3A_566 {dimension_numbers = #tpu.dot_dimension_numbers<[1], [1], [0], [0], [0, 0, 1, 0], [], []>, transpose_lhs_hint = false} : vector<256x256xf32>, vector<8x256xf32>, vector<256x8xf32> -> vector<256x8xf32>
    %get3A_568 = arith.constant 0 : index
    %get3A_569 = arith.constant 0 : index
    %get3A_570 = vector.load %arg10[%get3A_568, %get3A_569] : memref<256x256xf32, #tpu.memory_space<vmem>>, vector<256x256xf32>
    %dot_general3A_571 = arith.constant dense<0.000000e+00> : vector<8x256xf32>
    %dot_general3A_572 = tpu.matmul %dot_general3A_562, %get3A_570, %dot_general3A_571 {dimension_numbers = #tpu.dot_dimension_numbers<[1], [1], [0], [0], [0, 0, 1, 0], [], []>, transpose_lhs_hint = false} : vector<8x256xf32>, vector<256x256xf32>, vector<8x256xf32> -> vector<8x256xf32>
    %dot_general3A_573 = arith.constant dense<0.000000e+00> : vector<256x64xf32>
    %dot_general3A_574 = tpu.matmul %dot_general3A_567, %convert_element_type3A_141, %dot_general3A_573 {dimension_numbers = #tpu.dot_dimension_numbers<[1], [0], [0], [1], [0, 0, 1, 1], [], []>, transpose_lhs_hint = false} : vector<256x8xf32>, vector<8x64xf32>, vector<256x64xf32> -> vector<256x64xf32>
    %mul3A_575 = arith.mulf %dot_general3A_574, %convert_element_type3A_105 : vector<256x64xf32>
    %dot_general3A_576 = arith.constant dense<0.000000e+00> : vector<64x256xf32>
    %dot_general3A_577 = tpu.matmul %convert_element_type3A_235, %dot_general3A_572, %dot_general3A_576 {dimension_numbers = #tpu.dot_dimension_numbers<[1], [0], [0], [1], [0, 0, 1, 1], [], []>, transpose_lhs_hint = false} : vector<64x8xf32>, vector<8x256xf32>, vector<64x256xf32> -> vector<64x256xf32>
    %mul3A_578 = arith.mulf %dot_general3A_577, %convert_element_type3A_199 : vector<64x256xf32>
    %dot_general3A_579 = arith.constant dense<0.000000e+00> : vector<256x64xf32>
    %dot_general3A_580 = tpu.matmul %slice3A_540, %mul3A_575, %dot_general3A_579 {dimension_numbers = #tpu.dot_dimension_numbers<[1], [0], [0], [1], [0, 0, 1, 1], [], []>, transpose_lhs_hint = false} : vector<256x256xf32>, vector<256x64xf32>, vector<256x64xf32> -> vector<256x64xf32>
    %mul3A_581 = arith.constant 0.176776692 : f32
    %mul3A_582 = vector.broadcast %mul3A_581 : f32 to vector<256x64xf32>
    %mul3A_583 = arith.mulf %dot_general3A_580, %mul3A_582 : vector<256x64xf32>
    %dot_general3A_584 = arith.constant dense<0.000000e+00> : vector<1x8xf32>
    %dot_general3A_585 = tpu.matmul %get3A_560, %convert_element_type3A_557, %dot_general3A_584 {dimension_numbers = #tpu.dot_dimension_numbers<[1], [0], [0], [1], [0, 0, 1, 1], [], []>, transpose_lhs_hint = false} : vector<1x256xf32>, vector<256x8xf32>, vector<1x8xf32> -> vector<1x8xf32>
    %dot_general3A_586 = arith.constant dense<0.000000e+00> : vector<1x448xf32>
    %dot_general3A_587 = tpu.matmul %dot_general3A_585, %mul3A_515, %dot_general3A_586 {dimension_numbers = #tpu.dot_dimension_numbers<[1], [0], [0], [1], [0, 0, 1, 1], [], []>, transpose_lhs_hint = false} : vector<1x8xf32>, vector<8x448xf32>, vector<1x448xf32> -> vector<1x448xf32>
    %slice3A_588 = vector.extract_strided_slice %dot_general3A_533 {offsets = [0, 0], sizes = [256, 448], strides = [1, 1]} : vector<512x448xf32> to vector<256x448xf32>
    %add3A_589 = vector.broadcast %dot_general3A_587 : vector<1x448xf32> to vector<256x448xf32>
    %add3A_590 = arith.addf %slice3A_588, %add3A_589 : vector<256x448xf32>
    %max3A = arith.constant 0.000000e+00 : f32
    %max3A_591 = vector.broadcast %max3A : f32 to vector<256x448xf32>
    %max3A_592 = arith.maximumf %add3A_590, %max3A_591 : vector<256x448xf32>
    %dot_general3A_593 = arith.constant dense<0.000000e+00> : vector<256x64xf32>
    %dot_general3A_594 = tpu.matmul %max3A_592, %mul3A, %dot_general3A_593 {dimension_numbers = #tpu.dot_dimension_numbers<[1], [0], [0], [1], [0, 0, 1, 1], [], []>, transpose_lhs_hint = false} : vector<256x448xf32>, vector<448x64xf32>, vector<256x64xf32> -> vector<256x64xf32>
    %add3A_595 = vector.broadcast %dot_general3A_520 : vector<1x64xf32> to vector<256x64xf32>
    %add3A_596 = arith.addf %dot_general3A_594, %add3A_595 : vector<256x64xf32>
    %gt3A_597 = vector.broadcast %slice3A_544 : vector<256x1xi32> to vector<256x64xi32>
    %gt3A_598 = arith.cmpi sgt, %select_n3A_317, %gt3A_597 : vector<256x64xi32>
    %convert_element_type3A_599 = arith.extui %gt3A_598 : vector<256x64xi1> to vector<256x64xi32>
    %sub3A_600 = arith.subi %select_n3A_317, %convert_element_type3A_599 : vector<256x64xi32>
    %ne3A_601 = vector.broadcast %slice3A_544 : vector<256x1xi32> to vector<256x64xi32>
    %ne3A_602 = arith.cmpi ne, %select_n3A_317, %ne3A_601 : vector<256x64xi32>
    %lt3A_603 = vector.broadcast %min3A_27 : i32 to vector<256x64xi32>
    %lt3A_604 = arith.cmpi slt, %sub3A_600, %lt3A_603 : vector<256x64xi32>
    %and3A_605 = arith.andi %ne3A_602, %lt3A_604 : vector<256x64xi1>
    %lt3A_606 = arith.constant 7 : i32
    %lt3A_607 = vector.broadcast %lt3A_606 : i32 to vector<256x64xi32>
    %lt3A_608 = arith.cmpi slt, %select_n3A_317, %lt3A_607 : vector<256x64xi32>
    %and3A_609 = arith.andi %and3A_605, %lt3A_608 : vector<256x64xi1>
    %convert_element_type3A_610 = arith.extui %and3A_609 : vector<256x64xi1> to vector<256x64xi32>
    %convert_element_type3A_611 = arith.sitofp %convert_element_type3A_610 : vector<256x64xi32> to vector<256x64xf32>
    %add3A_612 = arith.addf %mul3A_583, %add3A_596 : vector<256x64xf32>
    %jit3A_613 = arith.constant -1.000000e+30 : f32
    %broadcast_in_dim3A_614 = vector.broadcast %jit3A_613 : f32 to vector<256x64xf32>
    %select_n3A_615 = arith.select %and3A_609, %add3A_612, %broadcast_in_dim3A_614 : vector<256x64xi1>, vector<256x64xf32>
    %reduce_max3A = arith.constant dense<0xFF800000> : vector<256xf32>
    %reduce_max3A_616 = vector.multi_reduction <maximumf>, %select_n3A_615, %reduce_max3A [1] : vector<256x64xf32> to vector<256xf32>
    %broadcast_in_dim3A_617 = vector.shape_cast %reduce_max3A_616 : vector<256xf32> to vector<256x1xf32>
    %sub3A_618 = vector.broadcast %broadcast_in_dim3A_617 : vector<256x1xf32> to vector<256x64xf32>
    %sub3A_619 = arith.subf %select_n3A_615, %sub3A_618 : vector<256x64xf32>
    %exp3A = math.exp %sub3A_619 : vector<256x64xf32>
    %mul3A_620 = arith.mulf %exp3A, %convert_element_type3A_611 : vector<256x64xf32>
    %dot_general3A_621 = arith.constant dense<0.000000e+00> : vector<256x64xf32>
    %dot_general3A_622 = tpu.matmul %mul3A_620, %convert_element_type3A_284, %dot_general3A_621 {dimension_numbers = #tpu.dot_dimension_numbers<[1], [0], [0], [1], [0, 0, 1, 1], [], []>, transpose_lhs_hint = false} : vector<256x64xf32>, vector<64x64xf32>, vector<256x64xf32> -> vector<256x64xf32>
    %div3A_623 = arith.divf %mul3A_620, %dot_general3A_622 : vector<256x64xf32>
    %dot_general3A_624 = arith.constant dense<0.000000e+00> : vector<256x256xf32>
    %dot_general3A_625 = tpu.matmul %div3A_623, %mul3A_578, %dot_general3A_624 {dimension_numbers = #tpu.dot_dimension_numbers<[1], [0], [0], [1], [0, 0, 1, 1], [], []>, transpose_lhs_hint = false} : vector<256x64xf32>, vector<64x256xf32>, vector<256x256xf32> -> vector<256x256xf32>
    %get3A_626 = arith.constant 0 : index
    %get3A_627 = arith.constant 0 : index
    %get3A_628 = vector.load %arg11[%get3A_626, %get3A_627] : memref<256x256xf32, #tpu.memory_space<vmem>>, vector<256x256xf32>
    %dot_general3A_629 = arith.constant dense<0.000000e+00> : vector<256x256xf32>
    %dot_general3A_630 = tpu.matmul %dot_general3A_625, %get3A_628, %dot_general3A_629 {dimension_numbers = #tpu.dot_dimension_numbers<[1], [1], [0], [0], [0, 0, 1, 0], [], []>, transpose_lhs_hint = false} : vector<256x256xf32>, vector<256x256xf32>, vector<256x256xf32> -> vector<256x256xf32>
    %swap3A = arith.constant 0 : index
    %swap3A_631 = arith.constant 0 : index
    %swap3A_632 = arith.constant 0 : index
    %swap3A_633 = vector.load %arg16[%swap3A, %swap3A_631, %swap3A_632] : memref<2x256x256xf32, #tpu.memory_space<vmem>>, vector<1x256x256xf32>
    %swap3A_634 = vector.shape_cast %swap3A_633 : vector<1x256x256xf32> to vector<256x256xf32>
    %swap3A_635 = vector.shape_cast %dot_general3A_630 : vector<256x256xf32> to vector<1x256x256xf32>
    tpu.vector_store %arg16[%swap3A, %swap3A_631, %swap3A_632], %swap3A_635 {strides = array<i32>} : memref<2x256x256xf32, #tpu.memory_space<vmem>>, vector<1x256x256xf32>,
    %mul3A_636 = arith.constant 2 : i32
    %mul3A_637 = arith.muli %arg0, %mul3A_636 : i32
    %add3A_638 = arith.constant 1 : i32
    %add3A_639 = arith.addi %mul3A_637, %add3A_638 : i32
    %slice3A_640 = vector.extract_strided_slice %reshape3A {offsets = [256, 0], sizes = [256, 256], strides = [1, 1]} : vector<512x256xf32> to vector<256x256xf32>
    %slice3A_641 = vector.extract_strided_slice %select_n3A {offsets = [256, 0], sizes = [256, 256], strides = [1, 1]} : vector<512x256xf32> to vector<256x256xf32>
    %get3A_642 = arith.index_cast %add3A_639 : i32 to index
    %get3A_643 = arith.constant 0 : index
    %get3A_644 = vector.load %arg5[%get3A_642, %get3A_643] : memref<16x256xi32, #tpu.memory_space<vmem>>, vector<1x256xi32>
    %slice3A_645 = vector.extract_strided_slice %reshape3A_55 {offsets = [256, 0], sizes = [256, 1], strides = [1, 1]} : vector<512x1xi32> to vector<256x1xi32>
    %eq3A_646 = vector.broadcast %get3A_644 : vector<1x256xi32> to vector<8x256xi32>
    %eq3A_647 = arith.cmpi eq, %iota3A_285, %eq3A_646 : vector<8x256xi32>
    %lt3A_648 = arith.constant 7 : i32
    %lt3A_649 = vector.broadcast %lt3A_648 : i32 to vector<1x256xi32>
    %lt3A_650 = arith.cmpi slt, %get3A_644, %lt3A_649 : vector<1x256xi32>
    %and3A_651 = vector.broadcast %lt3A_650 : vector<1x256xi1> to vector<8x256xi1>
    %and3A_652 = arith.andi %eq3A_647, %and3A_651 : vector<8x256xi1>
    %convert_element_type3A_653 = arith.extui %and3A_652 : vector<8x256xi1> to vector<8x256xi32>
    %convert_element_type3A_654 = arith.sitofp %convert_element_type3A_653 : vector<8x256xi32> to vector<8x256xf32>
    %eq3A_655 = vector.broadcast %slice3A_645 : vector<256x1xi32> to vector<256x8xi32>
    %eq3A_656 = arith.cmpi eq, %iota3A_534, %eq3A_655 : vector<256x8xi32>
    %convert_element_type3A_657 = arith.extui %eq3A_656 : vector<256x8xi1> to vector<256x8xi32>
    %convert_element_type3A_658 = arith.sitofp %convert_element_type3A_657 : vector<256x8xi32> to vector<256x8xf32>
    %get3A_659 = arith.index_cast %add3A_639 : i32 to index
    %get3A_660 = arith.constant 0 : index
    %get3A_661 = vector.load %arg1[%get3A_659, %get3A_660] : memref<16x256xf32, #tpu.memory_space<vmem>>, vector<1x256xf32>
    %dot_general3A_662 = arith.constant dense<0.000000e+00> : vector<8x256xf32>
    %dot_general3A_663 = tpu.matmul %convert_element_type3A_654, %slice3A_640, %dot_general3A_662 {dimension_numbers = #tpu.dot_dimension_numbers<[1], [0], [0], [1], [0, 0, 1, 1], [], []>, transpose_lhs_hint = false} : vector<8x256xf32>, vector<256x256xf32>, vector<8x256xf32> -> vector<8x256xf32>
    %get3A_664 = arith.constant 0 : index
    %get3A_665 = arith.constant 0 : index
    %get3A_666 = vector.load %arg9[%get3A_664, %get3A_665] : memref<256x256xf32, #tpu.memory_space<vmem>>, vector<256x256xf32>
    %dot_general3A_667 = arith.constant dense<0.000000e+00> : vector<256x8xf32>
    %dot_general3A_668 = tpu.matmul %get3A_666, %dot_general3A_663, %dot_general3A_667 {dimension_numbers = #tpu.dot_dimension_numbers<[1], [1], [0], [0], [0, 0, 1, 0], [], []>, transpose_lhs_hint = false} : vector<256x256xf32>, vector<8x256xf32>, vector<256x8xf32> -> vector<256x8xf32>
    %get3A_669 = arith.constant 0 : index
    %get3A_670 = arith.constant 0 : index
    %get3A_671 = vector.load %arg10[%get3A_669, %get3A_670] : memref<256x256xf32, #tpu.memory_space<vmem>>, vector<256x256xf32>
    %dot_general3A_672 = arith.constant dense<0.000000e+00> : vector<8x256xf32>
    %dot_general3A_673 = tpu.matmul %dot_general3A_663, %get3A_671, %dot_general3A_672 {dimension_numbers = #tpu.dot_dimension_numbers<[1], [1], [0], [0], [0, 0, 1, 0], [], []>, transpose_lhs_hint = false} : vector<8x256xf32>, vector<256x256xf32>, vector<8x256xf32> -> vector<8x256xf32>
    %dot_general3A_674 = arith.constant dense<0.000000e+00> : vector<256x64xf32>
    %dot_general3A_675 = tpu.matmul %dot_general3A_668, %convert_element_type3A_141, %dot_general3A_674 {dimension_numbers = #tpu.dot_dimension_numbers<[1], [0], [0], [1], [0, 0, 1, 1], [], []>, transpose_lhs_hint = false} : vector<256x8xf32>, vector<8x64xf32>, vector<256x64xf32> -> vector<256x64xf32>
    %mul3A_676 = arith.mulf %dot_general3A_675, %convert_element_type3A_105 : vector<256x64xf32>
    %dot_general3A_677 = arith.constant dense<0.000000e+00> : vector<64x256xf32>
    %dot_general3A_678 = tpu.matmul %convert_element_type3A_235, %dot_general3A_673, %dot_general3A_677 {dimension_numbers = #tpu.dot_dimension_numbers<[1], [0], [0], [1], [0, 0, 1, 1], [], []>, transpose_lhs_hint = false} : vector<64x8xf32>, vector<8x256xf32>, vector<64x256xf32> -> vector<64x256xf32>
    %mul3A_679 = arith.mulf %dot_general3A_678, %convert_element_type3A_199 : vector<64x256xf32>
    %dot_general3A_680 = arith.constant dense<0.000000e+00> : vector<256x64xf32>
    %dot_general3A_681 = tpu.matmul %slice3A_641, %mul3A_676, %dot_general3A_680 {dimension_numbers = #tpu.dot_dimension_numbers<[1], [0], [0], [1], [0, 0, 1, 1], [], []>, transpose_lhs_hint = false} : vector<256x256xf32>, vector<256x64xf32>, vector<256x64xf32> -> vector<256x64xf32>
    %mul3A_682 = arith.constant 0.176776692 : f32
    %mul3A_683 = vector.broadcast %mul3A_682 : f32 to vector<256x64xf32>
    %mul3A_684 = arith.mulf %dot_general3A_681, %mul3A_683 : vector<256x64xf32>
    %dot_general3A_685 = arith.constant dense<0.000000e+00> : vector<1x8xf32>
    %dot_general3A_686 = tpu.matmul %get3A_661, %convert_element_type3A_658, %dot_general3A_685 {dimension_numbers = #tpu.dot_dimension_numbers<[1], [0], [0], [1], [0, 0, 1, 1], [], []>, transpose_lhs_hint = false} : vector<1x256xf32>, vector<256x8xf32>, vector<1x8xf32> -> vector<1x8xf32>
    %dot_general3A_687 = arith.constant dense<0.000000e+00> : vector<1x448xf32>
    %dot_general3A_688 = tpu.matmul %dot_general3A_686, %mul3A_515, %dot_general3A_687 {dimension_numbers = #tpu.dot_dimension_numbers<[1], [0], [0], [1], [0, 0, 1, 1], [], []>, transpose_lhs_hint = false} : vector<1x8xf32>, vector<8x448xf32>, vector<1x448xf32> -> vector<1x448xf32>
    %slice3A_689 = vector.extract_strided_slice %dot_general3A_533 {offsets = [256, 0], sizes = [256, 448], strides = [1, 1]} : vector<512x448xf32> to vector<256x448xf32>
    %add3A_690 = vector.broadcast %dot_general3A_688 : vector<1x448xf32> to vector<256x448xf32>
    %add3A_691 = arith.addf %slice3A_689, %add3A_690 : vector<256x448xf32>
    %max3A_692 = arith.constant 0.000000e+00 : f32
    %max3A_693 = vector.broadcast %max3A_692 : f32 to vector<256x448xf32>
    %max3A_694 = arith.maximumf %add3A_691, %max3A_693 : vector<256x448xf32>
    %dot_general3A_695 = arith.constant dense<0.000000e+00> : vector<256x64xf32>
    %dot_general3A_696 = tpu.matmul %max3A_694, %mul3A, %dot_general3A_695 {dimension_numbers = #tpu.dot_dimension_numbers<[1], [0], [0], [1], [0, 0, 1, 1], [], []>, transpose_lhs_hint = false} : vector<256x448xf32>, vector<448x64xf32>, vector<256x64xf32> -> vector<256x64xf32>
    %add3A_697 = vector.broadcast %dot_general3A_520 : vector<1x64xf32> to vector<256x64xf32>
    %add3A_698 = arith.addf %dot_general3A_696, %add3A_697 : vector<256x64xf32>
    %gt3A_699 = vector.broadcast %slice3A_645 : vector<256x1xi32> to vector<256x64xi32>
    %gt3A_700 = arith.cmpi sgt, %select_n3A_317, %gt3A_699 : vector<256x64xi32>
    %convert_element_type3A_701 = arith.extui %gt3A_700 : vector<256x64xi1> to vector<256x64xi32>
    %sub3A_702 = arith.subi %select_n3A_317, %convert_element_type3A_701 : vector<256x64xi32>
    %ne3A_703 = vector.broadcast %slice3A_645 : vector<256x1xi32> to vector<256x64xi32>
    %ne3A_704 = arith.cmpi ne, %select_n3A_317, %ne3A_703 : vector<256x64xi32>
    %lt3A_705 = vector.broadcast %min3A_27 : i32 to vector<256x64xi32>
    %lt3A_706 = arith.cmpi slt, %sub3A_702, %lt3A_705 : vector<256x64xi32>
    %and3A_707 = arith.andi %ne3A_704, %lt3A_706 : vector<256x64xi1>
    %lt3A_708 = arith.constant 7 : i32
    %lt3A_709 = vector.broadcast %lt3A_708 : i32 to vector<256x64xi32>
    %lt3A_710 = arith.cmpi slt, %select_n3A_317, %lt3A_709 : vector<256x64xi32>
    %and3A_711 = arith.andi %and3A_707, %lt3A_710 : vector<256x64xi1>
    %convert_element_type3A_712 = arith.extui %and3A_711 : vector<256x64xi1> to vector<256x64xi32>
    %convert_element_type3A_713 = arith.sitofp %convert_element_type3A_712 : vector<256x64xi32> to vector<256x64xf32>
    %add3A_714 = arith.addf %mul3A_684, %add3A_698 : vector<256x64xf32>
    %jit3A_715 = arith.constant -1.000000e+30 : f32
    %broadcast_in_dim3A_716 = vector.broadcast %jit3A_715 : f32 to vector<256x64xf32>
    %select_n3A_717 = arith.select %and3A_711, %add3A_714, %broadcast_in_dim3A_716 : vector<256x64xi1>, vector<256x64xf32>
    %reduce_max3A_718 = arith.constant dense<0xFF800000> : vector<256xf32>
    %reduce_max3A_719 = vector.multi_reduction <maximumf>, %select_n3A_717, %reduce_max3A_718 [1] : vector<256x64xf32> to vector<256xf32>
    %broadcast_in_dim3A_720 = vector.shape_cast %reduce_max3A_719 : vector<256xf32> to vector<256x1xf32>
    %sub3A_721 = vector.broadcast %broadcast_in_dim3A_720 : vector<256x1xf32> to vector<256x64xf32>
    %sub3A_722 = arith.subf %select_n3A_717, %sub3A_721 : vector<256x64xf32>
    %exp3A_723 = math.exp %sub3A_722 : vector<256x64xf32>
    %mul3A_724 = arith.mulf %exp3A_723, %convert_element_type3A_713 : vector<256x64xf32>
    %dot_general3A_725 = arith.constant dense<0.000000e+00> : vector<256x64xf32>
    %dot_general3A_726 = tpu.matmul %mul3A_724, %convert_element_type3A_284, %dot_general3A_725 {dimension_numbers = #tpu.dot_dimension_numbers<[1], [0], [0], [1], [0, 0, 1, 1], [], []>, transpose_lhs_hint = false} : vector<256x64xf32>, vector<64x64xf32>, vector<256x64xf32> -> vector<256x64xf32>
    %div3A_727 = arith.divf %mul3A_724, %dot_general3A_726 : vector<256x64xf32>
    %dot_general3A_728 = arith.constant dense<0.000000e+00> : vector<256x256xf32>
    %dot_general3A_729 = tpu.matmul %div3A_727, %mul3A_679, %dot_general3A_728 {dimension_numbers = #tpu.dot_dimension_numbers<[1], [0], [0], [1], [0, 0, 1, 1], [], []>, transpose_lhs_hint = false} : vector<256x64xf32>, vector<64x256xf32>, vector<256x256xf32> -> vector<256x256xf32>
    %get3A_730 = arith.constant 0 : index
    %get3A_731 = arith.constant 0 : index
    %get3A_732 = vector.load %arg11[%get3A_730, %get3A_731] : memref<256x256xf32, #tpu.memory_space<vmem>>, vector<256x256xf32>
    %dot_general3A_733 = arith.constant dense<0.000000e+00> : vector<256x256xf32>
    %dot_general3A_734 = tpu.matmul %dot_general3A_729, %get3A_732, %dot_general3A_733 {dimension_numbers = #tpu.dot_dimension_numbers<[1], [1], [0], [0], [0, 0, 1, 0], [], []>, transpose_lhs_hint = false} : vector<256x256xf32>, vector<256x256xf32>, vector<256x256xf32> -> vector<256x256xf32>
    %swap3A_735 = arith.constant 1 : index
    %swap3A_736 = arith.constant 0 : index
    %swap3A_737 = arith.constant 0 : index
    %swap3A_738 = vector.load %arg16[%swap3A_735, %swap3A_736, %swap3A_737] : memref<2x256x256xf32, #tpu.memory_space<vmem>>, vector<1x256x256xf32>
    %swap3A_739 = vector.shape_cast %swap3A_738 : vector<1x256x256xf32> to vector<256x256xf32>
    %swap3A_740 = vector.shape_cast %dot_general3A_734 : vector<256x256xf32> to vector<1x256x256xf32>
    tpu.vector_store %arg16[%swap3A_735, %swap3A_736, %swap3A_737], %swap3A_740 {strides = array<i32>} : memref<2x256x256xf32, #tpu.memory_space<vmem>>, vector<1x256x256xf32>,
    return
  }
  func.func @transform_0(%arg0: i32) -> (i32, i32) {
    %c0_i32 = arith.constant 0 : i32
    %c0_i32_0 = arith.constant 0 : i32
    %c0_i32_1 = arith.constant 0 : i32
    return %c0_i32, %c0_i32_0 : i32, i32
  }
  func.func @transform_1(%arg0: i32) -> (i32, i32) {
    %c0_i32 = arith.constant 0 : i32
    %c0_i32_0 = arith.constant 0 : i32
    %c0_i32_1 = arith.constant 0 : i32
    return %c0_i32, %c0_i32_0 : i32, i32
  }
  func.func @transform_2(%arg0: i32) -> (i32, i32, i32) {
    %c0_i32 = arith.constant 0 : i32
    %c0_i32_0 = arith.constant 0 : i32
    %c0_i32_1 = arith.constant 0 : i32
    return %arg0, %c0_i32, %c0_i32_0 : i32, i32, i32
  }
  func.func @transform_3(%arg0: i32) -> (i32, i32, i32) {
    %c0_i32 = arith.constant 0 : i32
    %c0_i32_0 = arith.constant 0 : i32
    %c0_i32_1 = arith.constant 0 : i32
    return %arg0, %c0_i32, %c0_i32_0 : i32, i32, i32
  }
  func.func @transform_4(%arg0: i32) -> (i32, i32) {
    %c0_i32 = arith.constant 0 : i32
    %c0_i32_0 = arith.constant 0 : i32
    %c0_i32_1 = arith.constant 0 : i32
    return %c0_i32, %c0_i32_0 : i32, i32
  }
  func.func @transform_5(%arg0: i32) -> (i32, i32, i32) {
    %c0_i32 = arith.constant 0 : i32
    %c0_i32_0 = arith.constant 0 : i32
    %c0_i32_1 = arith.constant 0 : i32
    return %arg0, %c0_i32, %c0_i32_0 : i32, i32, i32
  }
  func.func @transform_6(%arg0: i32) -> (i32, i32, i32) {
    %c0_i32 = arith.constant 0 : i32
    %c0_i32_0 = arith.constant 0 : i32
    %c0_i32_1 = arith.constant 0 : i32
    return %arg0, %c0_i32, %c0_i32_0 : i32, i32, i32
  }
  func.func @transform_7(%arg0: i32) -> (i32, i32) {
    %c0_i32 = arith.constant 0 : i32
    %c0_i32_0 = arith.constant 0 : i32
    %c0_i32_1 = arith.constant 0 : i32
    return %c0_i32, %c0_i32_0 : i32, i32
  }
  func.func @transform_8(%arg0: i32) -> (i32, i32) {
    %c0_i32 = arith.constant 0 : i32
    %c0_i32_0 = arith.constant 0 : i32
    %c0_i32_1 = arith.constant 0 : i32
    return %c0_i32, %c0_i32_0 : i32, i32
  }
  func.func @transform_9(%arg0: i32) -> (i32, i32) {
    %c0_i32 = arith.constant 0 : i32
    %c0_i32_0 = arith.constant 0 : i32
    %c0_i32_1 = arith.constant 0 : i32
    return %c0_i32, %c0_i32_0 : i32, i32
  }
  func.func @transform_10(%arg0: i32) -> (i32, i32) {
    %c0_i32 = arith.constant 0 : i32
    %c0_i32_0 = arith.constant 0 : i32
    %c0_i32_1 = arith.constant 0 : i32
    return %c0_i32, %c0_i32_0 : i32, i32
  }
  func.func @transform_11(%arg0: i32) -> (i32, i32) {
    %c0_i32 = arith.constant 0 : i32
    %c0_i32_0 = arith.constant 0 : i32
    %c0_i32_1 = arith.constant 0 : i32
    return %c0_i32, %c0_i32_0 : i32, i32
  }
  func.func @transform_12(%arg0: i32) -> (i32, i32) {
    %c0_i32 = arith.constant 0 : i32
    %c0_i32_0 = arith.constant 0 : i32
    %c0_i32_1 = arith.constant 0 : i32
    return %c0_i32, %c0_i32_0 : i32, i32
  }
  func.func @transform_13(%arg0: i32) -> (i32, i32) {
    %c0_i32 = arith.constant 0 : i32
    %c0_i32_0 = arith.constant 0 : i32
    %c0_i32_1 = arith.constant 0 : i32
    return %c0_i32, %c0_i32_0 : i32, i32
  }
  func.func @transform_14(%arg0: i32) -> (i32, i32) {
    %c0_i32 = arith.constant 0 : i32
    %c0_i32_0 = arith.constant 0 : i32
    %c0_i32_1 = arith.constant 0 : i32
    return %c0_i32, %c0_i32_0 : i32, i32
  }
  func.func @transform_15(%arg0: i32) -> (i32, i32, i32) {
    %c0_i32 = arith.constant 0 : i32
    %c0_i32_0 = arith.constant 0 : i32
    %c0_i32_1 = arith.constant 0 : i32
    return %arg0, %c0_i32, %c0_i32_0 : i32, i32, i32
  }
}

</mosaic_0001>

<sc_bundles>
// kernel: kernel.4.cloned.1.call-start
scs
__scs_entry_jumppad:
0x0: {  	(pc) =	sbr.rel $0x88, $3  }
0x1: {  	(tag) =	ssettag $0x0;
	lr =	simm.s32 $0x1  }
0x2: {  	[smem:$0x3F94] =	sst lr;
	_ =	strace $0xD0000000  }
0x3: {  	_ = 	snop  }
0x4: {  	_ = 	snop  }
0x5: {  	_ = 	snop  }
0x6: {  	_ = 	snop  }
0x7: {  	_ = 	snop  }
__scs_overlays_trampoline_lowered:
0x8: {  	[smem:$0x3FA3] =	sst s0  }
0x9: {  	[smem:$0x3FA4] =	sst s1  }
0xa: {  	[smem:$0x3FA5] =	sst s2  }
0xb: {  	[smem:$0x3FA6] =	sst s3  }
0xc: {  	[smem:$0x3FA7] =	sst s4  }
0xd: {  	[smem:$0x3FA8] =	sst s5  }
0xe: {  	[smem:$0x3FA9] =	sst s6  }
0xf: {  	[smem:$0x3FAA] =	sst s7  }
0x10: {  	[smem:$0x3FAB] =	sst s8  }
0x11: {  	[smem:$0x3FAC] =	sst s9;
	s0 =	simm.s32 @!p0 $0x0  }
0x12: {  	s1 =	sld [smem:$0x3F92];
	s0 =	simm.s32 @p0 $0x1  }
0x13: {  	[smem:$0x3FAD] =	sst s0;
	s0 =	simm.s32 @!p1 $0x0  }
0x14: {  	s2 =	sld [smem:$0x3F91];
	s0 =	simm.s32 @p1 $0x1  }
0x15: {  	[smem:$0x3FAE] =	sst s0;
	s0 =	simm.s32 @!p2 $0x0  }
0x16: {  	s3 =	sld [smem:$0x3FDB];
	s0 =	simm.s32 @p2 $0x1  }
0x17: {  	s4 =	simm.s32 $0x1BF5;
	[smem:$0x3FB0] =	sst s0  }
0x18: {  	s0 =	sld [smem:$0x3F93];
	_ =	swait.ge [sflag:s4], $0x0  }
0x19: {  	s7 =	sld [smem:$0x3F94]  }
0x1a: {  	s8 =	sadd.s32 $0xFFFFE003, lr  }
0x1b: {  	s9 =	sadd.s32 $0xFFFFFEF7, lr;
	s5 =	simm.s32 $0xFFFFFFFF;
	p2 =	slt.u32 s8, $0xFFFFF086  }
0x1c: {  	p1 =	slt.u32 s9, $0xF7A;
	s5 =	simm.s32 @!p2 $0x0  }
0x1d: {  	s5 =	simm.s32 @p1 $0x1;
	p0 =	seq.s32 s7, s2  }
0x1e: {  	s7 =	smul.u32 @!p0 $0xF7A, s2;
	p2 =	seq.s32 @!p0 s5, $0x0  }
0x1f: {  	s9 =	smul.u32 $0xF7A, s1;
	s8 =	simm.s32 @!p0 $0x1BF5;
	p2 =	por !p2, p0  }
0x20: {  	[sflag:s8] =	ssyncset.s32 @!p0 $0xFFFFF086;
	s6 =	sadd.s32 @!p0 s3, s7;
	s7 =	simm.s32 @!p0 $0x108  }
0x21: {  	s3 =	sadd.s32 s3, s9;
	s6 =	sadd.s32 @!p0 $0x88, s6;
	s7 =	simm.s32 @p2 $0x1082  }
0x22: {  	[simem:s7], [sflag:s8] =	dma.local @!p0 [hbm:s6], $0xF7A  }
0x23: {  	s9 =	sor.u32 $0xD0000000, s2;
	s6 =	simm.s32 $0x108;
	_ =	swait.ge @!p0 [sflag:s8], $0x0  }
0x24: {  	s3 =	sadd.s32 $0x88, s3;
	s6 =	simm.s32 @!p1 $0x1082;
	[sflag:s4] =	ssyncset.s32 $0xFFFFF086  }
0x25: {  	[simem:s6], [sflag:s4] =	dma.local [hbm:s3], $0xF7A  }
0x26: {  	[smem:$0x3F94] =	sst s1;
	(tag) =	ssettag s2;
	_ =	strace s9  }
0x27: {  	s1 =	sld [smem:$0x3FA4]  }
0x28: {  	s2 =	sld [smem:$0x3FA5]  }
0x29: {  	s4 =	sld [smem:$0x3FA7]  }
0x2a: {  	p0 =	seq.s32 s5, $0x0;
	s5 =	sld [smem:$0x3FA8]  }
0x2b: {  	s6 =	sld [smem:$0x3FA9]  }
0x2c: {  	s7 =	sld [smem:$0x3FAA]  }
0x2d: {  	s3 =	simm.s32 $0x108;
	s8 =	sld [smem:$0x3FAB]  }
0x2e: {  	s3 =	simm.s32 @!p0 $0x1082;
	s9 =	sld [smem:$0x3FAC]  }
0x2f: {  	lr =	sadd.s32 s0, s3;
	s0 =	sld [smem:$0x3FA3]  }
0x30: {  	s3 =	sld [smem:$0x3FA6]  }
0x31: {  	[smem:$0x3FAF] =	sst s10  }
0x32: {  	s10 =	sld [smem:$0x3FAD];
	_ =	sdelay $0x3  }
0x33: {  	p0 =	seq.s32 s10, $0x1;
	s10 =	sld [smem:$0x3FAF];
	_ =	sdelay $0x3  }
0x34: {  	[smem:$0x3FAF] =	sst s10  }
0x35: {  	s10 =	sld [smem:$0x3FAE];
	_ =	sdelay $0x3  }
0x36: {  	p1 =	seq.s32 s10, $0x1;
	s10 =	sld [smem:$0x3FAF];
	_ =	sdelay $0x3  }
0x37: {  	[smem:$0x3FAF] =	sst s10  }
0x38: {  	s10 =	sld [smem:$0x3FB0]  }
0x39: {  	_ = 	snop;
	(pc) =	sbr.ind lr, $3  }
0x3a: {  	_ = 	snop  }
0x3b: {  	_ = 	snop  }
0x3c: {  	p2 =	seq.s32 s10, $0x1;
	s10 =	sld [smem:$0x3FAF]  }
0x3d: {  	_ =	shalt  }
0x3e: {  	_ =	shalt  }
0x3f: {  	_ =	shalt  }
0x40: {  	_ =	shalt  }
0x41: {  	_ =	shalt  }
0x42: {  	_ =	shalt  }
0x43: {  	_ =	shalt  }
0x44: {  	_ =	shalt  }
0x45: {  	_ =	shalt  }
0x46: {  	_ =	shalt  }
0x47: {  	_ =	shalt  }
0x48: {  	_ =	shalt  }
0x49: {  	_ =	shalt  }
0x4a: {  	_ =	shalt  }
0x4b: {  	_ =	shalt  }
0x4c: {  	_ =	shalt  }
0x4d: {  	_ =	shalt  }
0x4e: {  	_ =	shalt  }
0x4f: {  	_ =	shalt  }
0x50: {  	_ =	shalt  }
0x51: {  	_ =	shalt  }
0x52: {  	_ =	shalt  }
0x53: {  	_ =	shalt  }
0x54: {  	_ =	shalt  }
0x55: {  	_ =	shalt  }
0x56: {  	_ =	shalt  }
0x57: {  	_ =	shalt  }
0x58: {  	_ =	shalt  }
0x59: {  	_ =	shalt  }
0x5a: {  	_ =	shalt  }
0x5b: {  	_ =	shalt  }
0x5c: {  	_ =	shalt  }
0x5d: {  	_ =	shalt  }
0x5e: {  	_ =	shalt  }
0x5f: {  	_ =	shalt  }
0x60: {  	_ =	shalt  }
0x61: {  	_ =	shalt  }
0x62: {  	_ =	shalt  }
0x63: {  	_ =	shalt  }
0x64: {  	_ =	shalt  }
0x65: {  	_ =	shalt  }
0x66: {  	_ =	shalt  }
0x67: {  	_ =	shalt  }
0x68: {  	_ =	shalt  }
0x69: {  	_ =	shalt  }
0x6a: {  	_ =	shalt  }
0x6b: {  	_ =	shalt  }
0x6c: {  	_ =	shalt  }
0x6d: {  	_ =	shalt  }
0x6e: {  	_ =	shalt  }
0x6f: {  	_ =	shalt  }
0x70: {  	_ =	shalt  }
0x71: {  	_ =	shalt  }
0x72: {  	_ =	shalt  }
0x73: {  	_ =	shalt  }
0x74: {  	_ =	shalt  }
0x75: {  	_ =	shalt  }
0x76: {  	_ =	shalt  }
0x77: {  	_ =	shalt  }
0x78: {  	_ =	shalt  }
0x79: {  	_ =	shalt  }
0x7a: {  	_ =	shalt  }
0x7b: {  	_ =	shalt  }
0x7c: {  	_ =	shalt  }
0x7d: {  	_ =	shalt  }
0x7e: {  	_ =	shalt  }
0x7f: {  	_ =	shalt  }
0x80: {  	_ =	shalt  }
0x81: {  	_ =	shalt  }
0x82: {  	_ =	shalt  }
0x83: {  	_ =	shalt  }
0x84: {  	_ =	shalt  }
0x85: {  	_ =	shalt  }
0x86: {  	_ =	shalt  }
0x87: {  	_ =	shalt  }
.Lfunc_end0:
.L_simem_size_0:
called_computation_lowered:
.L_overlay_start_0:
0x88: {  	s0 =	sld [smem:$0x3FD9]  }
0x89: {  	s1 =	sld [smem:$0x3FFE];
	_ =	sdelay $0x3  }
0x8a: {  	s0 =	sadd.s32 s1, s0  }
0x8b: {  	[smem:$0x3FBB] =	sst s0  }
0x8c: {  	_ = 	snop  }
0x8d: {  	s0 =	sld [smem:$0x3FC8]  }
0x8e: {  	s17 =	sld [smem:$0x3FD0];
	(tm) =	ssettm $0x1  }
0x8f: {  	s2 =	sld [smem:$0x3FFB];
	_ =	sdelay $0x3  }
0x90: {  	_ =	strace s2  }
0x91: {  	s2 =	sld [smem:$0x3FFC];
	_ =	sdelay $0x3  }
0x92: {  	_ =	strace s2  }
0x93: {  	s2 =	sld [smem:$0x3FFD];
	_ =	sdelay $0x3  }
0x94: {  	_ =	strace s2  }
0x95: {  	_ =	strace $0x8FFFFFFF  }
0x96: {  	s18 =	sld [smem:$0x3FDB];
	_ =	sdelay $0x1  }
0x97: {  	s3 =	simm.s32 $_scs_section_size  }
0x98: {  	s4 =	simm.s32 $_size__tile_overlayer_lowered;
	s5 =	simm.s32 $_tile_overlayer_lowered  }
0x99: {  	s21 =	simm.s32 $0x1BFF;
	s20 =	sshll.u32 s5, $0x1;
	s2 =	sadd.s32 s3, s18  }
0x9a: {  	s6 =	simm.s32 $0x0;
	s19 =	sshll.u32 s4, $0x1;
	s4 =	sadd.s32 s20, s2  }
0x9b: {  	[timem:s6], [sflag:s21] =	dma.local [hbm:s4], s19  }
0x9c: {  	_ =	swait.ge [sflag:s21], s19  }
0x9d: {  	s3 =	ssub.s32 $0x0, s19;
	[sflag:s21] =	ssyncset.done $0x0  }
0x9e: {  	[sflag:s21] =	ssyncadd.s32 s3;
	_ =	sdelay $0x1  }
0x9f: {  	s22 =	simm.s32 $0x1B8B  }
0xa0: {  	_ =	swait.ge [sflag:s22], $0x1  }
0xa1: {  	[sflag:s22] =	ssyncset.done $0x0  }
0xa2: {  	s23 =	simm.s32 $0x1B8E;
	[sflag:s22] =	ssyncadd.s32 $0xFFFFFFFF  }
0xa3: {  	s24 =	simm.s32 $execute0_lowered;
	[smem:$0x3FD2] =	sst s23  }
0xa4: {  	s3 =	sshll.u32 s24, $0x1;
	_ =	strace $0x80000046;
	[dreg:$0x1] =	wrdreg $0xFFFFFFFF  }
0xa5: {  	s25 =	simm.s32 $_size_execute0_lowered;
	s2 =	sadd.s32 s2, s3;
	[dreg:$0x0] =	wrdreg $0x0  }
0xa6: {  	s3 =	sshll.u32 s25, $0x1;
	[dreg:$0x2] =	wrdreg s2  }
0xa7: {  	[dreg:$0x3] =	wrdreg s3  }
0xa8: {  	[dreg:$0x4] =	wrdreg $0xC0  }
0xa9: {  	_ =	task [dreg:s6], $0x5FFFF  }
0xaa: {  	[dreg:$0x1] =	wrdreg $0xFFFFFFFF  }
0xab: {  	[dreg:$0x0] =	wrdreg $0x60  }
0xac: {  	[dreg:$0x2] =	wrdreg s0  }
0xad: {  	[dreg:$0x3] =	wrdreg s17  }
0xae: {  	[dreg:$0x4] =	wrdreg $0x9  }
0xaf: {  	_ =	task.clear_ibuf [dreg:s6], $0x5FFFF;
	_ =	strace $0x90000046  }
0xb0: {  	s26 =	simm.s32 $0x9;
	_ =	strace $0x80000048  }
0xb1: {  	_ =	swait.ge [sflag:s26], $0x1  }
0xb2: {  	[sflag:s26] =	ssyncadd.s32 $0xFFFFFFFF  }
0xb3: {  	_ =	strace $0x90000048  }
0xb4: {  	_ =	sfence  }
0xb5: {  	s28 =	sld [smem:$0x0];
	_ =	sdelay $0x1  }
0xb6: {  	s29 =	srdreg.scid  }
0xb7: {  	s30 =	sshll.u32 s29, $0xD;
	s31 =	sshrl.u32 s29, $0x2  }
0xb8: {  	s1 =	sand.u32 $0x1, s29;
	s2 =	sand.u32 $0x4000, s30;
	s0 =	sadd.s32 s31, s28  }
0xb9: {  	s1 =	sor.u32 s2, s1;
	s0 =	sshll.u32 s0, $0x11  }
0xba: {  	s0 =	sor.u32 s0, s1  }
0xbb: {  	s0 =	sadd.s32 $0x8F2B, s0  }
0xbc: {  	[sflag:s0] =	ssyncadd.remote.s32 $0x1  }
0xbd: {  	_ =	sfence.sel $0xFFFF  }
0xbe: {  	[dreg:$0x0] =	wrdreg $0xFFFFFFFF;
	(pc) =	sbr.abs _section_cstart, $3  }
0xbf: {  	[dreg:$0x1] =	wrdreg $0xFFFFFFFF  }
0xc0: {  	_ =	task.clear_ibuf [dreg:s6], $0x2FFFF;
	_ =	strace $0x9FFFFFFF  }
0xc1: {  	(tm) =	ssettm $0x7FFFFFFF  }
tec
execute0_lowered:
.L_overlay_start_1:
0x0: {  	(tag) =	ssettag $0x1  }
0x1: {  	s4 =	rddreg [dreg:$0x0]  }
0x2: {  	s2 =	rddreg [dreg:$0x1]  }
0x3: {  	s0 =	rddreg [dreg:$0x2];
	s1 =	stileid.u32  }
0x4: {  	s5 =	simm.s32 $0x0;
	s3 =	sshll.u32 s1, $0x5;
	s6 =	sshll.u32 s1, $0x4  }
0x5: {  	s26 =	simm.s32 $0x80;
	s3 =	sand.u32 $0x100, s3;
	s6 =	sand.u32 $0x70, s6  }
0x6: {  	s28 =	simm.s32 $0x400;
	[smem:$0x7FF] =	sst s5;
	s3 =	sor.u32 s6, s3  }
0x7: {  	s29 =	simm.s32 $0x1;
	_ =	strace $0x80000047;
	s7 =	sadd.s32 s4, s3  }
0x8: {  	[tilespmem:s5], [sflag:$0x1] =	stream.strided.gather [hbm4b:s7+s26], $0x100, s28, s26, $0x38;
	[tilespmem:$0x300] =	vst v63  }
0x9: {  	_ =	swait.ge [sflag:s29], $0x100  }
0xa: {  	[sflag:s29] =	ssyncset.done $0x0  }
0xb: {  	[sflag:s29] =	ssyncadd.s32 $0xFFFFFF00  }
0xc: {  	v35 =	vld [tilespmem:$0x0]  }
0xd: {  	v36 =	vld [tilespmem:$0x10]  }
0xe: {  	v34 =	vld [tilespmem:$0x20]  }
0xf: {  	v33 =	vld [tilespmem:$0x30]  }
0x10: {  	v32 =	vld [tilespmem:$0x40]  }
0x11: {  	v31 =	vld [tilespmem:$0x50]  }
0x12: {  	v30 =	vld [tilespmem:$0x60];
	v0 =	vmin.f32 v35, v36  }
0x13: {  	v29 =	vld [tilespmem:$0x70];
	v0 =	vmin.f32 v0, v34  }
0x14: {  	v28 =	vld [tilespmem:$0x80];
	v0 =	vmin.f32 v0, v33  }
0x15: {  	v27 =	vld [tilespmem:$0x90];
	v0 =	vmin.f32 v0, v32  }
0x16: {  	v26 =	vld [tilespmem:$0xA0];
	v0 =	vmin.f32 v0, v31  }
0x17: {  	v25 =	vld [tilespmem:$0xB0];
	v0 =	vmin.f32 v0, v30  }
0x18: {  	v22 =	vld [tilespmem:$0xC0];
	v0 =	vmin.f32 v0, v29  }
0x19: {  	v1 =	vimm.s32 $0xBA98FEDC;
	v2 =	vimm.s32 $0x32107654;
	v23 =	vld [tilespmem:$0xD0];
	v0 =	vmin.f32 v0, v28  }
0x1a: {  	v1 =	vunpack.c.l.s4.s8 v1;
	v2 =	vunpack.c.l.s4.s8 v2;
	v21 =	vld [tilespmem:$0xE0];
	v0 =	vmin.f32 v0, v27  }
0x1b: {  	v24 =	vld [tilespmem:$0xF0];
	v0 =	vmin.f32 v0, v26  }
0x1c: {  	v1 =	vunpack.c.0.s8.s32 v1;
	v2 =	vunpack.c.0.s8.s32 v2;
	v0 =	vmin.f32 v0, v25  }
0x1d: {  	v3 =	vmin.f32 v0, v22;
	v0 =	vlaneseq.u32  }
0x1e: {  	v1 =	vcombine.low v2, v1;
	v3 =	vmin.f32 v3, v23;
	v4 =	vmul.u32 $0xFFFFFFFF, v0  }
0x1f: {  	v14 =	vimm.s32 $0xDCFE98BA;
	v5 =	vimm.s32 $0x54761032;
	v3 =	vmin.f32 v3, v21  }
0x20: {  	v1 =	vand.u32 $0xF, v1;
	v3 =	vmin.f32 v3, v24;
	v2 =	vadd.s32 $0xF, v4  }
0x21: {  	v5 =	vunpack.c.l.s4.s8 v5;
	v4 =	vunpack.c.l.s4.s8 v14;
	v6 =	vperm.xlane v3, v2;
	_ =	sdelay $0x1  }
0x22: {  	v16 =	vunpack.c.0.s8.s32 v5;
	v15 =	vunpack.c.0.s8.s32 v4;
	v6 =	vmin.f32 v3, v6  }
0x23: {  	s30 =	simm.s32 $0x200;
	[tilespmem:$0x200] =	vst v6  }
0x24: {  	v3 =	vcombine.low v16, v15;
	v17 =	vld.idx.msk [tilespmem:v1+s30+$0x0], $0xffff;
	_ =	sdelay $0x1  }
0x25: {  	v18 =	vimm.s32 $0xEFCDAB89;
	v7 =	vimm.s32 $0x67452301;
	v3 =	vand.u32 $0xF, v3  }
0x26: {  	v7 =	vunpack.c.l.s4.s8 v7;
	v4 =	vunpack.c.l.s4.s8 v18;
	_ =	sdelay $0x1  }
0x27: {  	v19 =	vunpack.c.0.s8.s32 v7;
	v4 =	vunpack.c.0.s8.s32 v4;
	v5 =	vmin.f32 v6, v17  }
0x28: {  	[tilespmem:$0x200] =	vst v5  }
0x29: {  	v4 =	vcombine.low v19, v4;
	v20 =	vld.idx.msk [tilespmem:v3+s30+$0x0], $0xffff;
	_ =	sdelay $0x1  }
0x2a: {  	v4 =	vand.u32 $0xF, v4;
	_ =	sdelay $0x2  }
0x2b: {  	v5 =	vmin.f32 v5, v20  }
0x2c: {  	[tilespmem:$0x200] =	vst v5  }
0x2d: {  	v37 =	vld.idx.msk [tilespmem:v4+s30+$0x0], $0xffff;
	_ =	sdelay $0x4  }
0x2e: {  	v17 =	vmin.f32 v5, v37  }
0x2f: {  	v5 =	vor.u32 $0xF0, v0;
	vm0 =	veq.f32 v24, v17  }
0x30: {  	v6 =	vor.u32 $0xE0, v0;
	vm1 =	veq.f32 v21, v17;
	v38 =	vnsel vm0, $0x100, v5  }
0x31: {  	v7 =	vor.u32 $0xD0, v0;
	vm11 =	veq.f32 v23, v17;
	v8 =	vsel vm1, v6, v38  }
0x32: {  	vm12 =	veq.f32 v22, v17;
	v9 =	vsel vm11, v7, v8;
	v8 =	vor.u32 $0xC0, v0  }
0x33: {  	vm13 =	veq.f32 v25, v17;
	v10 =	vsel vm12, v8, v9;
	v9 =	vor.u32 $0xB0, v0  }
0x34: {  	vm14 =	veq.f32 v26, v17;
	v11 =	vsel vm13, v9, v10;
	v10 =	vor.u32 $0xA0, v0  }
0x35: {  	vm15 =	veq.f32 v27, v17;
	v12 =	vsel vm14, v10, v11;
	v11 =	vor.u32 $0x90, v0  }
0x36: {  	vm4 =	veq.f32 v28, v17;
	v13 =	vsel vm15, v11, v12;
	v12 =	vor.u32 $0x80, v0  }
0x37: {  	vm5 =	veq.f32 v29, v17;
	v14 =	vsel vm4, v12, v13;
	v13 =	vor.u32 $0x70, v0  }
0x38: {  	vm6 =	veq.f32 v30, v17;
	v15 =	vsel vm5, v13, v14;
	v14 =	vor.u32 $0x60, v0  }
0x39: {  	vm7 =	veq.f32 v31, v17;
	v16 =	vsel vm6, v14, v15;
	v15 =	vor.u32 $0x50, v0  }
0x3a: {  	vm8 =	veq.f32 v32, v17;
	v18 =	vsel vm7, v15, v16;
	v16 =	vor.u32 $0x40, v0  }
0x3b: {  	vm9 =	veq.f32 v33, v17;
	v19 =	vsel vm8, v16, v18;
	v18 =	vor.u32 $0x30, v0  }
0x3c: {  	vm10 =	veq.f32 v34, v17;
	v20 =	vsel vm9, v18, v19;
	v19 =	vor.u32 $0x20, v0  }
0x3d: {  	vm11 =	veq.f32 v36, v17;
	v37 =	vsel vm10, v19, v20;
	v20 =	vor.u32 $0x10, v0  }
0x3e: {  	vm12 =	veq.f32 v35, v17;
	v39 =	vsel vm11, v20, v37  }
0x3f: {  	v17 =	vsel vm12, v0, v39  }
0x40: {  	v40 =	vperm.xlane v17, v2;
	_ =	sdelay $0x1  }
0x41: {  	vm13 =	vlt.s32 v17, v40  }
0x42: {  	v17 =	vsel vm13, v17, v40  }
0x43: {  	s8 =	simm.s32 $0x280;
	[tilespmem:$0x280] =	vst v17  }
0x44: {  	v41 =	vld.idx.msk [tilespmem:v1+s8+$0x0], $0xffff;
	_ =	sdelay $0x4  }
0x45: {  	vm0 =	vlt.s32 v17, v41  }
0x46: {  	v17 =	vsel vm0, v17, v41  }
0x47: {  	[tilespmem:$0x280] =	vst v17  }
0x48: {  	v42 =	vld.idx.msk [tilespmem:v3+s8+$0x0], $0xffff;
	_ =	sdelay $0x4  }
0x49: {  	vm0 =	vlt.s32 v17, v42  }
0x4a: {  	v17 =	vsel vm0, v17, v42  }
0x4b: {  	[tilespmem:$0x280] =	vst v17  }
0x4c: {  	v43 =	vld.idx.msk [tilespmem:v4+s8+$0x0], $0xffff;
	_ =	sdelay $0x4  }
0x4d: {  	vm0 =	vlt.s32 v17, v43  }
0x4e: {  	v17 =	vsel vm0, v17, v43  }
0x4f: {  	vm0 =	veq.s32 v17, v0;
	vm14 =	veq.s32 v17, v20  }
0x50: {  	vm15 =	veq.s32 v17, v19;
	v35 =	vsel vm0, $0x7F800000, v35;
	v36 =	vsel vm14, $0x7F800000, v36  }
0x51: {  	vm4 =	veq.s32 v17, v18;
	v34 =	vsel vm15, $0x7F800000, v34;
	v44 =	vmin.f32 v35, v36  }
0x52: {  	vm5 =	veq.s32 v17, v16;
	v33 =	vsel vm4, $0x7F800000, v33;
	v37 =	vmin.f32 v44, v34  }
0x53: {  	vm6 =	veq.s32 v17, v15;
	v32 =	vsel vm5, $0x7F800000, v32;
	v37 =	vmin.f32 v37, v33  }
0x54: {  	vm7 =	veq.s32 v17, v14;
	v31 =	vsel vm6, $0x7F800000, v31;
	v37 =	vmin.f32 v37, v32  }
0x55: {  	vm8 =	veq.s32 v17, v13;
	v30 =	vsel vm7, $0x7F800000, v30;
	v37 =	vmin.f32 v37, v31  }
0x56: {  	vm9 =	veq.s32 v17, v12;
	v29 =	vsel vm8, $0x7F800000, v29;
	v37 =	vmin.f32 v37, v30  }
0x57: {  	vm10 =	veq.s32 v17, v11;
	v28 =	vsel vm9, $0x7F800000, v28;
	v37 =	vmin.f32 v37, v29  }
0x58: {  	vm11 =	veq.s32 v17, v10;
	v27 =	vsel vm10, $0x7F800000, v27;
	v37 =	vmin.f32 v37, v28  }
0x59: {  	vm12 =	veq.s32 v17, v9;
	v26 =	vsel vm11, $0x7F800000, v26;
	v37 =	vmin.f32 v37, v27  }
0x5a: {  	vm13 =	veq.s32 v17, v8;
	v25 =	vsel vm12, $0x7F800000, v25;
	v37 =	vmin.f32 v37, v26  }
0x5b: {  	v22 =	vsel vm13, $0x7F800000, v22;
	vm14 =	veq.s32 v17, v7;
	v37 =	vmin.f32 v37, v25  }
0x5c: {  	vm15 =	veq.s32 v17, v6;
	v23 =	vsel vm14, $0x7F800000, v23;
	v37 =	vmin.f32 v37, v22  }
0x5d: {  	vm4 =	veq.s32 v17, v5;
	v38 =	vsel vm15, $0x7F800000, v21;
	v45 =	vmin.f32 v37, v23  }
0x5e: {  	v24 =	vsel vm4, $0x7F800000, v24;
	v21 =	vmin.f32 v45, v38  }
0x5f: {  	v21 =	vmin.f32 v21, v24  }
0x60: {  	v46 =	vperm.xlane v21, v2;
	_ =	sdelay $0x1  }
0x61: {  	v21 =	vmin.f32 v21, v46  }
0x62: {  	[tilespmem:$0x200] =	vst v21  }
0x63: {  	v47 =	vld.idx.msk [tilespmem:v1+s30+$0x0], $0xffff;
	_ =	sdelay $0x4  }
0x64: {  	v21 =	vmin.f32 v21, v47  }
0x65: {  	[tilespmem:$0x200] =	vst v21  }
0x66: {  	v48 =	vld.idx.msk [tilespmem:v3+s30+$0x0], $0xffff;
	_ =	sdelay $0x4  }
0x67: {  	v21 =	vmin.f32 v21, v48  }
0x68: {  	[tilespmem:$0x200] =	vst v21  }
0x69: {  	v49 =	vld.idx.msk [tilespmem:v4+s30+$0x0], $0xffff;
	_ =	sdelay $0x4  }
0x6a: {  	v21 =	vmin.f32 v21, v49  }
0x6b: {  	vm0 =	veq.f32 v24, v21  }
0x6c: {  	vm5 =	veq.f32 v38, v21;
	v50 =	vnsel vm0, $0x100, v5  }
0x6d: {  	vm6 =	veq.f32 v23, v21;
	v37 =	vsel vm5, v6, v50  }
0x6e: {  	vm7 =	veq.f32 v22, v21;
	v37 =	vsel vm6, v7, v37  }
0x6f: {  	vm8 =	veq.f32 v25, v21;
	v37 =	vsel vm7, v8, v37  }
0x70: {  	vm9 =	veq.f32 v26, v21;
	v37 =	vsel vm8, v9, v37  }
0x71: {  	vm10 =	veq.f32 v27, v21;
	v37 =	vsel vm9, v10, v37  }
0x72: {  	vm11 =	veq.f32 v28, v21;
	v37 =	vsel vm10, v11, v37  }
0x73: {  	vm12 =	veq.f32 v29, v21;
	v37 =	vsel vm11, v12, v37  }
0x74: {  	vm13 =	veq.f32 v30, v21;
	v37 =	vsel vm12, v13, v37  }
0x75: {  	vm14 =	veq.f32 v31, v21;
	v37 =	vsel vm13, v14, v37  }
0x76: {  	vm15 =	veq.f32 v32, v21;
	v37 =	vsel vm14, v15, v37  }
0x77: {  	vm4 =	veq.f32 v33, v21;
	v37 =	vsel vm15, v16, v37  }
0x78: {  	vm5 =	veq.f32 v34, v21;
	v37 =	vsel vm4, v18, v37  }
0x79: {  	vm6 =	veq.f32 v36, v21;
	v37 =	vsel vm5, v19, v37  }
0x7a: {  	vm7 =	veq.f32 v35, v21;
	v51 =	vsel vm6, v20, v37  }
0x7b: {  	v21 =	vsel vm7, v0, v51  }
0x7c: {  	v52 =	vperm.xlane v21, v2;
	_ =	sdelay $0x1  }
0x7d: {  	vm8 =	vlt.s32 v21, v52  }
0x7e: {  	v21 =	vsel vm8, v21, v52  }
0x7f: {  	[tilespmem:$0x280] =	vst v21  }
0x80: {  	v53 =	vld.idx.msk [tilespmem:v1+s8+$0x0], $0xffff;
	_ =	sdelay $0x4  }
0x81: {  	vm0 =	vlt.s32 v21, v53  }
0x82: {  	v21 =	vsel vm0, v21, v53  }
0x83: {  	[tilespmem:$0x280] =	vst v21  }
0x84: {  	v54 =	vld.idx.msk [tilespmem:v3+s8+$0x0], $0xffff;
	_ =	sdelay $0x4  }
0x85: {  	vm0 =	vlt.s32 v21, v54  }
0x86: {  	v21 =	vsel vm0, v21, v54  }
0x87: {  	[tilespmem:$0x280] =	vst v21  }
0x88: {  	v55 =	vld.idx.msk [tilespmem:v4+s8+$0x0], $0xffff;
	_ =	sdelay $0x4  }
0x89: {  	vm0 =	vlt.s32 v21, v55  }
0x8a: {  	v21 =	vsel vm0, v21, v55  }
0x8b: {  	vm0 =	veq.s32 v21, v0;
	vm9 =	veq.s32 v21, v20  }
0x8c: {  	vm10 =	veq.s32 v21, v19;
	v35 =	vsel vm0, $0x7F800000, v35;
	v36 =	vsel vm9, $0x7F800000, v36  }
0x8d: {  	vm11 =	veq.s32 v21, v18;
	v34 =	vsel vm10, $0x7F800000, v34;
	v56 =	vmin.f32 v35, v36  }
0x8e: {  	vm12 =	veq.s32 v21, v16;
	v33 =	vsel vm11, $0x7F800000, v33;
	v37 =	vmin.f32 v56, v34  }
0x8f: {  	vm13 =	veq.s32 v21, v15;
	v32 =	vsel vm12, $0x7F800000, v32;
	v37 =	vmin.f32 v37, v33  }
0x90: {  	vm14 =	veq.s32 v21, v14;
	v31 =	vsel vm13, $0x7F800000, v31;
	v37 =	vmin.f32 v37, v32  }
0x91: {  	vm15 =	veq.s32 v21, v13;
	v30 =	vsel vm14, $0x7F800000, v30;
	v37 =	vmin.f32 v37, v31  }
0x92: {  	vm4 =	veq.s32 v21, v12;
	v29 =	vsel vm15, $0x7F800000, v29;
	v37 =	vmin.f32 v37, v30  }
0x93: {  	vm5 =	veq.s32 v21, v11;
	v28 =	vsel vm4, $0x7F800000, v28;
	v37 =	vmin.f32 v37, v29  }
0x94: {  	vm6 =	veq.s32 v21, v10;
	v27 =	vsel vm5, $0x7F800000, v27;
	v37 =	vmin.f32 v37, v28  }
0x95: {  	vm7 =	veq.s32 v21, v9;
	v26 =	vsel vm6, $0x7F800000, v26;
	v37 =	vmin.f32 v37, v27  }
0x96: {  	vm8 =	veq.s32 v21, v8;
	v25 =	vsel vm7, $0x7F800000, v25;
	v37 =	vmin.f32 v37, v26  }
0x97: {  	v39 =	vsel vm8, $0x7F800000, v22;
	vm9 =	veq.s32 v21, v7;
	v57 =	vmin.f32 v37, v25  }
0x98: {  	vm10 =	veq.s32 v21, v6;
	v23 =	vsel vm9, $0x7F800000, v23;
	v22 =	vmin.f32 v57, v39  }
0x99: {  	vm11 =	veq.s32 v21, v5;
	v58 =	vsel vm10, $0x7F800000, v38;
	v22 =	vmin.f32 v22, v23  }
0x9a: {  	v24 =	vsel vm11, $0x7F800000, v24;
	v22 =	vmin.f32 v22, v58  }
0x9b: {  	v22 =	vmin.f32 v22, v24  }
0x9c: {  	v59 =	vperm.xlane v22, v2;
	_ =	sdelay $0x1  }
0x9d: {  	v22 =	vmin.f32 v22, v59  }
0x9e: {  	[tilespmem:$0x200] =	vst v22  }
0x9f: {  	v60 =	vld.idx.msk [tilespmem:v1+s30+$0x0], $0xffff;
	_ =	sdelay $0x4  }
0xa0: {  	v22 =	vmin.f32 v22, v60  }
0xa1: {  	[tilespmem:$0x200] =	vst v22  }
0xa2: {  	v61 =	vld.idx.msk [tilespmem:v3+s30+$0x0], $0xffff;
	_ =	sdelay $0x4  }
0xa3: {  	v22 =	vmin.f32 v22, v61  }
0xa4: {  	[tilespmem:$0x200] =	vst v22  }
0xa5: {  	v62 =	vld.idx.msk [tilespmem:v4+s30+$0x0], $0xffff;
	_ =	sdelay $0x4  }
0xa6: {  	v22 =	vmin.f32 v22, v62  }
0xa7: {  	vm0 =	veq.f32 v24, v22  }
0xa8: {  	vm12 =	veq.f32 v58, v22;
	v63 =	vnsel vm0, $0x100, v5  }
0xa9: {  	vm13 =	veq.f32 v23, v22;
	v38 =	vsel vm12, v6, v63  }
0xaa: {  	vm14 =	veq.f32 v39, v22;
	v38 =	vsel vm13, v7, v38  }
0xab: {  	vm15 =	veq.f32 v25, v22;
	v38 =	vsel vm14, v8, v38  }
0xac: {  	vm4 =	veq.f32 v26, v22;
	v38 =	vsel vm15, v9, v38  }
0xad: {  	vm5 =	veq.f32 v27, v22;
	v38 =	vsel vm4, v10, v38  }
0xae: {  	vm6 =	veq.f32 v28, v22;
	v38 =	vsel vm5, v11, v38  }
0xaf: {  	vm7 =	veq.f32 v29, v22;
	v38 =	vsel vm6, v12, v38  }
0xb0: {  	vm8 =	veq.f32 v30, v22;
	v38 =	vsel vm7, v13, v38  }
0xb1: {  	vm9 =	veq.f32 v31, v22;
	v38 =	vsel vm8, v14, v38  }
0xb2: {  	vm10 =	veq.f32 v32, v22;
	v38 =	vsel vm9, v15, v38  }
0xb3: {  	vm11 =	veq.f32 v33, v22;
	v38 =	vsel vm10, v16, v38  }
0xb4: {  	vm12 =	veq.f32 v34, v22;
	v38 =	vsel vm11, v18, v38  }
0xb5: {  	vm13 =	veq.f32 v36, v22;
	v38 =	vsel vm12, v19, v38  }
0xb6: {  	vm14 =	veq.f32 v35, v22;
	v40 =	vsel vm13, v20, v38  }
0xb7: {  	v22 =	vsel vm14, v0, v40  }
0xb8: {  	v41 =	vperm.xlane v22, v2;
	_ =	sdelay $0x1  }
0xb9: {  	vm15 =	vlt.s32 v22, v41  }
0xba: {  	v22 =	vsel vm15, v22, v41  }
0xbb: {  	[tilespmem:$0x280] =	vst v22  }
0xbc: {  	v42 =	vld.idx.msk [tilespmem:v1+s8+$0x0], $0xffff;
	_ =	sdelay $0x4  }
0xbd: {  	vm0 =	vlt.s32 v22, v42  }
0xbe: {  	v22 =	vsel vm0, v22, v42  }
0xbf: {  	[tilespmem:$0x280] =	vst v22  }
0xc0: {  	v43 =	vld.idx.msk [tilespmem:v3+s8+$0x0], $0xffff;
	_ =	sdelay $0x4  }
0xc1: {  	vm0 =	vlt.s32 v22, v43  }
0xc2: {  	v22 =	vsel vm0, v22, v43  }
0xc3: {  	[tilespmem:$0x280] =	vst v22  }
0xc4: {  	v44 =	vld.idx.msk [tilespmem:v4+s8+$0x0], $0xffff;
	_ =	sdelay $0x4  }
0xc5: {  	vm0 =	vlt.s32 v22, v44  }
0xc6: {  	v22 =	vsel vm0, v22, v44  }
0xc7: {  	vm0 =	veq.s32 v22, v0;
	vm4 =	veq.s32 v22, v20  }
0xc8: {  	vm5 =	veq.s32 v22, v19;
	v35 =	vsel vm0, $0x7F800000, v35;
	v36 =	vsel vm4, $0x7F800000, v36  }
0xc9: {  	vm6 =	veq.s32 v22, v18;
	v34 =	vsel vm5, $0x7F800000, v34;
	v45 =	vmin.f32 v35, v36  }
0xca: {  	vm7 =	veq.s32 v22, v16;
	v33 =	vsel vm6, $0x7F800000, v33;
	v38 =	vmin.f32 v45, v34  }
0xcb: {  	vm8 =	veq.s32 v22, v15;
	v32 =	vsel vm7, $0x7F800000, v32;
	v38 =	vmin.f32 v38, v33  }
0xcc: {  	vm9 =	veq.s32 v22, v14;
	v31 =	vsel vm8, $0x7F800000, v31;
	v38 =	vmin.f32 v38, v32  }
0xcd: {  	vm10 =	veq.s32 v22, v13;
	v30 =	vsel vm9, $0x7F800000, v30;
	v38 =	vmin.f32 v38, v31  }
0xce: {  	vm11 =	veq.s32 v22, v12;
	v29 =	vsel vm10, $0x7F800000, v29;
	v38 =	vmin.f32 v38, v30  }
0xcf: {  	vm12 =	veq.s32 v22, v11;
	v28 =	vsel vm11, $0x7F800000, v28;
	v38 =	vmin.f32 v38, v29  }
0xd0: {  	vm13 =	veq.s32 v22, v10;
	v27 =	vsel vm12, $0x7F800000, v27;
	v38 =	vmin.f32 v38, v28  }
0xd1: {  	vm14 =	veq.s32 v22, v9;
	v26 =	vsel vm13, $0x7F800000, v26;
	v38 =	vmin.f32 v38, v27  }
0xd2: {  	vm15 =	veq.s32 v22, v8;
	v25 =	vsel vm14, $0x7F800000, v25;
	v38 =	vmin.f32 v38, v26  }
0xd3: {  	v39 =	vsel vm15, $0x7F800000, v39;
	vm4 =	veq.s32 v22, v7;
	v38 =	vmin.f32 v38, v25  }
0xd4: {  	vm5 =	veq.s32 v22, v6;
	v40 =	vsel vm4, $0x7F800000, v23;
	v46 =	vmin.f32 v38, v39  }
0xd5: {  	vm6 =	veq.s32 v22, v5;
	v37 =	vsel vm5, $0x7F800000, v58;
	v23 =	vmin.f32 v46, v40  }
0xd6: {  	v24 =	vsel vm6, $0x7F800000, v24;
	v23 =	vmin.f32 v23, v37  }
0xd7: {  	v23 =	vmin.f32 v23, v24  }
0xd8: {  	v47 =	vperm.xlane v23, v2;
	_ =	sdelay $0x1  }
0xd9: {  	v23 =	vmin.f32 v23, v47  }
0xda: {  	[tilespmem:$0x200] =	vst v23  }
0xdb: {  	v48 =	vld.idx.msk [tilespmem:v1+s30+$0x0], $0xffff;
	_ =	sdelay $0x4  }
0xdc: {  	v23 =	vmin.f32 v23, v48  }
0xdd: {  	[tilespmem:$0x200] =	vst v23  }
0xde: {  	v49 =	vld.idx.msk [tilespmem:v3+s30+$0x0], $0xffff;
	_ =	sdelay $0x4  }
0xdf: {  	v23 =	vmin.f32 v23, v49  }
0xe0: {  	[tilespmem:$0x200] =	vst v23  }
0xe1: {  	v50 =	vld.idx.msk [tilespmem:v4+s30+$0x0], $0xffff;
	_ =	sdelay $0x4  }
0xe2: {  	v23 =	vmin.f32 v23, v50  }
0xe3: {  	vm0 =	veq.f32 v24, v23  }
0xe4: {  	vm7 =	veq.f32 v37, v23;
	v51 =	vnsel vm0, $0x100, v5  }
0xe5: {  	vm8 =	veq.f32 v40, v23;
	v38 =	vsel vm7, v6, v51  }
0xe6: {  	vm9 =	veq.f32 v39, v23;
	v38 =	vsel vm8, v7, v38  }
0xe7: {  	vm10 =	veq.f32 v25, v23;
	v38 =	vsel vm9, v8, v38  }
0xe8: {  	vm11 =	veq.f32 v26, v23;
	v38 =	vsel vm10, v9, v38  }
0xe9: {  	vm12 =	veq.f32 v27, v23;
	v38 =	vsel vm11, v10, v38  }
0xea: {  	vm13 =	veq.f32 v28, v23;
	v38 =	vsel vm12, v11, v38  }
0xeb: {  	vm14 =	veq.f32 v29, v23;
	v38 =	vsel vm13, v12, v38  }
0xec: {  	vm15 =	veq.f32 v30, v23;
	v38 =	vsel vm14, v13, v38  }
0xed: {  	vm4 =	veq.f32 v31, v23;
	v38 =	vsel vm15, v14, v38  }
0xee: {  	vm5 =	veq.f32 v32, v23;
	v38 =	vsel vm4, v15, v38  }
0xef: {  	vm6 =	veq.f32 v33, v23;
	v38 =	vsel vm5, v16, v38  }
0xf0: {  	vm7 =	veq.f32 v34, v23;
	v38 =	vsel vm6, v18, v38  }
0xf1: {  	vm8 =	veq.f32 v36, v23;
	v38 =	vsel vm7, v19, v38  }
0xf2: {  	vm9 =	veq.f32 v35, v23;
	v52 =	vsel vm8, v20, v38  }
0xf3: {  	v23 =	vsel vm9, v0, v52  }
0xf4: {  	v53 =	vperm.xlane v23, v2;
	_ =	sdelay $0x1  }
0xf5: {  	vm10 =	vlt.s32 v23, v53  }
0xf6: {  	v23 =	vsel vm10, v23, v53  }
0xf7: {  	[tilespmem:$0x280] =	vst v23  }
0xf8: {  	v54 =	vld.idx.msk [tilespmem:v1+s8+$0x0], $0xffff;
	_ =	sdelay $0x4  }
0xf9: {  	vm0 =	vlt.s32 v23, v54  }
0xfa: {  	v23 =	vsel vm0, v23, v54  }
0xfb: {  	[tilespmem:$0x280] =	vst v23  }
0xfc: {  	v55 =	vld.idx.msk [tilespmem:v3+s8+$0x0], $0xffff;
	_ =	sdelay $0x4  }
0xfd: {  	vm0 =	vlt.s32 v23, v55  }
0xfe: {  	v23 =	vsel vm0, v23, v55  }
0xff: {  	[tilespmem:$0x280] =	vst v23  }
0x100: {  	v56 =	vld.idx.msk [tilespmem:v4+s8+$0x0], $0xffff;
	_ =	sdelay $0x4  }
0x101: {  	vm0 =	vlt.s32 v23, v56  }
0x102: {  	v23 =	vsel vm0, v23, v56  }
0x103: {  	vm0 =	veq.s32 v23, v0;
	vm11 =	veq.s32 v23, v20  }
0x104: {  	vm12 =	veq.s32 v23, v19;
	v35 =	vsel vm0, $0x7F800000, v35;
	v36 =	vsel vm11, $0x7F800000, v36  }
0x105: {  	vm13 =	veq.s32 v23, v18;
	v34 =	vsel vm12, $0x7F800000, v34;
	v57 =	vmin.f32 v35, v36  }
0x106: {  	vm14 =	veq.s32 v23, v16;
	v33 =	vsel vm13, $0x7F800000, v33;
	v38 =	vmin.f32 v57, v34  }
0x107: {  	vm15 =	veq.s32 v23, v15;
	v32 =	vsel vm14, $0x7F800000, v32;
	v38 =	vmin.f32 v38, v33  }
0x108: {  	vm4 =	veq.s32 v23, v14;
	v31 =	vsel vm15, $0x7F800000, v31;
	v38 =	vmin.f32 v38, v32  }
0x109: {  	vm5 =	veq.s32 v23, v13;
	v30 =	vsel vm4, $0x7F800000, v30;
	v38 =	vmin.f32 v38, v31  }
0x10a: {  	vm6 =	veq.s32 v23, v12;
	v29 =	vsel vm5, $0x7F800000, v29;
	v38 =	vmin.f32 v38, v30  }
0x10b: {  	vm7 =	veq.s32 v23, v11;
	v28 =	vsel vm6, $0x7F800000, v28;
	v38 =	vmin.f32 v38, v29  }
0x10c: {  	vm8 =	veq.s32 v23, v10;
	v27 =	vsel vm7, $0x7F800000, v27;
	v38 =	vmin.f32 v38, v28  }
0x10d: {  	vm9 =	veq.s32 v23, v9;
	v26 =	vsel vm8, $0x7F800000, v26;
	v38 =	vmin.f32 v38, v27  }
0x10e: {  	vm10 =	veq.s32 v23, v8;
	v25 =	vsel vm9, $0x7F800000, v25;
	v38 =	vmin.f32 v38, v26  }
0x10f: {  	v39 =	vsel vm10, $0x7F800000, v39;
	vm11 =	veq.s32 v23, v7;
	v38 =	vmin.f32 v38, v25  }
0x110: {  	vm12 =	veq.s32 v23, v6;
	v40 =	vsel vm11, $0x7F800000, v40;
	v38 =	vmin.f32 v38, v39  }
0x111: {  	vm13 =	veq.s32 v23, v5;
	v37 =	vsel vm12, $0x7F800000, v37;
	v38 =	vmin.f32 v38, v40  }
0x112: {  	v41 =	vsel vm13, $0x7F800000, v24;
	v58 =	vmin.f32 v38, v37  }
0x113: {  	v24 =	vmin.f32 v58, v41  }
0x114: {  	v59 =	vperm.xlane v24, v2;
	_ =	sdelay $0x1  }
0x115: {  	v24 =	vmin.f32 v24, v59  }
0x116: {  	[tilespmem:$0x200] =	vst v24  }
0x117: {  	v60 =	vld.idx.msk [tilespmem:v1+s30+$0x0], $0xffff;
	_ =	sdelay $0x4  }
0x118: {  	v24 =	vmin.f32 v24, v60  }
0x119: {  	[tilespmem:$0x200] =	vst v24  }
0x11a: {  	v61 =	vld.idx.msk [tilespmem:v3+s30+$0x0], $0xffff;
	_ =	sdelay $0x4  }
0x11b: {  	v24 =	vmin.f32 v24, v61  }
0x11c: {  	[tilespmem:$0x200] =	vst v24  }
0x11d: {  	v62 =	vld.idx.msk [tilespmem:v4+s30+$0x0], $0xffff;
	_ =	sdelay $0x4  }
0x11e: {  	v24 =	vmin.f32 v24, v62  }
0x11f: {  	vm0 =	veq.f32 v41, v24  }
0x120: {  	vm14 =	veq.f32 v37, v24;
	v63 =	vnsel vm0, $0x100, v5  }
0x121: {  	vm15 =	veq.f32 v40, v24;
	v38 =	vsel vm14, v6, v63  }
0x122: {  	vm4 =	veq.f32 v39, v24;
	v38 =	vsel vm15, v7, v38  }
0x123: {  	vm5 =	veq.f32 v25, v24;
	v38 =	vsel vm4, v8, v38  }
0x124: {  	vm6 =	veq.f32 v26, v24;
	v38 =	vsel vm5, v9, v38  }
0x125: {  	vm7 =	veq.f32 v27, v24;
	v38 =	vsel vm6, v10, v38  }
0x126: {  	vm8 =	veq.f32 v28, v24;
	v38 =	vsel vm7, v11, v38  }
0x127: {  	vm9 =	veq.f32 v29, v24;
	v38 =	vsel vm8, v12, v38  }
0x128: {  	vm10 =	veq.f32 v30, v24;
	v38 =	vsel vm9, v13, v38  }
0x129: {  	vm11 =	veq.f32 v31, v24;
	v38 =	vsel vm10, v14, v38  }
0x12a: {  	vm12 =	veq.f32 v32, v24;
	v38 =	vsel vm11, v15, v38  }
0x12b: {  	vm13 =	veq.f32 v33, v24;
	v38 =	vsel vm12, v16, v38  }
0x12c: {  	vm14 =	veq.f32 v34, v24;
	v38 =	vsel vm13, v18, v38  }
0x12d: {  	vm15 =	veq.f32 v36, v24;
	v38 =	vsel vm14, v19, v38  }
0x12e: {  	vm4 =	veq.f32 v35, v24;
	v38 =	vsel vm15, v20, v38  }
0x12f: {  	v24 =	vsel vm4, v0, v38  }
0x130: {  	v42 =	vperm.xlane v24, v2;
	_ =	sdelay $0x1  }
0x131: {  	vm5 =	vlt.s32 v24, v42  }
0x132: {  	v24 =	vsel vm5, v24, v42  }
0x133: {  	[tilespmem:$0x280] =	vst v24  }
0x134: {  	v43 =	vld.idx.msk [tilespmem:v1+s8+$0x0], $0xffff;
	_ =	sdelay $0x4  }
0x135: {  	vm0 =	vlt.s32 v24, v43  }
0x136: {  	v24 =	vsel vm0, v24, v43  }
0x137: {  	[tilespmem:$0x280] =	vst v24  }
0x138: {  	v44 =	vld.idx.msk [tilespmem:v3+s8+$0x0], $0xffff;
	_ =	sdelay $0x4  }
0x139: {  	vm0 =	vlt.s32 v24, v44  }
0x13a: {  	v24 =	vsel vm0, v24, v44  }
0x13b: {  	[tilespmem:$0x280] =	vst v24  }
0x13c: {  	v45 =	vld.idx.msk [tilespmem:v4+s8+$0x0], $0xffff;
	_ =	sdelay $0x4  }
0x13d: {  	vm0 =	vlt.s32 v24, v45  }
0x13e: {  	v24 =	vsel vm0, v24, v45  }
0x13f: {  	vm0 =	veq.s32 v24, v0;
	vm6 =	veq.s32 v24, v20  }
0x140: {  	vm7 =	veq.s32 v24, v19;
	v35 =	vsel vm0, $0x7F800000, v35;
	v36 =	vsel vm6, $0x7F800000, v36  }
0x141: {  	vm8 =	veq.s32 v24, v18;
	v34 =	vsel vm7, $0x7F800000, v34;
	v46 =	vmin.f32 v35, v36  }
0x142: {  	vm9 =	veq.s32 v24, v16;
	v33 =	vsel vm8, $0x7F800000, v33;
	v38 =	vmin.f32 v46, v34  }
0x143: {  	vm10 =	veq.s32 v24, v15;
	v32 =	vsel vm9, $0x7F800000, v32;
	v38 =	vmin.f32 v38, v33  }
0x144: {  	vm11 =	veq.s32 v24, v14;
	v31 =	vsel vm10, $0x7F800000, v31;
	v38 =	vmin.f32 v38, v32  }
0x145: {  	vm12 =	veq.s32 v24, v13;
	v30 =	vsel vm11, $0x7F800000, v30;
	v38 =	vmin.f32 v38, v31  }
0x146: {  	vm13 =	veq.s32 v24, v12;
	v29 =	vsel vm12, $0x7F800000, v29;
	v38 =	vmin.f32 v38, v30  }
0x147: {  	vm14 =	veq.s32 v24, v11;
	v28 =	vsel vm13, $0x7F800000, v28;
	v38 =	vmin.f32 v38, v29  }
0x148: {  	vm15 =	veq.s32 v24, v10;
	v27 =	vsel vm14, $0x7F800000, v27;
	v38 =	vmin.f32 v38, v28  }
0x149: {  	vm4 =	veq.s32 v24, v9;
	v26 =	vsel vm15, $0x7F800000, v26;
	v38 =	vmin.f32 v38, v27  }
0x14a: {  	vm5 =	veq.s32 v24, v8;
	v25 =	vsel vm4, $0x7F800000, v25;
	v38 =	vmin.f32 v38, v26  }
0x14b: {  	v39 =	vsel vm5, $0x7F800000, v39;
	vm6 =	veq.s32 v24, v7;
	v38 =	vmin.f32 v38, v25  }
0x14c: {  	vm7 =	veq.s32 v24, v6;
	v40 =	vsel vm6, $0x7F800000, v40;
	v38 =	vmin.f32 v38, v39  }
0x14d: {  	vm8 =	veq.s32 v24, v5;
	v37 =	vsel vm7, $0x7F800000, v37;
	v38 =	vmin.f32 v38, v40  }
0x14e: {  	v41 =	vsel vm8, $0x7F800000, v41;
	v38 =	vmin.f32 v38, v37  }
0x14f: {  	v38 =	vmin.f32 v38, v41  }
0x150: {  	v42 =	vperm.xlane v38, v2;
	_ =	sdelay $0x1  }
0x151: {  	v38 =	vmin.f32 v38, v42  }
0x152: {  	[tilespmem:$0x200] =	vst v38  }
0x153: {  	v47 =	vld.idx.msk [tilespmem:v1+s30+$0x0], $0xffff;
	_ =	sdelay $0x4  }
0x154: {  	v38 =	vmin.f32 v38, v47  }
0x155: {  	[tilespmem:$0x200] =	vst v38  }
0x156: {  	v48 =	vld.idx.msk [tilespmem:v3+s30+$0x0], $0xffff;
	_ =	sdelay $0x4  }
0x157: {  	v38 =	vmin.f32 v38, v48  }
0x158: {  	[tilespmem:$0x200] =	vst v38  }
0x159: {  	v49 =	vld.idx.msk [tilespmem:v4+s30+$0x0], $0xffff;
	_ =	sdelay $0x4  }
0x15a: {  	v38 =	vmin.f32 v38, v49  }
0x15b: {  	vm0 =	veq.f32 v41, v38  }
0x15c: {  	vm9 =	veq.f32 v37, v38;
	v50 =	vnsel vm0, $0x100, v5  }
0x15d: {  	vm10 =	veq.f32 v40, v38;
	v42 =	vsel vm9, v6, v50  }
0x15e: {  	vm11 =	veq.f32 v39, v38;
	v42 =	vsel vm10, v7, v42  }
0x15f: {  	vm12 =	veq.f32 v25, v38;
	v42 =	vsel vm11, v8, v42  }
0x160: {  	vm13 =	veq.f32 v26, v38;
	v42 =	vsel vm12, v9, v42  }
0x161: {  	vm14 =	veq.f32 v27, v38;
	v42 =	vsel vm13, v10, v42  }
0x162: {  	vm15 =	veq.f32 v28, v38;
	v42 =	vsel vm14, v11, v42  }
0x163: {  	vm4 =	veq.f32 v29, v38;
	v42 =	vsel vm15, v12, v42  }
0x164: {  	vm5 =	veq.f32 v30, v38;
	v42 =	vsel vm4, v13, v42  }
0x165: {  	vm6 =	veq.f32 v31, v38;
	v42 =	vsel vm5, v14, v42  }
0x166: {  	vm7 =	veq.f32 v32, v38;
	v42 =	vsel vm6, v15, v42  }
0x167: {  	vm8 =	veq.f32 v33, v38;
	v42 =	vsel vm7, v16, v42  }
0x168: {  	vm9 =	veq.f32 v34, v38;
	v42 =	vsel vm8, v18, v42  }
0x169: {  	vm10 =	veq.f32 v36, v38;
	v42 =	vsel vm9, v19, v42  }
0x16a: {  	vm11 =	veq.f32 v35, v38;
	v51 =	vsel vm10, v20, v42  }
0x16b: {  	v38 =	vsel vm11, v0, v51  }
0x16c: {  	v52 =	vperm.xlane v38, v2;
	_ =	sdelay $0x1  }
0x16d: {  	vm12 =	vlt.s32 v38, v52  }
0x16e: {  	v38 =	vsel vm12, v38, v52  }
0x16f: {  	[tilespmem:$0x280] =	vst v38  }
0x170: {  	v53 =	vld.idx.msk [tilespmem:v1+s8+$0x0], $0xffff;
	_ =	sdelay $0x4  }
0x171: {  	vm0 =	vlt.s32 v38, v53  }
0x172: {  	v38 =	vsel vm0, v38, v53  }
0x173: {  	[tilespmem:$0x280] =	vst v38  }
0x174: {  	v54 =	vld.idx.msk [tilespmem:v3+s8+$0x0], $0xffff;
	_ =	sdelay $0x4  }
0x175: {  	vm0 =	vlt.s32 v38, v54  }
0x176: {  	v38 =	vsel vm0, v38, v54  }
0x177: {  	[tilespmem:$0x280] =	vst v38  }
0x178: {  	v55 =	vld.idx.msk [tilespmem:v4+s8+$0x0], $0xffff;
	_ =	sdelay $0x4  }
0x179: {  	vm0 =	vlt.s32 v38, v55  }
0x17a: {  	v38 =	vsel vm0, v38, v55  }
0x17b: {  	vm0 =	veq.s32 v38, v0;
	vm13 =	veq.s32 v38, v20  }
0x17c: {  	vm14 =	veq.s32 v38, v19;
	v35 =	vsel vm0, $0x7F800000, v35;
	v36 =	vsel vm13, $0x7F800000, v36  }
0x17d: {  	vm15 =	veq.s32 v38, v18;
	v34 =	vsel vm14, $0x7F800000, v34;
	v56 =	vmin.f32 v35, v36  }
0x17e: {  	vm4 =	veq.s32 v38, v16;
	v33 =	vsel vm15, $0x7F800000, v33;
	v42 =	vmin.f32 v56, v34  }
0x17f: {  	vm5 =	veq.s32 v38, v15;
	v32 =	vsel vm4, $0x7F800000, v32;
	v42 =	vmin.f32 v42, v33  }
0x180: {  	vm6 =	veq.s32 v38, v14;
	v31 =	vsel vm5, $0x7F800000, v31;
	v42 =	vmin.f32 v42, v32  }
0x181: {  	vm7 =	veq.s32 v38, v13;
	v30 =	vsel vm6, $0x7F800000, v30;
	v42 =	vmin.f32 v42, v31  }
0x182: {  	vm8 =	veq.s32 v38, v12;
	v29 =	vsel vm7, $0x7F800000, v29;
	v42 =	vmin.f32 v42, v30  }
0x183: {  	vm9 =	veq.s32 v38, v11;
	v28 =	vsel vm8, $0x7F800000, v28;
	v42 =	vmin.f32 v42, v29  }
0x184: {  	vm10 =	veq.s32 v38, v10;
	v27 =	vsel vm9, $0x7F800000, v27;
	v42 =	vmin.f32 v42, v28  }
0x185: {  	vm11 =	veq.s32 v38, v9;
	v26 =	vsel vm10, $0x7F800000, v26;
	v42 =	vmin.f32 v42, v27  }
0x186: {  	vm12 =	veq.s32 v38, v8;
	v25 =	vsel vm11, $0x7F800000, v25;
	v42 =	vmin.f32 v42, v26  }
0x187: {  	v39 =	vsel vm12, $0x7F800000, v39;
	vm13 =	veq.s32 v38, v7;
	v42 =	vmin.f32 v42, v25  }
0x188: {  	vm14 =	veq.s32 v38, v6;
	v40 =	vsel vm13, $0x7F800000, v40;
	v42 =	vmin.f32 v42, v39  }
0x189: {  	vm15 =	veq.s32 v38, v5;
	v37 =	vsel vm14, $0x7F800000, v37;
	v42 =	vmin.f32 v42, v40  }
0x18a: {  	v41 =	vsel vm15, $0x7F800000, v41;
	v42 =	vmin.f32 v42, v37  }
0x18b: {  	v42 =	vmin.f32 v42, v41  }
0x18c: {  	v43 =	vperm.xlane v42, v2;
	_ =	sdelay $0x1  }
0x18d: {  	v42 =	vmin.f32 v42, v43  }
0x18e: {  	[tilespmem:$0x200] =	vst v42  }
0x18f: {  	v57 =	vld.idx.msk [tilespmem:v1+s30+$0x0], $0xffff;
	_ =	sdelay $0x4  }
0x190: {  	v42 =	vmin.f32 v42, v57  }
0x191: {  	[tilespmem:$0x200] =	vst v42  }
0x192: {  	v58 =	vld.idx.msk [tilespmem:v3+s30+$0x0], $0xffff;
	_ =	sdelay $0x4  }
0x193: {  	v42 =	vmin.f32 v42, v58  }
0x194: {  	[tilespmem:$0x200] =	vst v42  }
0x195: {  	v59 =	vld.idx.msk [tilespmem:v4+s30+$0x0], $0xffff;
	_ =	sdelay $0x4  }
0x196: {  	v42 =	vmin.f32 v42, v59  }
0x197: {  	vm0 =	veq.f32 v41, v42  }
0x198: {  	vm4 =	veq.f32 v37, v42;
	v5 =	vnsel vm0, $0x100, v5  }
0x199: {  	vm5 =	veq.f32 v40, v42;
	v5 =	vsel vm4, v6, v5  }
0x19a: {  	vm6 =	veq.f32 v39, v42;
	v5 =	vsel vm5, v7, v5  }
0x19b: {  	vm7 =	veq.f32 v25, v42;
	v5 =	vsel vm6, v8, v5  }
0x19c: {  	vm8 =	veq.f32 v26, v42;
	v5 =	vsel vm7, v9, v5  }
0x19d: {  	vm9 =	veq.f32 v27, v42;
	v5 =	vsel vm8, v10, v5  }
0x19e: {  	vm10 =	veq.f32 v28, v42;
	v5 =	vsel vm9, v11, v5  }
0x19f: {  	vm11 =	veq.f32 v29, v42;
	v5 =	vsel vm10, v12, v5  }
0x1a0: {  	vm12 =	veq.f32 v30, v42;
	v5 =	vsel vm11, v13, v5  }
0x1a1: {  	vm13 =	veq.f32 v31, v42;
	v5 =	vsel vm12, v14, v5  }
0x1a2: {  	vm14 =	veq.f32 v32, v42;
	v5 =	vsel vm13, v15, v5  }
0x1a3: {  	vm15 =	veq.f32 v33, v42;
	v5 =	vsel vm14, v16, v5  }
0x1a4: {  	vm4 =	veq.f32 v34, v42;
	v5 =	vsel vm15, v18, v5  }
0x1a5: {  	vm5 =	veq.f32 v36, v42;
	v5 =	vsel vm4, v19, v5  }
0x1a6: {  	vm6 =	veq.f32 v35, v42;
	v5 =	vsel vm5, v20, v5  }
0x1a7: {  	v5 =	vsel vm6, v0, v5  }
0x1a8: {  	v2 =	vperm.xlane v5, v2;
	_ =	sdelay $0x1  }
0x1a9: {  	vm7 =	vlt.s32 v5, v2  }
0x1aa: {  	v2 =	vsel vm7, v5, v2  }
0x1ab: {  	[tilespmem:$0x280] =	vst v2  }
0x1ac: {  	v1 =	vld.idx.msk [tilespmem:v1+s8+$0x0], $0xffff;
	_ =	sdelay $0x4  }
0x1ad: {  	vm0 =	vlt.s32 v2, v1  }
0x1ae: {  	v1 =	vsel vm0, v2, v1  }
0x1af: {  	[tilespmem:$0x280] =	vst v1  }
0x1b0: {  	v60 =	vld.idx.msk [tilespmem:v3+s8+$0x0], $0xffff;
	_ =	sdelay $0x4  }
0x1b1: {  	vm0 =	vlt.s32 v1, v60  }
0x1b2: {  	v1 =	vsel vm0, v1, v60  }
0x1b3: {  	v62 =	vimm.s32 $0x7;
	[tilespmem:$0x280] =	vst v1  }
0x1b4: {  	v61 =	vld.idx.msk [tilespmem:v4+s8+$0x0], $0xffff;
	[tilespmem:$0x100] =	vst v62  }
0x1b5: {  	[tilespmem:$0x110] =	vst v62  }
0x1b6: {  	[tilespmem:$0x120] =	vst v62  }
0x1b7: {  	[tilespmem:$0x130] =	vst v62  }
0x1b8: {  	vm8 =	vmmov $0x1;
	[tilespmem:$0x140] =	vst v62  }
0x1b9: {  	v63 =	vnsel vm8, $0x0, v17;
	vm9 =	vcmask $0x31C;
	[tilespmem:$0x150] =	vst v62  }
0x1ba: {  	vm10 =	vcmask $0x71C;
	v4 =	vsel vm9, v63, v21;
	[tilespmem:$0x160] =	vst v62  }
0x1bb: {  	vm11 =	vcmask $0xB1C;
	[tilespmem:$0x170] =	vst v62;
	v4 =	vsel vm10, v4, v22  }
0x1bc: {  	vm12 =	vcmask $0xF1C;
	[tilespmem:$0x180] =	vst v62;
	v4 =	vsel vm11, v4, v23  }
0x1bd: {  	vm13 =	vcmask $0x131C;
	[tilespmem:$0x190] =	vst v62;
	v4 =	vsel vm12, v4, v24;
	vm14 =	vlt.s32 v1, v61  }
0x1be: {  	vm15 =	vcmask $0x171C;
	[tilespmem:$0x1A0] =	vst v62;
	v4 =	vsel vm13, v4, v38;
	v1 =	vsel vm14, v1, v61  }
0x1bf: {  	[tilespmem:$0x1B0] =	vst v62;
	v1 =	vsel vm15, v4, v1  }
0x1c0: {  	[tilespmem:$0x1C0] =	vst v62  }
0x1c1: {  	[tilespmem:$0x1D0] =	vst v62  }
0x1c2: {  	[tilespmem:$0x1E0] =	vst v62  }
0x1c3: {  	s31 =	simm.s32 $0x100;
	[tilespmem:$0x1F0] =	vst v62  }
0x1c4: {  	s2 =	sadd.s32 s2, s3;
	[tilespmem:v1+s31+$0x0] =	vst.idx.msk $0x7f, v0  }
0x1c5: {  	[hbm4b:s2+s26] =	stream.strided.scatter [tilespmem:s31], [sflag:$0x1], $0x100, s28, s26, $0x38;
	[tilespmem:$0x300] =	vst v63  }
0x1c6: {  	_ =	swait.ge [sflag:s29], $0x100  }
0x1c7: {  	[sflag:s29] =	ssyncset.done $0x0  }
0x1c8: {  	[sflag:s29] =	ssyncadd.s32 $0xFFFFFF00  }
0x1c9: {  	_ =	sfence.sel $0x180000  }
0x1ca: {  	[bflag:$0x0] =	sbarrier.arrive $0xFFFF  }
0x1cb: {  	p0 =	sne.s32 s1, $0x0;
	_ =	strace $0x90000047  }
0x1cc: {  	s0 =	sadd.s32 @!p0 $0x100000, s0;
	[bflag:$0x2] =	sbarrier.arrive $0xFFFF  }
0x1cd: {  	[sflag:s0] =	ssyncadd.tile.s32 @!p0 $0x1;
	_ =	shalt  }
.Lfunc_end2:
_tile_overlayer_lowered:
.L_overlay_start_2:
0x1ce: {  	(tag) =	ssettag $0x2  }
0x1cf: {  	s0 =	rddreg [dreg:$0x0];
	s2 =	stileid.u32  }
0x1d0: {  	s1 =	rddreg [dreg:$0x1];
	p0 =	sne.s32 s2, $0x0  }
0x1d1: {  	s3 =	rddreg [dreg:$0x2];
	[bflag:$0x3] =	sbarrier.arrive $0xFFFF;
	s2 =	simm.s32 @!p0 $0x1C01  }
0x1d2: {  	[timem:s3], [sflag:s2] =	dma.local @!p0 [hbm:s0], s1  }
0x1d3: {  	s0 =	simm.s32 @!p0 $0x1  }
0x1d4: {  	_ =	swait.ge @!p0 [sflag:s0], s1  }
0x1d5: {  	s1 =	ssub.s32 @!p0 $0x0, s1;
	[sflag:s0] =	ssyncset.done @!p0 $0x0  }
0x1d6: {  	[sflag:s0] =	ssyncadd.s32 @!p0 s1  }
0x1d7: {  	[bflag:$0x3] =	sbarrier.arrive $0xFFFF  }
0x1d8: {  	_ =	shalt  }

</sc_bundles>
